<compile_context>
chip_gen: v7x
topology: tpu7x:2x2x1
jax: 0.10.2.dev20260603
libtpu: 0.0.44.dev20260713+nightly
codegen_flags: <defaults>
</compile_context>

<pallas_src>
import functools

import jax
import jax.numpy as jnp
from jax import lax
from jax.experimental import pallas as pl
from jax.experimental.pallas import tpu as pltpu
from jax.experimental.pallas import tpu_sc as plsc

NC = 2
NS = 16
NW = NC * NS
K = 128


def _sc_mesh():
    return plsc.VectorSubcoreMesh(core_axis_name="c", subcore_axis_name="s")


def _make_deg_kernel(np_, ch):
    rows = np_ // NS

    @functools.partial(
        pl.kernel,
        mesh=_sc_mesh(),
        out_type=(jax.ShapeDtypeStruct((NC * np_,), jnp.float32),
                  jax.ShapeDtypeStruct((NC * np_,), jnp.float32)),
        scratch_types=[
            pltpu.VMEM((ch, K), jnp.int32),
            pltpu.VMEM((ch, K), jnp.int32),
            pltpu.VMEM((K,), jnp.float32),
            pltpu.VMEM_SHARED((np_,), jnp.float32),
            pltpu.VMEM_SHARED((np_,), jnp.float32),
            pltpu.SemaphoreType.DMA,
        ],
    )
    def deg_kernel(src_h, dst_h, ones_h, z_h, do_h, di_h, src_v, dst_v,
                   ones_v, acc_o, acc_i, sems):
        cid = lax.axis_index("c")
        sid = lax.axis_index("s")
        wid = sid * NC + cid
        r0 = pl.multiple_of(sid * rows, 128)
        pltpu.sync_copy(src_h.at[pl.ds(wid * ch, ch)], src_v)
        pltpu.sync_copy(dst_h.at[pl.ds(wid * ch, ch)], dst_v)
        pltpu.sync_copy(ones_h, ones_v)
        pltpu.sync_copy(z_h, acc_o.at[pl.ds(r0, rows)])
        pltpu.sync_copy(z_h, acc_i.at[pl.ds(r0, rows)])
        plsc.subcore_barrier()

        def body(j, carry):
            cp = pltpu.async_copy(ones_v, acc_o.at[src_v.at[j]], sems,
                                  add=True)
            pltpu.sync_copy(ones_v, acc_i.at[dst_v.at[j]], add=True)
            cp.wait()
            return carry

        lax.fori_loop(0, ch, body, 0)
        plsc.subcore_barrier()
        o0 = pl.multiple_of(cid * np_ + r0, 128)
        pltpu.sync_copy(acc_o.at[pl.ds(r0, rows)], do_h.at[pl.ds(o0, rows)])
        pltpu.sync_copy(acc_i.at[pl.ds(r0, rows)], di_h.at[pl.ds(o0, rows)])

    return deg_kernel


def _make_agg_kernel(np_, d, ch):
    rows = np_ // NS

    @functools.partial(
        pl.kernel,
        mesh=_sc_mesh(),
        out_type=jax.ShapeDtypeStruct((NC, np_, d), jnp.float32),
        scratch_types=[
            pltpu.VMEM((ch, K), jnp.int32),
            pltpu.VMEM((2, K), jnp.int32),
            pltpu.VMEM((K, d), jnp.float32),
            pltpu.VMEM((K, d), jnp.float32),
            pltpu.VMEM_SHARED((np_, d), jnp.float32),
            pltpu.SemaphoreType.DMA,
            pltpu.SemaphoreType.DMA,
        ],
    )
    def agg_kernel(h_h, src_h, dst_h, z_h, out_h, src_v, dring,
                   rows_a, rows_b, acc, sem, semd):
        cid = lax.axis_index("c")
        sid = lax.axis_index("s")
        wid = sid * NC + cid
        r0 = pl.multiple_of(sid * rows, 128)
        b0 = wid * ch
        cpz = pltpu.async_copy(z_h, acc.at[pl.ds(r0, rows)], semd)
        pltpu.sync_copy(src_h.at[pl.ds(b0, ch)], src_v)
        cp0 = pltpu.async_copy(h_h.at[src_v.at[0]], rows_a, sem)
        pltpu.sync_copy(dst_h.at[b0], dring.at[0])
        cpz.wait()
        plsc.subcore_barrier()

        cp0.wait()

        def body2(i, carry):
            j = i * 2
            cp = pltpu.async_copy(h_h.at[src_v.at[j + 1]], rows_b, sem)
            cpd = pltpu.async_copy(dst_h.at[b0 + j + 1], dring.at[1], semd)
            pltpu.sync_copy(rows_a, acc.at[dring.at[0]], add=True)
            cp.wait()
            cpd.wait()
            cp = pltpu.async_copy(h_h.at[src_v.at[j + 2]], rows_a, sem)
            cpd = pltpu.async_copy(dst_h.at[b0 + j + 2], dring.at[0], semd)
            pltpu.sync_copy(rows_b, acc.at[dring.at[1]], add=True)
            cp.wait()
            cpd.wait()
            return carry

        lax.fori_loop(0, (ch - 2) // 2, body2, 0)
        cp = pltpu.async_copy(h_h.at[src_v.at[ch - 1]], rows_b, sem)
        cpd = pltpu.async_copy(dst_h.at[b0 + ch - 1], dring.at[1], semd)
        pltpu.sync_copy(rows_a, acc.at[dring.at[0]], add=True)
        cp.wait()
        cpd.wait()
        pltpu.sync_copy(rows_b, acc.at[dring.at[1]], add=True)

        plsc.subcore_barrier()
        pltpu.sync_copy(acc.at[pl.ds(r0, rows)],
                        out_h.at[cid, pl.ds(r0, rows)])

    return agg_kernel


def _mm_tc(x, w):
    n = x.shape[0]
    h_dim = w.shape[1]

    def body(x_ref, w_ref, m_ref):
        m_ref[...] = jnp.dot(x_ref[...], w_ref[...],
                             preferred_element_type=jnp.float32)

    return pl.pallas_call(
        body,
        out_shape=jax.ShapeDtypeStruct((n, h_dim), jnp.float32),
    )(x, w)


def _norm_scale_tc(deg_o, deg_i, m, np_):
    n, h_dim = m.shape

    def body(do_ref, di_ref, m_ref, ns_ref, nd_ref, h_ref):
        dout = do_ref[0, :n] + do_ref[1, :n]
        din = di_ref[0, :n] + di_ref[1, :n]
        ns = jnp.where(dout > 0, lax.rsqrt(jnp.maximum(dout, 1.0)), 0.0)
        nd = jnp.where(din > 0, lax.rsqrt(jnp.maximum(din, 1.0)), 0.0)
        ns_ref[...] = ns
        nd_ref[...] = nd
        h_ref[:n] = m_ref[...] * ns[:, None]
        h_ref[n:] = jnp.zeros((np_ - n, h_dim), jnp.float32)

    return pl.pallas_call(
        body,
        out_shape=(
            jax.ShapeDtypeStruct((n,), jnp.float32),
            jax.ShapeDtypeStruct((n,), jnp.float32),
            jax.ShapeDtypeStruct((np_, h_dim), jnp.float32),
        ),
    )(deg_o, deg_i, m)


def _post_pre_tc(p, nd, b, g, bt, ns, w, np_):
    n = nd.shape[0]
    h_dim = w.shape[1]

    def body(p_ref, nd_ref, b_ref, g_ref, bt_ref, ns_ref, w_ref, h_ref):
        a = ((p_ref[0, :n] + p_ref[1, :n]) * nd_ref[...][:, None] + b_ref[...])
        mean = jnp.mean(a, axis=0)
        var = jnp.mean((a - mean) ** 2, axis=0)
        y = g_ref[...] * (a - mean) * lax.rsqrt(var + 1e-5) + bt_ref[...]
        y = jnp.maximum(y, 0.0)
        h_ref[:n] = jnp.dot(y * ns_ref[...][:, None], w_ref[...],
                            preferred_element_type=jnp.float32)
        h_ref[n:] = jnp.zeros((np_ - n, h_dim), jnp.float32)

    return pl.pallas_call(
        body,
        out_shape=jax.ShapeDtypeStruct((np_, h_dim), jnp.float32),
    )(p, nd, b, g, bt, ns, w)


def _post_pre_nomm_tc(p, nd, b, g, bt, ns, np_):
    n, d = nd.shape[0], p.shape[2]

    def body(p_ref, nd_ref, b_ref, g_ref, bt_ref, ns_ref, t_ref):
        a = ((p_ref[0, :n] + p_ref[1, :n]) * nd_ref[...][:, None] + b_ref[...])
        mean = jnp.mean(a, axis=0)
        var = jnp.mean((a - mean) ** 2, axis=0)
        y = g_ref[...] * (a - mean) * lax.rsqrt(var + 1e-5) + bt_ref[...]
        y = jnp.maximum(y, 0.0)
        t_ref[:n] = y * ns_ref[...][:, None]
        t_ref[n:] = jnp.zeros((np_ - n, d), jnp.float32)

    return pl.pallas_call(
        body,
        out_shape=jax.ShapeDtypeStruct((np_, d), jnp.float32),
    )(p, nd, b, g, bt, ns)


def _final_tc(p, nd, w, b):
    n = nd.shape[0]
    c = w.shape[1]

    def body(p_ref, nd_ref, w_ref, b_ref, o_ref):
        agg = p_ref[0, :n] + p_ref[1, :n]
        o_ref[...] = (jnp.dot(agg, w_ref[...],
                              preferred_element_type=jnp.float32)
                      * nd_ref[...][:, None] + b_ref[...])

    return pl.pallas_call(
        body,
        out_shape=jax.ShapeDtypeStruct((n, c), jnp.float32),
    )(p, nd, w, b)


def kernel(in_feat, edge_index, W1, b1, g1, bt1, W2, b2, g2, bt2, W3, b3):
    n, d = in_feat.shape
    e = edge_index.shape[1]
    np_ = ((n + NS * 128 - 1) // (NS * 128)) * (NS * 128)
    npad = np_ - n
    assert npad > 0
    blk = NW * K
    ep = ((e + blk - 1) // blk) * blk
    if (ep // blk) % 2:
        ep += blk
    ch = ep // blk
    pad = ep - e

    pad_idx = (n + jnp.arange(pad, dtype=jnp.int32) % npad)
    src = jnp.concatenate([edge_index[0], pad_idx]).reshape(ep // K, K)
    dst = jnp.concatenate([edge_index[1], pad_idx]).reshape(ep // K, K)
    ones_k = jnp.ones((K,), jnp.float32)
    zeros1 = jnp.zeros((np_ // NS,), jnp.float32)
    zerosd = jnp.zeros((np_ // NS, d), jnp.float32)

    m1 = _mm_tc(in_feat, W1)
    deg_o, deg_i = _make_deg_kernel(np_, ch)(src, dst, ones_k, zeros1)
    deg_o = deg_o.reshape(NC, np_)
    deg_i = deg_i.reshape(NC, np_)
    ns, nd, h1 = _norm_scale_tc(deg_o, deg_i, m1, np_)

    agg = _make_agg_kernel(np_, d, ch)
    p1 = agg(h1, src, dst, zerosd)
    h2 = _post_pre_tc(p1, nd, b1, g1, bt1, ns, W2, np_)
    p2 = agg(h2, src, dst, zerosd)
    t3 = _post_pre_nomm_tc(p2, nd, b2, g2, bt2, ns, np_)
    p3 = agg(t3, src, dst, zerosd)
    return _final_tc(p3, nd, W3, b3)

# --- scband reference (transcript-rebuilt; emitter-appended) ---
"""Pipeline reference for scband-gcn-27101243638257 (READ-ONLY COPY).

The authoritative reference and input builder live on the scoring server;
editing this copy changes nothing except your own understanding.
"""

import jax, jax.numpy as jnp
import numpy as np

N = 10000
E = 320000
D = 128
H = 128
C = 40


def setup_inputs(seed: int = 0) -> dict:
    key = jax.random.key(seed)
    ks = jax.random.split(key, 13)
    x = jax.random.normal(ks[0], (N, D), dtype=jnp.float32)
    edge_index = jax.random.randint(ks[1], (2, E), 0, N, dtype=jnp.int32)
    W1 = jax.random.normal(ks[2], (D, H), dtype=jnp.float32) * (1.0 / np.sqrt(D))
    b1 = jnp.zeros((H,), dtype=jnp.float32)
    g1 = jnp.ones((H,), dtype=jnp.float32)
    bt1 = jnp.zeros((H,), dtype=jnp.float32)
    W2 = jax.random.normal(ks[3], (H, H), dtype=jnp.float32) * (1.0 / np.sqrt(H))
    b2 = jnp.zeros((H,), dtype=jnp.float32)
    g2 = jnp.ones((H,), dtype=jnp.float32)
    bt2 = jnp.zeros((H,), dtype=jnp.float32)
    W3 = jax.random.normal(ks[4], (H, C), dtype=jnp.float32) * (1.0 / np.sqrt(H))
    b3 = jnp.zeros((C,), dtype=jnp.float32)
    return {"in_feat": x, "edge_index": edge_index, "W1": W1, "b1": b1, "g1": g1, "bt1": bt1,
            "W2": W2, "b2": b2, "g2": g2, "bt2": bt2, "W3": W3, "b3": b3}


def _gcn_conv(x, W, b, src, dst, n):
    # DGL GraphConv with norm='both': D_out^{-1/2} on src, D_in^{-1/2} on dst
    ones = jnp.ones(src.shape, dtype=x.dtype)
    deg_out = jax.ops.segment_sum(ones, src, num_segments=n)
    deg_in = jax.ops.segment_sum(ones, dst, num_segments=n)
    norm_src = jnp.where(deg_out > 0, jax.lax.rsqrt(jnp.maximum(deg_out, 1.0)), 0.0)
    norm_dst = jnp.where(deg_in > 0, jax.lax.rsqrt(jnp.maximum(deg_in, 1.0)), 0.0)
    h = x * norm_src[:, None]
    h = h @ W
    msg = jnp.take(h, src, axis=0)
    agg = jax.ops.segment_sum(msg, dst, num_segments=n)
    return agg * norm_dst[:, None] + b


def _bn(h, gamma, beta):
    # BatchNorm1d in training mode: batch statistics over nodes
    mean = jnp.mean(h, axis=0)
    var = jnp.var(h, axis=0)
    return gamma * (h - mean) * jax.lax.rsqrt(var + 1e-5) + beta


def reference(in_feat, edge_index, W1, b1, g1, bt1, W2, b2, g2, bt2, W3, b3):
    src = edge_index[0]
    dst = edge_index[1]
    h = _gcn_conv(in_feat, W1, b1, src, dst, N)
    h = _bn(h, g1, bt1)
    h = jax.nn.relu(h)
    # dropout p=0.0 -> identity
    h = _gcn_conv(h, W2, b2, src, dst, N)
    h = _bn(h, g2, bt2)
    h = jax.nn.relu(h)
    h = _gcn_conv(h, W3, b3, src, dst, N)
    return h

if __name__ == "__main__":
    import jax
    _d = setup_inputs()
    print(jax.jit(kernel)(*tuple(_d.values())))

</pallas_src>

<mosaic_0001>
#map = affine_map<(d0, d1) -> (0, 0)>
#map1 = affine_map<(d0, d1) -> (0, 0, 0)>
module attributes {stable_mosaic.version = 14 : i64} {
  func.func @agg_kernel(%arg0: i32, %arg1: i32, %arg2: memref<10240x128xf32, #tpu.memory_space<hbm>>, %arg3: memref<2560x128xi32, #tpu.memory_space<hbm>>, %arg4: memref<2560x128xi32, #tpu.memory_space<hbm>>, %arg5: memref<640x128xf32, #tpu.memory_space<hbm>>, %arg6: memref<2x10240x128xf32, #tpu.memory_space<hbm>>, %arg7: memref<80x128xi32, #tpu.memory_space<vmem>>, %arg8: memref<2x128xi32, #tpu.memory_space<vmem>>, %arg9: memref<128x128xf32, #tpu.memory_space<vmem>>, %arg10: memref<128x128xf32, #tpu.memory_space<vmem>>, %arg11: memref<10240x128xf32, #tpu.memory_space<vmem_shared>>, %arg12: memref<!tpu.dma_semaphore, #tpu.memory_space<semaphore_mem>>, %arg13: memref<!tpu.dma_semaphore, #tpu.memory_space<semaphore_mem>>) attributes {dimension_semantics = [#tpu.dimension_semantics<core_parallel>, #tpu.dimension_semantics<subcore_parallel>], iteration_bounds = array<i64: 2, 16>, scalar_prefetch = 0 : i64, scratch_operands = 7 : i64, tpu.core_type = #tpu.core_type<sc_vector_subcore>, window_params = [{transform_indices = #map}, {transform_indices = #map}, {transform_indices = #map}, {transform_indices = #map}, {transform_indices = #map1}]} {
    %mul3A = arith.constant 2 : i32
    %mul3A_0 = arith.muli %arg1, %mul3A : i32
    %add3A = arith.addi %mul3A_0, %arg0 : i32
    %mul3A_1 = arith.constant 640 : i32
    %mul3A_2 = arith.muli %arg1, %mul3A_1 : i32
    %multiple_of3A = tpu.assume_multiple %mul3A_2, 128 : i32
    %mul3A_3 = arith.constant 80 : i32
    %mul3A_4 = arith.muli %add3A, %mul3A_3 : i32
    %dma_start3A = arith.constant 0 : i32
    %dma_start3A_5 = tpu.memref_slice %arg11[%multiple_of3A, %dma_start3A] : memref<10240x128xf32, #tpu.memory_space<vmem_shared>> -> memref<640x128xf32, #tpu.memory_space<vmem_shared>>
    tpu.enqueue_dma source(%arg5 : memref<640x128xf32, #tpu.memory_space<hbm>>) target(%dma_start3A_5 : memref<640x128xf32, #tpu.memory_space<vmem_shared>>) target_semaphore(%arg13 : memref<!tpu.dma_semaphore, #tpu.memory_space<semaphore_mem>>)
    "tpu.region"() ({
      %run_scoped3A_72 = tpu.sem_alloc : memref<!tpu.dma_semaphore, #tpu.memory_space<semaphore_mem>>
      %dma_start3A_73 = arith.constant 0 : i32
      %dma_start3A_74 = tpu.memref_slice %arg3[%mul3A_4, %dma_start3A_73] : memref<2560x128xi32, #tpu.memory_space<hbm>> -> memref<80x128xi32, #tpu.memory_space<hbm>>
      %dma_start3A_75 = arith.constant 0 : i32
      %dma_start3A_76 = tpu.memref_slice %arg3[%mul3A_4, %dma_start3A_75] : memref<2560x128xi32, #tpu.memory_space<hbm>> -> memref<80x128xi32, #tpu.memory_space<hbm>>
      tpu.enqueue_dma source(%dma_start3A_76 : memref<80x128xi32, #tpu.memory_space<hbm>>) target(%arg7 : memref<80x128xi32, #tpu.memory_space<vmem>>) target_semaphore(%run_scoped3A_72 : memref<!tpu.dma_semaphore, #tpu.memory_space<semaphore_mem>>)
      %dma_wait3A_77 = arith.constant 0 : i32
      %dma_wait3A_78 = tpu.memref_slice %arg3[%mul3A_4, %dma_wait3A_77] : memref<2560x128xi32, #tpu.memory_space<hbm>> -> memref<80x128xi32, #tpu.memory_space<hbm>>
      %dma_wait3A_79 = arith.constant 0 : i32
      %dma_wait3A_80 = tpu.memref_slice %arg3[%mul3A_4, %dma_wait3A_79] : memref<2560x128xi32, #tpu.memory_space<hbm>> -> memref<80x128xi32, #tpu.memory_space<hbm>>
      tpu.wait_dma2 semaphore(%run_scoped3A_72 : memref<!tpu.dma_semaphore, #tpu.memory_space<semaphore_mem>>) src(%dma_wait3A_80 : memref<80x128xi32, #tpu.memory_space<hbm>>) dst(%arg7 : memref<80x128xi32, #tpu.memory_space<vmem>>)
      tpu.yield
    }) : () -> ()
    %dma_start3A_6 = arith.constant 0 : i32
    %dma_start3A_7 = arith.constant 0 : i32
    %dma_start3A_8 = tpu.memref_slice %arg7[%dma_start3A_6, %dma_start3A_7] : memref<80x128xi32, #tpu.memory_space<vmem>> -> memref<1x128xi32, #tpu.memory_space<vmem>>
    %dma_start3A_9 = tpu.memref_squeeze %dma_start3A_8 : memref<1x128xi32, #tpu.memory_space<vmem>> -> memref<128xi32, #tpu.memory_space<vmem>>
    %dma_start3A_10 = arith.constant 0 : i32
    %dma_start3A_11 = arith.constant 0 : i32
    %dma_start3A_12 = tpu.memref_slice %arg2[%dma_start3A_10, %dma_start3A_11] : memref<10240x128xf32, #tpu.memory_space<hbm>> -> memref<10240x128xf32, #tpu.memory_space<hbm>>
    tpu.enqueue_indirect_dma source(%dma_start3A_12 : memref<10240x128xf32, #tpu.memory_space<hbm>>) target(%arg9 : memref<128x128xf32, #tpu.memory_space<vmem>>) offsets(%dma_start3A_9 : memref<128xi32, #tpu.memory_space<vmem>>) semaphore(%arg12 : memref<!tpu.dma_semaphore, #tpu.memory_space<semaphore_mem>>)
    %run_scoped3A = arith.constant 0 : i32
    "tpu.region"() ({
      %run_scoped3A_72 = tpu.sem_alloc : memref<!tpu.dma_semaphore, #tpu.memory_space<semaphore_mem>>
      %dma_start3A_73 = arith.constant 0 : i32
      %dma_start3A_74 = tpu.memref_slice %arg8[%run_scoped3A, %dma_start3A_73] : memref<2x128xi32, #tpu.memory_space<vmem>> -> memref<1x128xi32, #tpu.memory_space<vmem>>
      %dma_start3A_75 = tpu.memref_squeeze %dma_start3A_74 : memref<1x128xi32, #tpu.memory_space<vmem>> -> memref<128xi32, #tpu.memory_space<vmem>>
      %dma_start3A_76 = arith.constant 0 : i32
      %dma_start3A_77 = tpu.memref_slice %arg4[%mul3A_4, %dma_start3A_76] : memref<2560x128xi32, #tpu.memory_space<hbm>> -> memref<1x128xi32, #tpu.memory_space<hbm>>
      %dma_start3A_78 = tpu.memref_squeeze %dma_start3A_77 : memref<1x128xi32, #tpu.memory_space<hbm>> -> memref<128xi32, #tpu.memory_space<hbm>>
      %dma_start3A_79 = arith.constant 0 : i32
      %dma_start3A_80 = tpu.memref_slice %arg8[%run_scoped3A, %dma_start3A_79] : memref<2x128xi32, #tpu.memory_space<vmem>> -> memref<1x128xi32, #tpu.memory_space<vmem>>
      %dma_start3A_81 = tpu.memref_squeeze %dma_start3A_80 : memref<1x128xi32, #tpu.memory_space<vmem>> -> memref<128xi32, #tpu.memory_space<vmem>>
      %dma_start3A_82 = arith.constant 0 : i32
      %dma_start3A_83 = tpu.memref_slice %arg4[%mul3A_4, %dma_start3A_82] : memref<2560x128xi32, #tpu.memory_space<hbm>> -> memref<1x128xi32, #tpu.memory_space<hbm>>
      %dma_start3A_84 = tpu.memref_squeeze %dma_start3A_83 : memref<1x128xi32, #tpu.memory_space<hbm>> -> memref<128xi32, #tpu.memory_space<hbm>>
      tpu.enqueue_dma source(%dma_start3A_84 : memref<128xi32, #tpu.memory_space<hbm>>) target(%dma_start3A_81 : memref<128xi32, #tpu.memory_space<vmem>>) target_semaphore(%run_scoped3A_72 : memref<!tpu.dma_semaphore, #tpu.memory_space<semaphore_mem>>)
      %dma_wait3A_85 = arith.constant 0 : i32
      %dma_wait3A_86 = tpu.memref_slice %arg8[%run_scoped3A, %dma_wait3A_85] : memref<2x128xi32, #tpu.memory_space<vmem>> -> memref<1x128xi32, #tpu.memory_space<vmem>>
      %dma_wait3A_87 = tpu.memref_squeeze %dma_wait3A_86 : memref<1x128xi32, #tpu.memory_space<vmem>> -> memref<128xi32, #tpu.memory_space<vmem>>
      %dma_wait3A_88 = arith.constant 0 : i32
      %dma_wait3A_89 = tpu.memref_slice %arg4[%mul3A_4, %dma_wait3A_88] : memref<2560x128xi32, #tpu.memory_space<hbm>> -> memref<1x128xi32, #tpu.memory_space<hbm>>
      %dma_wait3A_90 = tpu.memref_squeeze %dma_wait3A_89 : memref<1x128xi32, #tpu.memory_space<hbm>> -> memref<128xi32, #tpu.memory_space<hbm>>
      %dma_wait3A_91 = arith.constant 0 : i32
      %dma_wait3A_92 = tpu.memref_slice %arg8[%run_scoped3A, %dma_wait3A_91] : memref<2x128xi32, #tpu.memory_space<vmem>> -> memref<1x128xi32, #tpu.memory_space<vmem>>
      %dma_wait3A_93 = tpu.memref_squeeze %dma_wait3A_92 : memref<1x128xi32, #tpu.memory_space<vmem>> -> memref<128xi32, #tpu.memory_space<vmem>>
      %dma_wait3A_94 = arith.constant 0 : i32
      %dma_wait3A_95 = tpu.memref_slice %arg4[%mul3A_4, %dma_wait3A_94] : memref<2560x128xi32, #tpu.memory_space<hbm>> -> memref<1x128xi32, #tpu.memory_space<hbm>>
      %dma_wait3A_96 = tpu.memref_squeeze %dma_wait3A_95 : memref<1x128xi32, #tpu.memory_space<hbm>> -> memref<128xi32, #tpu.memory_space<hbm>>
      tpu.wait_dma2 semaphore(%run_scoped3A_72 : memref<!tpu.dma_semaphore, #tpu.memory_space<semaphore_mem>>) src(%dma_wait3A_96 : memref<128xi32, #tpu.memory_space<hbm>>) dst(%dma_wait3A_93 : memref<128xi32, #tpu.memory_space<vmem>>)
      tpu.yield
    }) : () -> ()
    %dma_wait3A = arith.constant 0 : i32
    %dma_wait3A_13 = tpu.memref_slice %arg11[%multiple_of3A, %dma_wait3A] : memref<10240x128xf32, #tpu.memory_space<vmem_shared>> -> memref<640x128xf32, #tpu.memory_space<vmem_shared>>
    tpu.wait_dma2 semaphore(%arg13 : memref<!tpu.dma_semaphore, #tpu.memory_space<semaphore_mem>>) src(%arg5 : memref<640x128xf32, #tpu.memory_space<hbm>>) dst(%dma_wait3A_13 : memref<640x128xf32, #tpu.memory_space<vmem_shared>>)
    %barrier3A = arith.constant 0 : index
    tpu.barrier barrier_id(%barrier3A)
    %dma_wait3A_14 = arith.constant 0 : i32
    %dma_wait3A_15 = arith.constant 0 : i32
    %dma_wait3A_16 = tpu.memref_slice %arg7[%dma_wait3A_14, %dma_wait3A_15] : memref<80x128xi32, #tpu.memory_space<vmem>> -> memref<1x128xi32, #tpu.memory_space<vmem>>
    %dma_wait3A_17 = tpu.memref_squeeze %dma_wait3A_16 : memref<1x128xi32, #tpu.memory_space<vmem>> -> memref<128xi32, #tpu.memory_space<vmem>>
    %dma_wait3A_18 = arith.constant 0 : i32
    %dma_wait3A_19 = arith.constant 0 : i32
    %dma_wait3A_20 = tpu.memref_slice %arg2[%dma_wait3A_18, %dma_wait3A_19] : memref<10240x128xf32, #tpu.memory_space<hbm>> -> memref<10240x128xf32, #tpu.memory_space<hbm>>
    tpu.wait_indirect_dma semaphore(%arg12 : memref<!tpu.dma_semaphore, #tpu.memory_space<semaphore_mem>>) src(%dma_wait3A_20 : memref<10240x128xf32, #tpu.memory_space<hbm>>) dst(%arg9 : memref<128x128xf32, #tpu.memory_space<vmem>>)
    %scan3A = arith.constant 0 : i32
    %scan3A_21 = arith.constant 0 : i32
    %scan3A_22 = arith.constant 39 : i32
    %scan3A_23 = arith.addi %scan3A_21, %scan3A_22 : i32
    %scan3A_24 = arith.constant 1 : i32
    scf.for %scan3A_72 = %scan3A_21 to %scan3A_23 step %scan3A_24  : i32 {
      %mul3A_73 = arith.constant 2 : i32
      %mul3A_74 = arith.muli %scan3A_72, %mul3A_73 : i32
      %add3A_75 = arith.constant 1 : i32
      %add3A_76 = arith.addi %mul3A_74, %add3A_75 : i32
      %dma_start3A_77 = arith.constant 0 : i32
      %dma_start3A_78 = tpu.memref_slice %arg7[%add3A_76, %dma_start3A_77] : memref<80x128xi32, #tpu.memory_space<vmem>> -> memref<1x128xi32, #tpu.memory_space<vmem>>
      %dma_start3A_79 = tpu.memref_squeeze %dma_start3A_78 : memref<1x128xi32, #tpu.memory_space<vmem>> -> memref<128xi32, #tpu.memory_space<vmem>>
      %dma_start3A_80 = arith.constant 0 : i32
      %dma_start3A_81 = arith.constant 0 : i32
      %dma_start3A_82 = tpu.memref_slice %arg2[%dma_start3A_80, %dma_start3A_81] : memref<10240x128xf32, #tpu.memory_space<hbm>> -> memref<10240x128xf32, #tpu.memory_space<hbm>>
      tpu.enqueue_indirect_dma source(%dma_start3A_82 : memref<10240x128xf32, #tpu.memory_space<hbm>>) target(%arg10 : memref<128x128xf32, #tpu.memory_space<vmem>>) offsets(%dma_start3A_79 : memref<128xi32, #tpu.memory_space<vmem>>) semaphore(%arg12 : memref<!tpu.dma_semaphore, #tpu.memory_space<semaphore_mem>>)
      %add3A_83 = arith.addi %mul3A_4, %mul3A_74 : i32
      %add3A_84 = arith.constant 1 : i32
      %add3A_85 = arith.addi %add3A_83, %add3A_84 : i32
      %dma_start3A_86 = arith.constant 1 : i32
      %dma_start3A_87 = arith.constant 0 : i32
      %dma_start3A_88 = tpu.memref_slice %arg8[%dma_start3A_86, %dma_start3A_87] : memref<2x128xi32, #tpu.memory_space<vmem>> -> memref<1x128xi32, #tpu.memory_space<vmem>>
      %dma_start3A_89 = tpu.memref_squeeze %dma_start3A_88 : memref<1x128xi32, #tpu.memory_space<vmem>> -> memref<128xi32, #tpu.memory_space<vmem>>
      %dma_start3A_90 = arith.constant 0 : i32
      %dma_start3A_91 = tpu.memref_slice %arg4[%add3A_85, %dma_start3A_90] : memref<2560x128xi32, #tpu.memory_space<hbm>> -> memref<1x128xi32, #tpu.memory_space<hbm>>
      %dma_start3A_92 = tpu.memref_squeeze %dma_start3A_91 : memref<1x128xi32, #tpu.memory_space<hbm>> -> memref<128xi32, #tpu.memory_space<hbm>>
      %dma_start3A_93 = arith.constant 0 : i32
      %dma_start3A_94 = tpu.memref_slice %arg8[%dma_start3A_86, %dma_start3A_93] : memref<2x128xi32, #tpu.memory_space<vmem>> -> memref<1x128xi32, #tpu.memory_space<vmem>>
      %dma_start3A_95 = tpu.memref_squeeze %dma_start3A_94 : memref<1x128xi32, #tpu.memory_space<vmem>> -> memref<128xi32, #tpu.memory_space<vmem>>
      %dma_start3A_96 = arith.constant 0 : i32
      %dma_start3A_97 = tpu.memref_slice %arg4[%add3A_85, %dma_start3A_96] : memref<2560x128xi32, #tpu.memory_space<hbm>> -> memref<1x128xi32, #tpu.memory_space<hbm>>
      %dma_start3A_98 = tpu.memref_squeeze %dma_start3A_97 : memref<1x128xi32, #tpu.memory_space<hbm>> -> memref<128xi32, #tpu.memory_space<hbm>>
      tpu.enqueue_dma source(%dma_start3A_98 : memref<128xi32, #tpu.memory_space<hbm>>) target(%dma_start3A_95 : memref<128xi32, #tpu.memory_space<vmem>>) target_semaphore(%arg13 : memref<!tpu.dma_semaphore, #tpu.memory_space<semaphore_mem>>)
      %run_scoped3A_99 = arith.constant 0 : i32
      "tpu.region"() ({
        %run_scoped3A_163 = tpu.sem_alloc : memref<!tpu.dma_semaphore, #tpu.memory_space<semaphore_mem>>
        %dma_start3A_164 = arith.constant 0 : i32
        %dma_start3A_165 = tpu.memref_slice %arg8[%run_scoped3A_99, %dma_start3A_164] : memref<2x128xi32, #tpu.memory_space<vmem>> -> memref<1x128xi32, #tpu.memory_space<vmem>>
        %dma_start3A_166 = tpu.memref_squeeze %dma_start3A_165 : memref<1x128xi32, #tpu.memory_space<vmem>> -> memref<128xi32, #tpu.memory_space<vmem>>
        %dma_start3A_167 = arith.constant 0 : i32
        %dma_start3A_168 = arith.constant 0 : i32
        %dma_start3A_169 = tpu.memref_slice %arg11[%dma_start3A_167, %dma_start3A_168] : memref<10240x128xf32, #tpu.memory_space<vmem_shared>> -> memref<10240x128xf32, #tpu.memory_space<vmem_shared>>
        tpu.enqueue_indirect_dma source(%arg9 : memref<128x128xf32, #tpu.memory_space<vmem>>) target(%dma_start3A_169 : memref<10240x128xf32, #tpu.memory_space<vmem_shared>>) offsets(%dma_start3A_166 : memref<128xi32, #tpu.memory_space<vmem>>) semaphore(%run_scoped3A_163 : memref<!tpu.dma_semaphore, #tpu.memory_space<semaphore_mem>>) {add = true}
        %dma_wait3A_170 = arith.constant 0 : i32
        %dma_wait3A_171 = tpu.memref_slice %arg8[%run_scoped3A_99, %dma_wait3A_170] : memref<2x128xi32, #tpu.memory_space<vmem>> -> memref<1x128xi32, #tpu.memory_space<vmem>>
        %dma_wait3A_172 = tpu.memref_squeeze %dma_wait3A_171 : memref<1x128xi32, #tpu.memory_space<vmem>> -> memref<128xi32, #tpu.memory_space<vmem>>
        %dma_wait3A_173 = arith.constant 0 : i32
        %dma_wait3A_174 = arith.constant 0 : i32
        %dma_wait3A_175 = tpu.memref_slice %arg11[%dma_wait3A_173, %dma_wait3A_174] : memref<10240x128xf32, #tpu.memory_space<vmem_shared>> -> memref<10240x128xf32, #tpu.memory_space<vmem_shared>>
        tpu.wait_indirect_dma semaphore(%run_scoped3A_163 : memref<!tpu.dma_semaphore, #tpu.memory_space<semaphore_mem>>) src(%arg9 : memref<128x128xf32, #tpu.memory_space<vmem>>) dst(%dma_wait3A_175 : memref<10240x128xf32, #tpu.memory_space<vmem_shared>>)
        tpu.yield
      }) : () -> ()
      %dma_wait3A_100 = arith.constant 0 : i32
      %dma_wait3A_101 = tpu.memref_slice %arg7[%add3A_76, %dma_wait3A_100] : memref<80x128xi32, #tpu.memory_space<vmem>> -> memref<1x128xi32, #tpu.memory_space<vmem>>
      %dma_wait3A_102 = tpu.memref_squeeze %dma_wait3A_101 : memref<1x128xi32, #tpu.memory_space<vmem>> -> memref<128xi32, #tpu.memory_space<vmem>>
      %dma_wait3A_103 = arith.constant 0 : i32
      %dma_wait3A_104 = arith.constant 0 : i32
      %dma_wait3A_105 = tpu.memref_slice %arg2[%dma_wait3A_103, %dma_wait3A_104] : memref<10240x128xf32, #tpu.memory_space<hbm>> -> memref<10240x128xf32, #tpu.memory_space<hbm>>
      tpu.wait_indirect_dma semaphore(%arg12 : memref<!tpu.dma_semaphore, #tpu.memory_space<semaphore_mem>>) src(%dma_wait3A_105 : memref<10240x128xf32, #tpu.memory_space<hbm>>) dst(%arg10 : memref<128x128xf32, #tpu.memory_space<vmem>>)
      %dma_wait3A_106 = arith.constant 1 : i32
      %dma_wait3A_107 = arith.constant 0 : i32
      %dma_wait3A_108 = tpu.memref_slice %arg8[%dma_wait3A_106, %dma_wait3A_107] : memref<2x128xi32, #tpu.memory_space<vmem>> -> memref<1x128xi32, #tpu.memory_space<vmem>>
      %dma_wait3A_109 = tpu.memref_squeeze %dma_wait3A_108 : memref<1x128xi32, #tpu.memory_space<vmem>> -> memref<128xi32, #tpu.memory_space<vmem>>
      %dma_wait3A_110 = arith.constant 0 : i32
      %dma_wait3A_111 = tpu.memref_slice %arg4[%add3A_85, %dma_wait3A_110] : memref<2560x128xi32, #tpu.memory_space<hbm>> -> memref<1x128xi32, #tpu.memory_space<hbm>>
      %dma_wait3A_112 = tpu.memref_squeeze %dma_wait3A_111 : memref<1x128xi32, #tpu.memory_space<hbm>> -> memref<128xi32, #tpu.memory_space<hbm>>
      %dma_wait3A_113 = arith.constant 0 : i32
      %dma_wait3A_114 = tpu.memref_slice %arg8[%dma_wait3A_106, %dma_wait3A_113] : memref<2x128xi32, #tpu.memory_space<vmem>> -> memref<1x128xi32, #tpu.memory_space<vmem>>
      %dma_wait3A_115 = tpu.memref_squeeze %dma_wait3A_114 : memref<1x128xi32, #tpu.memory_space<vmem>> -> memref<128xi32, #tpu.memory_space<vmem>>
      %dma_wait3A_116 = arith.constant 0 : i32
      %dma_wait3A_117 = tpu.memref_slice %arg4[%add3A_85, %dma_wait3A_116] : memref<2560x128xi32, #tpu.memory_space<hbm>> -> memref<1x128xi32, #tpu.memory_space<hbm>>
      %dma_wait3A_118 = tpu.memref_squeeze %dma_wait3A_117 : memref<1x128xi32, #tpu.memory_space<hbm>> -> memref<128xi32, #tpu.memory_space<hbm>>
      tpu.wait_dma2 semaphore(%arg13 : memref<!tpu.dma_semaphore, #tpu.memory_space<semaphore_mem>>) src(%dma_wait3A_118 : memref<128xi32, #tpu.memory_space<hbm>>) dst(%dma_wait3A_115 : memref<128xi32, #tpu.memory_space<vmem>>)
      %add3A_119 = arith.constant 2 : i32
      %add3A_120 = arith.addi %mul3A_74, %add3A_119 : i32
      %dma_start3A_121 = arith.constant 0 : i32
      %dma_start3A_122 = tpu.memref_slice %arg7[%add3A_120, %dma_start3A_121] : memref<80x128xi32, #tpu.memory_space<vmem>> -> memref<1x128xi32, #tpu.memory_space<vmem>>
      %dma_start3A_123 = tpu.memref_squeeze %dma_start3A_122 : memref<1x128xi32, #tpu.memory_space<vmem>> -> memref<128xi32, #tpu.memory_space<vmem>>
      %dma_start3A_124 = arith.constant 0 : i32
      %dma_start3A_125 = arith.constant 0 : i32
      %dma_start3A_126 = tpu.memref_slice %arg2[%dma_start3A_124, %dma_start3A_125] : memref<10240x128xf32, #tpu.memory_space<hbm>> -> memref<10240x128xf32, #tpu.memory_space<hbm>>
      tpu.enqueue_indirect_dma source(%dma_start3A_126 : memref<10240x128xf32, #tpu.memory_space<hbm>>) target(%arg9 : memref<128x128xf32, #tpu.memory_space<vmem>>) offsets(%dma_start3A_123 : memref<128xi32, #tpu.memory_space<vmem>>) semaphore(%arg12 : memref<!tpu.dma_semaphore, #tpu.memory_space<semaphore_mem>>)
      %add3A_127 = arith.addi %mul3A_4, %mul3A_74 : i32
      %add3A_128 = arith.constant 2 : i32
      %add3A_129 = arith.addi %add3A_127, %add3A_128 : i32
      %dma_start3A_130 = arith.constant 0 : i32
      %dma_start3A_131 = arith.constant 0 : i32
      %dma_start3A_132 = tpu.memref_slice %arg8[%dma_start3A_130, %dma_start3A_131] : memref<2x128xi32, #tpu.memory_space<vmem>> -> memref<1x128xi32, #tpu.memory_space<vmem>>
      %dma_start3A_133 = tpu.memref_squeeze %dma_start3A_132 : memref<1x128xi32, #tpu.memory_space<vmem>> -> memref<128xi32, #tpu.memory_space<vmem>>
      %dma_start3A_134 = arith.constant 0 : i32
      %dma_start3A_135 = tpu.memref_slice %arg4[%add3A_129, %dma_start3A_134] : memref<2560x128xi32, #tpu.memory_space<hbm>> -> memref<1x128xi32, #tpu.memory_space<hbm>>
      %dma_start3A_136 = tpu.memref_squeeze %dma_start3A_135 : memref<1x128xi32, #tpu.memory_space<hbm>> -> memref<128xi32, #tpu.memory_space<hbm>>
      %dma_start3A_137 = arith.constant 0 : i32
      %dma_start3A_138 = tpu.memref_slice %arg8[%dma_start3A_130, %dma_start3A_137] : memref<2x128xi32, #tpu.memory_space<vmem>> -> memref<1x128xi32, #tpu.memory_space<vmem>>
      %dma_start3A_139 = tpu.memref_squeeze %dma_start3A_138 : memref<1x128xi32, #tpu.memory_space<vmem>> -> memref<128xi32, #tpu.memory_space<vmem>>
      %dma_start3A_140 = arith.constant 0 : i32
      %dma_start3A_141 = tpu.memref_slice %arg4[%add3A_129, %dma_start3A_140] : memref<2560x128xi32, #tpu.memory_space<hbm>> -> memref<1x128xi32, #tpu.memory_space<hbm>>
      %dma_start3A_142 = tpu.memref_squeeze %dma_start3A_141 : memref<1x128xi32, #tpu.memory_space<hbm>> -> memref<128xi32, #tpu.memory_space<hbm>>
      tpu.enqueue_dma source(%dma_start3A_142 : memref<128xi32, #tpu.memory_space<hbm>>) target(%dma_start3A_139 : memref<128xi32, #tpu.memory_space<vmem>>) target_semaphore(%arg13 : memref<!tpu.dma_semaphore, #tpu.memory_space<semaphore_mem>>)
      %run_scoped3A_143 = arith.constant 1 : i32
      "tpu.region"() ({
        %run_scoped3A_163 = tpu.sem_alloc : memref<!tpu.dma_semaphore, #tpu.memory_space<semaphore_mem>>
        %dma_start3A_164 = arith.constant 0 : i32
        %dma_start3A_165 = tpu.memref_slice %arg8[%run_scoped3A_143, %dma_start3A_164] : memref<2x128xi32, #tpu.memory_space<vmem>> -> memref<1x128xi32, #tpu.memory_space<vmem>>
        %dma_start3A_166 = tpu.memref_squeeze %dma_start3A_165 : memref<1x128xi32, #tpu.memory_space<vmem>> -> memref<128xi32, #tpu.memory_space<vmem>>
        %dma_start3A_167 = arith.constant 0 : i32
        %dma_start3A_168 = arith.constant 0 : i32
        %dma_start3A_169 = tpu.memref_slice %arg11[%dma_start3A_167, %dma_start3A_168] : memref<10240x128xf32, #tpu.memory_space<vmem_shared>> -> memref<10240x128xf32, #tpu.memory_space<vmem_shared>>
        tpu.enqueue_indirect_dma source(%arg10 : memref<128x128xf32, #tpu.memory_space<vmem>>) target(%dma_start3A_169 : memref<10240x128xf32, #tpu.memory_space<vmem_shared>>) offsets(%dma_start3A_166 : memref<128xi32, #tpu.memory_space<vmem>>) semaphore(%run_scoped3A_163 : memref<!tpu.dma_semaphore, #tpu.memory_space<semaphore_mem>>) {add = true}
        %dma_wait3A_170 = arith.constant 0 : i32
        %dma_wait3A_171 = tpu.memref_slice %arg8[%run_scoped3A_143, %dma_wait3A_170] : memref<2x128xi32, #tpu.memory_space<vmem>> -> memref<1x128xi32, #tpu.memory_space<vmem>>
        %dma_wait3A_172 = tpu.memref_squeeze %dma_wait3A_171 : memref<1x128xi32, #tpu.memory_space<vmem>> -> memref<128xi32, #tpu.memory_space<vmem>>
        %dma_wait3A_173 = arith.constant 0 : i32
        %dma_wait3A_174 = arith.constant 0 : i32
        %dma_wait3A_175 = tpu.memref_slice %arg11[%dma_wait3A_173, %dma_wait3A_174] : memref<10240x128xf32, #tpu.memory_space<vmem_shared>> -> memref<10240x128xf32, #tpu.memory_space<vmem_shared>>
        tpu.wait_indirect_dma semaphore(%run_scoped3A_163 : memref<!tpu.dma_semaphore, #tpu.memory_space<semaphore_mem>>) src(%arg10 : memref<128x128xf32, #tpu.memory_space<vmem>>) dst(%dma_wait3A_175 : memref<10240x128xf32, #tpu.memory_space<vmem_shared>>)
        tpu.yield
      }) : () -> ()
      %dma_wait3A_144 = arith.constant 0 : i32
      %dma_wait3A_145 = tpu.memref_slice %arg7[%add3A_120, %dma_wait3A_144] : memref<80x128xi32, #tpu.memory_space<vmem>> -> memref<1x128xi32, #tpu.memory_space<vmem>>
      %dma_wait3A_146 = tpu.memref_squeeze %dma_wait3A_145 : memref<1x128xi32, #tpu.memory_space<vmem>> -> memref<128xi32, #tpu.memory_space<vmem>>
      %dma_wait3A_147 = arith.constant 0 : i32
      %dma_wait3A_148 = arith.constant 0 : i32
      %dma_wait3A_149 = tpu.memref_slice %arg2[%dma_wait3A_147, %dma_wait3A_148] : memref<10240x128xf32, #tpu.memory_space<hbm>> -> memref<10240x128xf32, #tpu.memory_space<hbm>>
      tpu.wait_indirect_dma semaphore(%arg12 : memref<!tpu.dma_semaphore, #tpu.memory_space<semaphore_mem>>) src(%dma_wait3A_149 : memref<10240x128xf32, #tpu.memory_space<hbm>>) dst(%arg9 : memref<128x128xf32, #tpu.memory_space<vmem>>)
      %dma_wait3A_150 = arith.constant 0 : i32
      %dma_wait3A_151 = arith.constant 0 : i32
      %dma_wait3A_152 = tpu.memref_slice %arg8[%dma_wait3A_150, %dma_wait3A_151] : memref<2x128xi32, #tpu.memory_space<vmem>> -> memref<1x128xi32, #tpu.memory_space<vmem>>
      %dma_wait3A_153 = tpu.memref_squeeze %dma_wait3A_152 : memref<1x128xi32, #tpu.memory_space<vmem>> -> memref<128xi32, #tpu.memory_space<vmem>>
      %dma_wait3A_154 = arith.constant 0 : i32
      %dma_wait3A_155 = tpu.memref_slice %arg4[%add3A_129, %dma_wait3A_154] : memref<2560x128xi32, #tpu.memory_space<hbm>> -> memref<1x128xi32, #tpu.memory_space<hbm>>
      %dma_wait3A_156 = tpu.memref_squeeze %dma_wait3A_155 : memref<1x128xi32, #tpu.memory_space<hbm>> -> memref<128xi32, #tpu.memory_space<hbm>>
      %dma_wait3A_157 = arith.constant 0 : i32
      %dma_wait3A_158 = tpu.memref_slice %arg8[%dma_wait3A_150, %dma_wait3A_157] : memref<2x128xi32, #tpu.memory_space<vmem>> -> memref<1x128xi32, #tpu.memory_space<vmem>>
      %dma_wait3A_159 = tpu.memref_squeeze %dma_wait3A_158 : memref<1x128xi32, #tpu.memory_space<vmem>> -> memref<128xi32, #tpu.memory_space<vmem>>
      %dma_wait3A_160 = arith.constant 0 : i32
      %dma_wait3A_161 = tpu.memref_slice %arg4[%add3A_129, %dma_wait3A_160] : memref<2560x128xi32, #tpu.memory_space<hbm>> -> memref<1x128xi32, #tpu.memory_space<hbm>>
      %dma_wait3A_162 = tpu.memref_squeeze %dma_wait3A_161 : memref<1x128xi32, #tpu.memory_space<hbm>> -> memref<128xi32, #tpu.memory_space<hbm>>
      tpu.wait_dma2 semaphore(%arg13 : memref<!tpu.dma_semaphore, #tpu.memory_space<semaphore_mem>>) src(%dma_wait3A_162 : memref<128xi32, #tpu.memory_space<hbm>>) dst(%dma_wait3A_159 : memref<128xi32, #tpu.memory_space<vmem>>)
    }
    %scan3A_25 = arith.constant 39 : i32
    %dma_start3A_26 = arith.constant 79 : i32
    %dma_start3A_27 = arith.constant 0 : i32
    %dma_start3A_28 = tpu.memref_slice %arg7[%dma_start3A_26, %dma_start3A_27] : memref<80x128xi32, #tpu.memory_space<vmem>> -> memref<1x128xi32, #tpu.memory_space<vmem>>
    %dma_start3A_29 = tpu.memref_squeeze %dma_start3A_28 : memref<1x128xi32, #tpu.memory_space<vmem>> -> memref<128xi32, #tpu.memory_space<vmem>>
    %dma_start3A_30 = arith.constant 0 : i32
    %dma_start3A_31 = arith.constant 0 : i32
    %dma_start3A_32 = tpu.memref_slice %arg2[%dma_start3A_30, %dma_start3A_31] : memref<10240x128xf32, #tpu.memory_space<hbm>> -> memref<10240x128xf32, #tpu.memory_space<hbm>>
    tpu.enqueue_indirect_dma source(%dma_start3A_32 : memref<10240x128xf32, #tpu.memory_space<hbm>>) target(%arg10 : memref<128x128xf32, #tpu.memory_space<vmem>>) offsets(%dma_start3A_29 : memref<128xi32, #tpu.memory_space<vmem>>) semaphore(%arg12 : memref<!tpu.dma_semaphore, #tpu.memory_space<semaphore_mem>>)
    %add3A_33 = arith.constant 80 : i32
    %add3A_34 = arith.addi %mul3A_4, %add3A_33 : i32
    %sub3A = arith.constant 1 : i32
    %sub3A_35 = arith.subi %add3A_34, %sub3A : i32
    %dma_start3A_36 = arith.constant 1 : i32
    %dma_start3A_37 = arith.constant 0 : i32
    %dma_start3A_38 = tpu.memref_slice %arg8[%dma_start3A_36, %dma_start3A_37] : memref<2x128xi32, #tpu.memory_space<vmem>> -> memref<1x128xi32, #tpu.memory_space<vmem>>
    %dma_start3A_39 = tpu.memref_squeeze %dma_start3A_38 : memref<1x128xi32, #tpu.memory_space<vmem>> -> memref<128xi32, #tpu.memory_space<vmem>>
    %dma_start3A_40 = arith.constant 0 : i32
    %dma_start3A_41 = tpu.memref_slice %arg4[%sub3A_35, %dma_start3A_40] : memref<2560x128xi32, #tpu.memory_space<hbm>> -> memref<1x128xi32, #tpu.memory_space<hbm>>
    %dma_start3A_42 = tpu.memref_squeeze %dma_start3A_41 : memref<1x128xi32, #tpu.memory_space<hbm>> -> memref<128xi32, #tpu.memory_space<hbm>>
    %dma_start3A_43 = arith.constant 0 : i32
    %dma_start3A_44 = tpu.memref_slice %arg8[%dma_start3A_36, %dma_start3A_43] : memref<2x128xi32, #tpu.memory_space<vmem>> -> memref<1x128xi32, #tpu.memory_space<vmem>>
    %dma_start3A_45 = tpu.memref_squeeze %dma_start3A_44 : memref<1x128xi32, #tpu.memory_space<vmem>> -> memref<128xi32, #tpu.memory_space<vmem>>
    %dma_start3A_46 = arith.constant 0 : i32
    %dma_start3A_47 = tpu.memref_slice %arg4[%sub3A_35, %dma_start3A_46] : memref<2560x128xi32, #tpu.memory_space<hbm>> -> memref<1x128xi32, #tpu.memory_space<hbm>>
    %dma_start3A_48 = tpu.memref_squeeze %dma_start3A_47 : memref<1x128xi32, #tpu.memory_space<hbm>> -> memref<128xi32, #tpu.memory_space<hbm>>
    tpu.enqueue_dma source(%dma_start3A_48 : memref<128xi32, #tpu.memory_space<hbm>>) target(%dma_start3A_45 : memref<128xi32, #tpu.memory_space<vmem>>) target_semaphore(%arg13 : memref<!tpu.dma_semaphore, #tpu.memory_space<semaphore_mem>>)
    %run_scoped3A_49 = arith.constant 0 : i32
    "tpu.region"() ({
      %run_scoped3A_72 = tpu.sem_alloc : memref<!tpu.dma_semaphore, #tpu.memory_space<semaphore_mem>>
      %dma_start3A_73 = arith.constant 0 : i32
      %dma_start3A_74 = tpu.memref_slice %arg8[%run_scoped3A_49, %dma_start3A_73] : memref<2x128xi32, #tpu.memory_space<vmem>> -> memref<1x128xi32, #tpu.memory_space<vmem>>
      %dma_start3A_75 = tpu.memref_squeeze %dma_start3A_74 : memref<1x128xi32, #tpu.memory_space<vmem>> -> memref<128xi32, #tpu.memory_space<vmem>>
      %dma_start3A_76 = arith.constant 0 : i32
      %dma_start3A_77 = arith.constant 0 : i32
      %dma_start3A_78 = tpu.memref_slice %arg11[%dma_start3A_76, %dma_start3A_77] : memref<10240x128xf32, #tpu.memory_space<vmem_shared>> -> memref<10240x128xf32, #tpu.memory_space<vmem_shared>>
      tpu.enqueue_indirect_dma source(%arg9 : memref<128x128xf32, #tpu.memory_space<vmem>>) target(%dma_start3A_78 : memref<10240x128xf32, #tpu.memory_space<vmem_shared>>) offsets(%dma_start3A_75 : memref<128xi32, #tpu.memory_space<vmem>>) semaphore(%run_scoped3A_72 : memref<!tpu.dma_semaphore, #tpu.memory_space<semaphore_mem>>) {add = true}
      %dma_wait3A_79 = arith.constant 0 : i32
      %dma_wait3A_80 = tpu.memref_slice %arg8[%run_scoped3A_49, %dma_wait3A_79] : memref<2x128xi32, #tpu.memory_space<vmem>> -> memref<1x128xi32, #tpu.memory_space<vmem>>
      %dma_wait3A_81 = tpu.memref_squeeze %dma_wait3A_80 : memref<1x128xi32, #tpu.memory_space<vmem>> -> memref<128xi32, #tpu.memory_space<vmem>>
      %dma_wait3A_82 = arith.constant 0 : i32
      %dma_wait3A_83 = arith.constant 0 : i32
      %dma_wait3A_84 = tpu.memref_slice %arg11[%dma_wait3A_82, %dma_wait3A_83] : memref<10240x128xf32, #tpu.memory_space<vmem_shared>> -> memref<10240x128xf32, #tpu.memory_space<vmem_shared>>
      tpu.wait_indirect_dma semaphore(%run_scoped3A_72 : memref<!tpu.dma_semaphore, #tpu.memory_space<semaphore_mem>>) src(%arg9 : memref<128x128xf32, #tpu.memory_space<vmem>>) dst(%dma_wait3A_84 : memref<10240x128xf32, #tpu.memory_space<vmem_shared>>)
      tpu.yield
    }) : () -> ()
    %dma_wait3A_50 = arith.constant 79 : i32
    %dma_wait3A_51 = arith.constant 0 : i32
    %dma_wait3A_52 = tpu.memref_slice %arg7[%dma_wait3A_50, %dma_wait3A_51] : memref<80x128xi32, #tpu.memory_space<vmem>> -> memref<1x128xi32, #tpu.memory_space<vmem>>
    %dma_wait3A_53 = tpu.memref_squeeze %dma_wait3A_52 : memref<1x128xi32, #tpu.memory_space<vmem>> -> memref<128xi32, #tpu.memory_space<vmem>>
    %dma_wait3A_54 = arith.constant 0 : i32
    %dma_wait3A_55 = arith.constant 0 : i32
    %dma_wait3A_56 = tpu.memref_slice %arg2[%dma_wait3A_54, %dma_wait3A_55] : memref<10240x128xf32, #tpu.memory_space<hbm>> -> memref<10240x128xf32, #tpu.memory_space<hbm>>
    tpu.wait_indirect_dma semaphore(%arg12 : memref<!tpu.dma_semaphore, #tpu.memory_space<semaphore_mem>>) src(%dma_wait3A_56 : memref<10240x128xf32, #tpu.memory_space<hbm>>) dst(%arg10 : memref<128x128xf32, #tpu.memory_space<vmem>>)
    %dma_wait3A_57 = arith.constant 1 : i32
    %dma_wait3A_58 = arith.constant 0 : i32
    %dma_wait3A_59 = tpu.memref_slice %arg8[%dma_wait3A_57, %dma_wait3A_58] : memref<2x128xi32, #tpu.memory_space<vmem>> -> memref<1x128xi32, #tpu.memory_space<vmem>>
    %dma_wait3A_60 = tpu.memref_squeeze %dma_wait3A_59 : memref<1x128xi32, #tpu.memory_space<vmem>> -> memref<128xi32, #tpu.memory_space<vmem>>
    %dma_wait3A_61 = arith.constant 0 : i32
    %dma_wait3A_62 = tpu.memref_slice %arg4[%sub3A_35, %dma_wait3A_61] : memref<2560x128xi32, #tpu.memory_space<hbm>> -> memref<1x128xi32, #tpu.memory_space<hbm>>
    %dma_wait3A_63 = tpu.memref_squeeze %dma_wait3A_62 : memref<1x128xi32, #tpu.memory_space<hbm>> -> memref<128xi32, #tpu.memory_space<hbm>>
    %dma_wait3A_64 = arith.constant 0 : i32
    %dma_wait3A_65 = tpu.memref_slice %arg8[%dma_wait3A_57, %dma_wait3A_64] : memref<2x128xi32, #tpu.memory_space<vmem>> -> memref<1x128xi32, #tpu.memory_space<vmem>>
    %dma_wait3A_66 = tpu.memref_squeeze %dma_wait3A_65 : memref<1x128xi32, #tpu.memory_space<vmem>> -> memref<128xi32, #tpu.memory_space<vmem>>
    %dma_wait3A_67 = arith.constant 0 : i32
    %dma_wait3A_68 = tpu.memref_slice %arg4[%sub3A_35, %dma_wait3A_67] : memref<2560x128xi32, #tpu.memory_space<hbm>> -> memref<1x128xi32, #tpu.memory_space<hbm>>
    %dma_wait3A_69 = tpu.memref_squeeze %dma_wait3A_68 : memref<1x128xi32, #tpu.memory_space<hbm>> -> memref<128xi32, #tpu.memory_space<hbm>>
    tpu.wait_dma2 semaphore(%arg13 : memref<!tpu.dma_semaphore, #tpu.memory_space<semaphore_mem>>) src(%dma_wait3A_69 : memref<128xi32, #tpu.memory_space<hbm>>) dst(%dma_wait3A_66 : memref<128xi32, #tpu.memory_space<vmem>>)
    %run_scoped3A_70 = arith.constant 1 : i32
    "tpu.region"() ({
      %run_scoped3A_72 = tpu.sem_alloc : memref<!tpu.dma_semaphore, #tpu.memory_space<semaphore_mem>>
      %dma_start3A_73 = arith.constant 0 : i32
      %dma_start3A_74 = tpu.memref_slice %arg8[%run_scoped3A_70, %dma_start3A_73] : memref<2x128xi32, #tpu.memory_space<vmem>> -> memref<1x128xi32, #tpu.memory_space<vmem>>
      %dma_start3A_75 = tpu.memref_squeeze %dma_start3A_74 : memref<1x128xi32, #tpu.memory_space<vmem>> -> memref<128xi32, #tpu.memory_space<vmem>>
      %dma_start3A_76 = arith.constant 0 : i32
      %dma_start3A_77 = arith.constant 0 : i32
      %dma_start3A_78 = tpu.memref_slice %arg11[%dma_start3A_76, %dma_start3A_77] : memref<10240x128xf32, #tpu.memory_space<vmem_shared>> -> memref<10240x128xf32, #tpu.memory_space<vmem_shared>>
      tpu.enqueue_indirect_dma source(%arg10 : memref<128x128xf32, #tpu.memory_space<vmem>>) target(%dma_start3A_78 : memref<10240x128xf32, #tpu.memory_space<vmem_shared>>) offsets(%dma_start3A_75 : memref<128xi32, #tpu.memory_space<vmem>>) semaphore(%run_scoped3A_72 : memref<!tpu.dma_semaphore, #tpu.memory_space<semaphore_mem>>) {add = true}
      %dma_wait3A_79 = arith.constant 0 : i32
      %dma_wait3A_80 = tpu.memref_slice %arg8[%run_scoped3A_70, %dma_wait3A_79] : memref<2x128xi32, #tpu.memory_space<vmem>> -> memref<1x128xi32, #tpu.memory_space<vmem>>
      %dma_wait3A_81 = tpu.memref_squeeze %dma_wait3A_80 : memref<1x128xi32, #tpu.memory_space<vmem>> -> memref<128xi32, #tpu.memory_space<vmem>>
      %dma_wait3A_82 = arith.constant 0 : i32
      %dma_wait3A_83 = arith.constant 0 : i32
      %dma_wait3A_84 = tpu.memref_slice %arg11[%dma_wait3A_82, %dma_wait3A_83] : memref<10240x128xf32, #tpu.memory_space<vmem_shared>> -> memref<10240x128xf32, #tpu.memory_space<vmem_shared>>
      tpu.wait_indirect_dma semaphore(%run_scoped3A_72 : memref<!tpu.dma_semaphore, #tpu.memory_space<semaphore_mem>>) src(%arg10 : memref<128x128xf32, #tpu.memory_space<vmem>>) dst(%dma_wait3A_84 : memref<10240x128xf32, #tpu.memory_space<vmem_shared>>)
      tpu.yield
    }) : () -> ()
    %barrier3A_71 = arith.constant 0 : index
    tpu.barrier barrier_id(%barrier3A_71)
    "tpu.region"() ({
      %run_scoped3A_72 = tpu.sem_alloc : memref<!tpu.dma_semaphore, #tpu.memory_space<semaphore_mem>>
      %dma_start3A_73 = arith.constant 0 : i32
      %dma_start3A_74 = tpu.memref_slice %arg6[%arg0, %multiple_of3A, %dma_start3A_73] : memref<2x10240x128xf32, #tpu.memory_space<hbm>> -> memref<1x640x128xf32, #tpu.memory_space<hbm>>
      %dma_start3A_75 = tpu.memref_squeeze %dma_start3A_74 : memref<1x640x128xf32, #tpu.memory_space<hbm>> -> memref<640x128xf32, #tpu.memory_space<hbm>>
      %dma_start3A_76 = arith.constant 0 : i32
      %dma_start3A_77 = tpu.memref_slice %arg11[%multiple_of3A, %dma_start3A_76] : memref<10240x128xf32, #tpu.memory_space<vmem_shared>> -> memref<640x128xf32, #tpu.memory_space<vmem_shared>>
      tpu.enqueue_dma source(%dma_start3A_77 : memref<640x128xf32, #tpu.memory_space<vmem_shared>>) target(%dma_start3A_75 : memref<640x128xf32, #tpu.memory_space<hbm>>) target_semaphore(%run_scoped3A_72 : memref<!tpu.dma_semaphore, #tpu.memory_space<semaphore_mem>>)
      %dma_wait3A_78 = arith.constant 0 : i32
      %dma_wait3A_79 = tpu.memref_slice %arg6[%arg0, %multiple_of3A, %dma_wait3A_78] : memref<2x10240x128xf32, #tpu.memory_space<hbm>> -> memref<1x640x128xf32, #tpu.memory_space<hbm>>
      %dma_wait3A_80 = tpu.memref_squeeze %dma_wait3A_79 : memref<1x640x128xf32, #tpu.memory_space<hbm>> -> memref<640x128xf32, #tpu.memory_space<hbm>>
      %dma_wait3A_81 = arith.constant 0 : i32
      %dma_wait3A_82 = tpu.memref_slice %arg11[%multiple_of3A, %dma_wait3A_81] : memref<10240x128xf32, #tpu.memory_space<vmem_shared>> -> memref<640x128xf32, #tpu.memory_space<vmem_shared>>
      tpu.wait_dma2 semaphore(%run_scoped3A_72 : memref<!tpu.dma_semaphore, #tpu.memory_space<semaphore_mem>>) src(%dma_wait3A_82 : memref<640x128xf32, #tpu.memory_space<vmem_shared>>) dst(%dma_wait3A_80 : memref<640x128xf32, #tpu.memory_space<hbm>>)
      tpu.yield
    }) : () -> ()
    return
  }
}

#map = affine_map<(d0, d1) -> (0, 0)>
#map1 = affine_map<(d0, d1) -> (0)>
module attributes {stable_mosaic.version = 14 : i64} {
  func.func @deg_kernel(%arg0: i32, %arg1: i32, %arg2: memref<2560x128xi32, #tpu.memory_space<hbm>>, %arg3: memref<2560x128xi32, #tpu.memory_space<hbm>>, %arg4: memref<128xf32, #tpu.memory_space<hbm>>, %arg5: memref<640xf32, #tpu.memory_space<hbm>>, %arg6: memref<20480xf32, #tpu.memory_space<hbm>>, %arg7: memref<20480xf32, #tpu.memory_space<hbm>>, %arg8: memref<80x128xi32, #tpu.memory_space<vmem>>, %arg9: memref<80x128xi32, #tpu.memory_space<vmem>>, %arg10: memref<128xf32, #tpu.memory_space<vmem>>, %arg11: memref<10240xf32, #tpu.memory_space<vmem_shared>>, %arg12: memref<10240xf32, #tpu.memory_space<vmem_shared>>, %arg13: memref<!tpu.dma_semaphore, #tpu.memory_space<semaphore_mem>>) attributes {dimension_semantics = [#tpu.dimension_semantics<core_parallel>, #tpu.dimension_semantics<subcore_parallel>], iteration_bounds = array<i64: 2, 16>, scalar_prefetch = 0 : i64, scratch_operands = 6 : i64, tpu.core_type = #tpu.core_type<sc_vector_subcore>, window_params = [{transform_indices = #map}, {transform_indices = #map}, {transform_indices = #map1}, {transform_indices = #map1}, {transform_indices = #map1}, {transform_indices = #map1}]} {
    %mul3A = arith.constant 2 : i32
    %mul3A_0 = arith.muli %arg1, %mul3A : i32
    %add3A = arith.addi %mul3A_0, %arg0 : i32
    %mul3A_1 = arith.constant 640 : i32
    %mul3A_2 = arith.muli %arg1, %mul3A_1 : i32
    %multiple_of3A = tpu.assume_multiple %mul3A_2, 128 : i32
    %mul3A_3 = arith.constant 80 : i32
    %mul3A_4 = arith.muli %add3A, %mul3A_3 : i32
    "tpu.region"() ({
      %run_scoped3A = tpu.sem_alloc : memref<!tpu.dma_semaphore, #tpu.memory_space<semaphore_mem>>
      %dma_start3A = arith.constant 0 : i32
      %dma_start3A_17 = tpu.memref_slice %arg2[%mul3A_4, %dma_start3A] : memref<2560x128xi32, #tpu.memory_space<hbm>> -> memref<80x128xi32, #tpu.memory_space<hbm>>
      %dma_start3A_18 = arith.constant 0 : i32
      %dma_start3A_19 = tpu.memref_slice %arg2[%mul3A_4, %dma_start3A_18] : memref<2560x128xi32, #tpu.memory_space<hbm>> -> memref<80x128xi32, #tpu.memory_space<hbm>>
      tpu.enqueue_dma source(%dma_start3A_19 : memref<80x128xi32, #tpu.memory_space<hbm>>) target(%arg8 : memref<80x128xi32, #tpu.memory_space<vmem>>) target_semaphore(%run_scoped3A : memref<!tpu.dma_semaphore, #tpu.memory_space<semaphore_mem>>)
      %dma_wait3A = arith.constant 0 : i32
      %dma_wait3A_20 = tpu.memref_slice %arg2[%mul3A_4, %dma_wait3A] : memref<2560x128xi32, #tpu.memory_space<hbm>> -> memref<80x128xi32, #tpu.memory_space<hbm>>
      %dma_wait3A_21 = arith.constant 0 : i32
      %dma_wait3A_22 = tpu.memref_slice %arg2[%mul3A_4, %dma_wait3A_21] : memref<2560x128xi32, #tpu.memory_space<hbm>> -> memref<80x128xi32, #tpu.memory_space<hbm>>
      tpu.wait_dma2 semaphore(%run_scoped3A : memref<!tpu.dma_semaphore, #tpu.memory_space<semaphore_mem>>) src(%dma_wait3A_22 : memref<80x128xi32, #tpu.memory_space<hbm>>) dst(%arg8 : memref<80x128xi32, #tpu.memory_space<vmem>>)
      tpu.yield
    }) : () -> ()
    %mul3A_5 = arith.constant 80 : i32
    %mul3A_6 = arith.muli %add3A, %mul3A_5 : i32
    "tpu.region"() ({
      %run_scoped3A = tpu.sem_alloc : memref<!tpu.dma_semaphore, #tpu.memory_space<semaphore_mem>>
      %dma_start3A = arith.constant 0 : i32
      %dma_start3A_17 = tpu.memref_slice %arg3[%mul3A_6, %dma_start3A] : memref<2560x128xi32, #tpu.memory_space<hbm>> -> memref<80x128xi32, #tpu.memory_space<hbm>>
      %dma_start3A_18 = arith.constant 0 : i32
      %dma_start3A_19 = tpu.memref_slice %arg3[%mul3A_6, %dma_start3A_18] : memref<2560x128xi32, #tpu.memory_space<hbm>> -> memref<80x128xi32, #tpu.memory_space<hbm>>
      tpu.enqueue_dma source(%dma_start3A_19 : memref<80x128xi32, #tpu.memory_space<hbm>>) target(%arg9 : memref<80x128xi32, #tpu.memory_space<vmem>>) target_semaphore(%run_scoped3A : memref<!tpu.dma_semaphore, #tpu.memory_space<semaphore_mem>>)
      %dma_wait3A = arith.constant 0 : i32
      %dma_wait3A_20 = tpu.memref_slice %arg3[%mul3A_6, %dma_wait3A] : memref<2560x128xi32, #tpu.memory_space<hbm>> -> memref<80x128xi32, #tpu.memory_space<hbm>>
      %dma_wait3A_21 = arith.constant 0 : i32
      %dma_wait3A_22 = tpu.memref_slice %arg3[%mul3A_6, %dma_wait3A_21] : memref<2560x128xi32, #tpu.memory_space<hbm>> -> memref<80x128xi32, #tpu.memory_space<hbm>>
      tpu.wait_dma2 semaphore(%run_scoped3A : memref<!tpu.dma_semaphore, #tpu.memory_space<semaphore_mem>>) src(%dma_wait3A_22 : memref<80x128xi32, #tpu.memory_space<hbm>>) dst(%arg9 : memref<80x128xi32, #tpu.memory_space<vmem>>)
      tpu.yield
    }) : () -> ()
    "tpu.region"() ({
      %run_scoped3A = tpu.sem_alloc : memref<!tpu.dma_semaphore, #tpu.memory_space<semaphore_mem>>
      tpu.enqueue_dma source(%arg4 : memref<128xf32, #tpu.memory_space<hbm>>) target(%arg10 : memref<128xf32, #tpu.memory_space<vmem>>) target_semaphore(%run_scoped3A : memref<!tpu.dma_semaphore, #tpu.memory_space<semaphore_mem>>)
      tpu.wait_dma2 semaphore(%run_scoped3A : memref<!tpu.dma_semaphore, #tpu.memory_space<semaphore_mem>>) src(%arg4 : memref<128xf32, #tpu.memory_space<hbm>>) dst(%arg10 : memref<128xf32, #tpu.memory_space<vmem>>)
      tpu.yield
    }) : () -> ()
    "tpu.region"() ({
      %run_scoped3A = tpu.sem_alloc : memref<!tpu.dma_semaphore, #tpu.memory_space<semaphore_mem>>
      %dma_start3A = tpu.memref_slice %arg11[%multiple_of3A] : memref<10240xf32, #tpu.memory_space<vmem_shared>> -> memref<640xf32, #tpu.memory_space<vmem_shared>>
      tpu.enqueue_dma source(%arg5 : memref<640xf32, #tpu.memory_space<hbm>>) target(%dma_start3A : memref<640xf32, #tpu.memory_space<vmem_shared>>) target_semaphore(%run_scoped3A : memref<!tpu.dma_semaphore, #tpu.memory_space<semaphore_mem>>)
      %dma_wait3A = tpu.memref_slice %arg11[%multiple_of3A] : memref<10240xf32, #tpu.memory_space<vmem_shared>> -> memref<640xf32, #tpu.memory_space<vmem_shared>>
      tpu.wait_dma2 semaphore(%run_scoped3A : memref<!tpu.dma_semaphore, #tpu.memory_space<semaphore_mem>>) src(%arg5 : memref<640xf32, #tpu.memory_space<hbm>>) dst(%dma_wait3A : memref<640xf32, #tpu.memory_space<vmem_shared>>)
      tpu.yield
    }) : () -> ()
    "tpu.region"() ({
      %run_scoped3A = tpu.sem_alloc : memref<!tpu.dma_semaphore, #tpu.memory_space<semaphore_mem>>
      %dma_start3A = tpu.memref_slice %arg12[%multiple_of3A] : memref<10240xf32, #tpu.memory_space<vmem_shared>> -> memref<640xf32, #tpu.memory_space<vmem_shared>>
      tpu.enqueue_dma source(%arg5 : memref<640xf32, #tpu.memory_space<hbm>>) target(%dma_start3A : memref<640xf32, #tpu.memory_space<vmem_shared>>) target_semaphore(%run_scoped3A : memref<!tpu.dma_semaphore, #tpu.memory_space<semaphore_mem>>)
      %dma_wait3A = tpu.memref_slice %arg12[%multiple_of3A] : memref<10240xf32, #tpu.memory_space<vmem_shared>> -> memref<640xf32, #tpu.memory_space<vmem_shared>>
      tpu.wait_dma2 semaphore(%run_scoped3A : memref<!tpu.dma_semaphore, #tpu.memory_space<semaphore_mem>>) src(%arg5 : memref<640xf32, #tpu.memory_space<hbm>>) dst(%dma_wait3A : memref<640xf32, #tpu.memory_space<vmem_shared>>)
      tpu.yield
    }) : () -> ()
    %barrier3A = arith.constant 0 : index
    tpu.barrier barrier_id(%barrier3A)
    %scan3A = arith.constant 0 : i32
    %scan3A_7 = arith.constant 0 : i32
    %scan3A_8 = arith.constant 80 : i32
    %scan3A_9 = arith.addi %scan3A_7, %scan3A_8 : i32
    %scan3A_10 = arith.constant 1 : i32
    scf.for %scan3A_17 = %scan3A_7 to %scan3A_9 step %scan3A_10  : i32 {
      %dma_start3A = arith.constant 0 : i32
      %dma_start3A_18 = tpu.memref_slice %arg8[%scan3A_17, %dma_start3A] : memref<80x128xi32, #tpu.memory_space<vmem>> -> memref<1x128xi32, #tpu.memory_space<vmem>>
      %dma_start3A_19 = tpu.memref_squeeze %dma_start3A_18 : memref<1x128xi32, #tpu.memory_space<vmem>> -> memref<128xi32, #tpu.memory_space<vmem>>
      %dma_start3A_20 = arith.constant 0 : i32
      %dma_start3A_21 = tpu.memref_slice %arg11[%dma_start3A_20] : memref<10240xf32, #tpu.memory_space<vmem_shared>> -> memref<10240xf32, #tpu.memory_space<vmem_shared>>
      tpu.enqueue_indirect_dma source(%arg10 : memref<128xf32, #tpu.memory_space<vmem>>) target(%dma_start3A_21 : memref<10240xf32, #tpu.memory_space<vmem_shared>>) offsets(%dma_start3A_19 : memref<128xi32, #tpu.memory_space<vmem>>) semaphore(%arg13 : memref<!tpu.dma_semaphore, #tpu.memory_space<semaphore_mem>>) {add = true}
      "tpu.region"() ({
        %run_scoped3A = tpu.sem_alloc : memref<!tpu.dma_semaphore, #tpu.memory_space<semaphore_mem>>
        %dma_start3A_26 = arith.constant 0 : i32
        %dma_start3A_27 = tpu.memref_slice %arg9[%scan3A_17, %dma_start3A_26] : memref<80x128xi32, #tpu.memory_space<vmem>> -> memref<1x128xi32, #tpu.memory_space<vmem>>
        %dma_start3A_28 = tpu.memref_squeeze %dma_start3A_27 : memref<1x128xi32, #tpu.memory_space<vmem>> -> memref<128xi32, #tpu.memory_space<vmem>>
        %dma_start3A_29 = arith.constant 0 : i32
        %dma_start3A_30 = tpu.memref_slice %arg12[%dma_start3A_29] : memref<10240xf32, #tpu.memory_space<vmem_shared>> -> memref<10240xf32, #tpu.memory_space<vmem_shared>>
        tpu.enqueue_indirect_dma source(%arg10 : memref<128xf32, #tpu.memory_space<vmem>>) target(%dma_start3A_30 : memref<10240xf32, #tpu.memory_space<vmem_shared>>) offsets(%dma_start3A_28 : memref<128xi32, #tpu.memory_space<vmem>>) semaphore(%run_scoped3A : memref<!tpu.dma_semaphore, #tpu.memory_space<semaphore_mem>>) {add = true}
        %dma_wait3A_31 = arith.constant 0 : i32
        %dma_wait3A_32 = tpu.memref_slice %arg9[%scan3A_17, %dma_wait3A_31] : memref<80x128xi32, #tpu.memory_space<vmem>> -> memref<1x128xi32, #tpu.memory_space<vmem>>
        %dma_wait3A_33 = tpu.memref_squeeze %dma_wait3A_32 : memref<1x128xi32, #tpu.memory_space<vmem>> -> memref<128xi32, #tpu.memory_space<vmem>>
        %dma_wait3A_34 = arith.constant 0 : i32
        %dma_wait3A_35 = tpu.memref_slice %arg12[%dma_wait3A_34] : memref<10240xf32, #tpu.memory_space<vmem_shared>> -> memref<10240xf32, #tpu.memory_space<vmem_shared>>
        tpu.wait_indirect_dma semaphore(%run_scoped3A : memref<!tpu.dma_semaphore, #tpu.memory_space<semaphore_mem>>) src(%arg10 : memref<128xf32, #tpu.memory_space<vmem>>) dst(%dma_wait3A_35 : memref<10240xf32, #tpu.memory_space<vmem_shared>>)
        tpu.yield
      }) : () -> ()
      %dma_wait3A = arith.constant 0 : i32
      %dma_wait3A_22 = tpu.memref_slice %arg8[%scan3A_17, %dma_wait3A] : memref<80x128xi32, #tpu.memory_space<vmem>> -> memref<1x128xi32, #tpu.memory_space<vmem>>
      %dma_wait3A_23 = tpu.memref_squeeze %dma_wait3A_22 : memref<1x128xi32, #tpu.memory_space<vmem>> -> memref<128xi32, #tpu.memory_space<vmem>>
      %dma_wait3A_24 = arith.constant 0 : i32
      %dma_wait3A_25 = tpu.memref_slice %arg11[%dma_wait3A_24] : memref<10240xf32, #tpu.memory_space<vmem_shared>> -> memref<10240xf32, #tpu.memory_space<vmem_shared>>
      tpu.wait_indirect_dma semaphore(%arg13 : memref<!tpu.dma_semaphore, #tpu.memory_space<semaphore_mem>>) src(%arg10 : memref<128xf32, #tpu.memory_space<vmem>>) dst(%dma_wait3A_25 : memref<10240xf32, #tpu.memory_space<vmem_shared>>)
    }
    %scan3A_11 = arith.constant 80 : i32
    %barrier3A_12 = arith.constant 0 : index
    tpu.barrier barrier_id(%barrier3A_12)
    %mul3A_13 = arith.constant 10240 : i32
    %mul3A_14 = arith.muli %arg0, %mul3A_13 : i32
    %add3A_15 = arith.addi %mul3A_14, %multiple_of3A : i32
    %multiple_of3A_16 = tpu.assume_multiple %add3A_15, 128 : i32
    "tpu.region"() ({
      %run_scoped3A = tpu.sem_alloc : memref<!tpu.dma_semaphore, #tpu.memory_space<semaphore_mem>>
      %dma_start3A = tpu.memref_slice %arg6[%multiple_of3A_16] : memref<20480xf32, #tpu.memory_space<hbm>> -> memref<640xf32, #tpu.memory_space<hbm>>
      %dma_start3A_17 = tpu.memref_slice %arg11[%multiple_of3A] : memref<10240xf32, #tpu.memory_space<vmem_shared>> -> memref<640xf32, #tpu.memory_space<vmem_shared>>
      tpu.enqueue_dma source(%dma_start3A_17 : memref<640xf32, #tpu.memory_space<vmem_shared>>) target(%dma_start3A : memref<640xf32, #tpu.memory_space<hbm>>) target_semaphore(%run_scoped3A : memref<!tpu.dma_semaphore, #tpu.memory_space<semaphore_mem>>)
      %dma_wait3A = tpu.memref_slice %arg6[%multiple_of3A_16] : memref<20480xf32, #tpu.memory_space<hbm>> -> memref<640xf32, #tpu.memory_space<hbm>>
      %dma_wait3A_18 = tpu.memref_slice %arg11[%multiple_of3A] : memref<10240xf32, #tpu.memory_space<vmem_shared>> -> memref<640xf32, #tpu.memory_space<vmem_shared>>
      tpu.wait_dma2 semaphore(%run_scoped3A : memref<!tpu.dma_semaphore, #tpu.memory_space<semaphore_mem>>) src(%dma_wait3A_18 : memref<640xf32, #tpu.memory_space<vmem_shared>>) dst(%dma_wait3A : memref<640xf32, #tpu.memory_space<hbm>>)
      tpu.yield
    }) : () -> ()
    "tpu.region"() ({
      %run_scoped3A = tpu.sem_alloc : memref<!tpu.dma_semaphore, #tpu.memory_space<semaphore_mem>>
      %dma_start3A = tpu.memref_slice %arg7[%multiple_of3A_16] : memref<20480xf32, #tpu.memory_space<hbm>> -> memref<640xf32, #tpu.memory_space<hbm>>
      %dma_start3A_17 = tpu.memref_slice %arg12[%multiple_of3A] : memref<10240xf32, #tpu.memory_space<vmem_shared>> -> memref<640xf32, #tpu.memory_space<vmem_shared>>
      tpu.enqueue_dma source(%dma_start3A_17 : memref<640xf32, #tpu.memory_space<vmem_shared>>) target(%dma_start3A : memref<640xf32, #tpu.memory_space<hbm>>) target_semaphore(%run_scoped3A : memref<!tpu.dma_semaphore, #tpu.memory_space<semaphore_mem>>)
      %dma_wait3A = tpu.memref_slice %arg7[%multiple_of3A_16] : memref<20480xf32, #tpu.memory_space<hbm>> -> memref<640xf32, #tpu.memory_space<hbm>>
      %dma_wait3A_18 = tpu.memref_slice %arg12[%multiple_of3A] : memref<10240xf32, #tpu.memory_space<vmem_shared>> -> memref<640xf32, #tpu.memory_space<vmem_shared>>
      tpu.wait_dma2 semaphore(%run_scoped3A : memref<!tpu.dma_semaphore, #tpu.memory_space<semaphore_mem>>) src(%dma_wait3A_18 : memref<640xf32, #tpu.memory_space<vmem_shared>>) dst(%dma_wait3A : memref<640xf32, #tpu.memory_space<hbm>>)
      tpu.yield
    }) : () -> ()
    return
  }
}

#map = affine_map<(d0, d1) -> (0, 0)>
#map1 = affine_map<(d0, d1) -> (0, 0, 0)>
module attributes {stable_mosaic.version = 14 : i64} {
  func.func @agg_kernel(%arg0: i32, %arg1: i32, %arg2: memref<10240x128xf32, #tpu.memory_space<hbm>>, %arg3: memref<2560x128xi32, #tpu.memory_space<hbm>>, %arg4: memref<2560x128xi32, #tpu.memory_space<hbm>>, %arg5: memref<640x128xf32, #tpu.memory_space<hbm>>, %arg6: memref<2x10240x128xf32, #tpu.memory_space<hbm>>, %arg7: memref<80x128xi32, #tpu.memory_space<vmem>>, %arg8: memref<2x128xi32, #tpu.memory_space<vmem>>, %arg9: memref<128x128xf32, #tpu.memory_space<vmem>>, %arg10: memref<128x128xf32, #tpu.memory_space<vmem>>, %arg11: memref<10240x128xf32, #tpu.memory_space<vmem_shared>>, %arg12: memref<!tpu.dma_semaphore, #tpu.memory_space<semaphore_mem>>, %arg13: memref<!tpu.dma_semaphore, #tpu.memory_space<semaphore_mem>>) attributes {dimension_semantics = [#tpu.dimension_semantics<core_parallel>, #tpu.dimension_semantics<subcore_parallel>], iteration_bounds = array<i64: 2, 16>, scalar_prefetch = 0 : i64, scratch_operands = 7 : i64, tpu.core_type = #tpu.core_type<sc_vector_subcore>, window_params = [{transform_indices = #map}, {transform_indices = #map}, {transform_indices = #map}, {transform_indices = #map}, {transform_indices = #map1}]} {
    %mul3A = arith.constant 2 : i32
    %mul3A_0 = arith.muli %arg1, %mul3A : i32
    %add3A = arith.addi %mul3A_0, %arg0 : i32
    %mul3A_1 = arith.constant 640 : i32
    %mul3A_2 = arith.muli %arg1, %mul3A_1 : i32
    %multiple_of3A = tpu.assume_multiple %mul3A_2, 128 : i32
    %mul3A_3 = arith.constant 80 : i32
    %mul3A_4 = arith.muli %add3A, %mul3A_3 : i32
    %dma_start3A = arith.constant 0 : i32
    %dma_start3A_5 = tpu.memref_slice %arg11[%multiple_of3A, %dma_start3A] : memref<10240x128xf32, #tpu.memory_space<vmem_shared>> -> memref<640x128xf32, #tpu.memory_space<vmem_shared>>
    tpu.enqueue_dma source(%arg5 : memref<640x128xf32, #tpu.memory_space<hbm>>) target(%dma_start3A_5 : memref<640x128xf32, #tpu.memory_space<vmem_shared>>) target_semaphore(%arg13 : memref<!tpu.dma_semaphore, #tpu.memory_space<semaphore_mem>>)
    "tpu.region"() ({
      %run_scoped3A_72 = tpu.sem_alloc : memref<!tpu.dma_semaphore, #tpu.memory_space<semaphore_mem>>
      %dma_start3A_73 = arith.constant 0 : i32
      %dma_start3A_74 = tpu.memref_slice %arg3[%mul3A_4, %dma_start3A_73] : memref<2560x128xi32, #tpu.memory_space<hbm>> -> memref<80x128xi32, #tpu.memory_space<hbm>>
      %dma_start3A_75 = arith.constant 0 : i32
      %dma_start3A_76 = tpu.memref_slice %arg3[%mul3A_4, %dma_start3A_75] : memref<2560x128xi32, #tpu.memory_space<hbm>> -> memref<80x128xi32, #tpu.memory_space<hbm>>
      tpu.enqueue_dma source(%dma_start3A_76 : memref<80x128xi32, #tpu.memory_space<hbm>>) target(%arg7 : memref<80x128xi32, #tpu.memory_space<vmem>>) target_semaphore(%run_scoped3A_72 : memref<!tpu.dma_semaphore, #tpu.memory_space<semaphore_mem>>)
      %dma_wait3A_77 = arith.constant 0 : i32
      %dma_wait3A_78 = tpu.memref_slice %arg3[%mul3A_4, %dma_wait3A_77] : memref<2560x128xi32, #tpu.memory_space<hbm>> -> memref<80x128xi32, #tpu.memory_space<hbm>>
      %dma_wait3A_79 = arith.constant 0 : i32
      %dma_wait3A_80 = tpu.memref_slice %arg3[%mul3A_4, %dma_wait3A_79] : memref<2560x128xi32, #tpu.memory_space<hbm>> -> memref<80x128xi32, #tpu.memory_space<hbm>>
      tpu.wait_dma2 semaphore(%run_scoped3A_72 : memref<!tpu.dma_semaphore, #tpu.memory_space<semaphore_mem>>) src(%dma_wait3A_80 : memref<80x128xi32, #tpu.memory_space<hbm>>) dst(%arg7 : memref<80x128xi32, #tpu.memory_space<vmem>>)
      tpu.yield
    }) : () -> ()
    %dma_start3A_6 = arith.constant 0 : i32
    %dma_start3A_7 = arith.constant 0 : i32
    %dma_start3A_8 = tpu.memref_slice %arg7[%dma_start3A_6, %dma_start3A_7] : memref<80x128xi32, #tpu.memory_space<vmem>> -> memref<1x128xi32, #tpu.memory_space<vmem>>
    %dma_start3A_9 = tpu.memref_squeeze %dma_start3A_8 : memref<1x128xi32, #tpu.memory_space<vmem>> -> memref<128xi32, #tpu.memory_space<vmem>>
    %dma_start3A_10 = arith.constant 0 : i32
    %dma_start3A_11 = arith.constant 0 : i32
    %dma_start3A_12 = tpu.memref_slice %arg2[%dma_start3A_10, %dma_start3A_11] : memref<10240x128xf32, #tpu.memory_space<hbm>> -> memref<10240x128xf32, #tpu.memory_space<hbm>>
    tpu.enqueue_indirect_dma source(%dma_start3A_12 : memref<10240x128xf32, #tpu.memory_space<hbm>>) target(%arg9 : memref<128x128xf32, #tpu.memory_space<vmem>>) offsets(%dma_start3A_9 : memref<128xi32, #tpu.memory_space<vmem>>) semaphore(%arg12 : memref<!tpu.dma_semaphore, #tpu.memory_space<semaphore_mem>>)
    %run_scoped3A = arith.constant 0 : i32
    "tpu.region"() ({
      %run_scoped3A_72 = tpu.sem_alloc : memref<!tpu.dma_semaphore, #tpu.memory_space<semaphore_mem>>
      %dma_start3A_73 = arith.constant 0 : i32
      %dma_start3A_74 = tpu.memref_slice %arg8[%run_scoped3A, %dma_start3A_73] : memref<2x128xi32, #tpu.memory_space<vmem>> -> memref<1x128xi32, #tpu.memory_space<vmem>>
      %dma_start3A_75 = tpu.memref_squeeze %dma_start3A_74 : memref<1x128xi32, #tpu.memory_space<vmem>> -> memref<128xi32, #tpu.memory_space<vmem>>
      %dma_start3A_76 = arith.constant 0 : i32
      %dma_start3A_77 = tpu.memref_slice %arg4[%mul3A_4, %dma_start3A_76] : memref<2560x128xi32, #tpu.memory_space<hbm>> -> memref<1x128xi32, #tpu.memory_space<hbm>>
      %dma_start3A_78 = tpu.memref_squeeze %dma_start3A_77 : memref<1x128xi32, #tpu.memory_space<hbm>> -> memref<128xi32, #tpu.memory_space<hbm>>
      %dma_start3A_79 = arith.constant 0 : i32
      %dma_start3A_80 = tpu.memref_slice %arg8[%run_scoped3A, %dma_start3A_79] : memref<2x128xi32, #tpu.memory_space<vmem>> -> memref<1x128xi32, #tpu.memory_space<vmem>>
      %dma_start3A_81 = tpu.memref_squeeze %dma_start3A_80 : memref<1x128xi32, #tpu.memory_space<vmem>> -> memref<128xi32, #tpu.memory_space<vmem>>
      %dma_start3A_82 = arith.constant 0 : i32
      %dma_start3A_83 = tpu.memref_slice %arg4[%mul3A_4, %dma_start3A_82] : memref<2560x128xi32, #tpu.memory_space<hbm>> -> memref<1x128xi32, #tpu.memory_space<hbm>>
      %dma_start3A_84 = tpu.memref_squeeze %dma_start3A_83 : memref<1x128xi32, #tpu.memory_space<hbm>> -> memref<128xi32, #tpu.memory_space<hbm>>
      tpu.enqueue_dma source(%dma_start3A_84 : memref<128xi32, #tpu.memory_space<hbm>>) target(%dma_start3A_81 : memref<128xi32, #tpu.memory_space<vmem>>) target_semaphore(%run_scoped3A_72 : memref<!tpu.dma_semaphore, #tpu.memory_space<semaphore_mem>>)
      %dma_wait3A_85 = arith.constant 0 : i32
      %dma_wait3A_86 = tpu.memref_slice %arg8[%run_scoped3A, %dma_wait3A_85] : memref<2x128xi32, #tpu.memory_space<vmem>> -> memref<1x128xi32, #tpu.memory_space<vmem>>
      %dma_wait3A_87 = tpu.memref_squeeze %dma_wait3A_86 : memref<1x128xi32, #tpu.memory_space<vmem>> -> memref<128xi32, #tpu.memory_space<vmem>>
      %dma_wait3A_88 = arith.constant 0 : i32
      %dma_wait3A_89 = tpu.memref_slice %arg4[%mul3A_4, %dma_wait3A_88] : memref<2560x128xi32, #tpu.memory_space<hbm>> -> memref<1x128xi32, #tpu.memory_space<hbm>>
      %dma_wait3A_90 = tpu.memref_squeeze %dma_wait3A_89 : memref<1x128xi32, #tpu.memory_space<hbm>> -> memref<128xi32, #tpu.memory_space<hbm>>
      %dma_wait3A_91 = arith.constant 0 : i32
      %dma_wait3A_92 = tpu.memref_slice %arg8[%run_scoped3A, %dma_wait3A_91] : memref<2x128xi32, #tpu.memory_space<vmem>> -> memref<1x128xi32, #tpu.memory_space<vmem>>
      %dma_wait3A_93 = tpu.memref_squeeze %dma_wait3A_92 : memref<1x128xi32, #tpu.memory_space<vmem>> -> memref<128xi32, #tpu.memory_space<vmem>>
      %dma_wait3A_94 = arith.constant 0 : i32
      %dma_wait3A_95 = tpu.memref_slice %arg4[%mul3A_4, %dma_wait3A_94] : memref<2560x128xi32, #tpu.memory_space<hbm>> -> memref<1x128xi32, #tpu.memory_space<hbm>>
      %dma_wait3A_96 = tpu.memref_squeeze %dma_wait3A_95 : memref<1x128xi32, #tpu.memory_space<hbm>> -> memref<128xi32, #tpu.memory_space<hbm>>
      tpu.wait_dma2 semaphore(%run_scoped3A_72 : memref<!tpu.dma_semaphore, #tpu.memory_space<semaphore_mem>>) src(%dma_wait3A_96 : memref<128xi32, #tpu.memory_space<hbm>>) dst(%dma_wait3A_93 : memref<128xi32, #tpu.memory_space<vmem>>)
      tpu.yield
    }) : () -> ()
    %dma_wait3A = arith.constant 0 : i32
    %dma_wait3A_13 = tpu.memref_slice %arg11[%multiple_of3A, %dma_wait3A] : memref<10240x128xf32, #tpu.memory_space<vmem_shared>> -> memref<640x128xf32, #tpu.memory_space<vmem_shared>>
    tpu.wait_dma2 semaphore(%arg13 : memref<!tpu.dma_semaphore, #tpu.memory_space<semaphore_mem>>) src(%arg5 : memref<640x128xf32, #tpu.memory_space<hbm>>) dst(%dma_wait3A_13 : memref<640x128xf32, #tpu.memory_space<vmem_shared>>)
    %barrier3A = arith.constant 0 : index
    tpu.barrier barrier_id(%barrier3A)
    %dma_wait3A_14 = arith.constant 0 : i32
    %dma_wait3A_15 = arith.constant 0 : i32
    %dma_wait3A_16 = tpu.memref_slice %arg7[%dma_wait3A_14, %dma_wait3A_15] : memref<80x128xi32, #tpu.memory_space<vmem>> -> memref<1x128xi32, #tpu.memory_space<vmem>>
    %dma_wait3A_17 = tpu.memref_squeeze %dma_wait3A_16 : memref<1x128xi32, #tpu.memory_space<vmem>> -> memref<128xi32, #tpu.memory_space<vmem>>
    %dma_wait3A_18 = arith.constant 0 : i32
    %dma_wait3A_19 = arith.constant 0 : i32
    %dma_wait3A_20 = tpu.memref_slice %arg2[%dma_wait3A_18, %dma_wait3A_19] : memref<10240x128xf32, #tpu.memory_space<hbm>> -> memref<10240x128xf32, #tpu.memory_space<hbm>>
    tpu.wait_indirect_dma semaphore(%arg12 : memref<!tpu.dma_semaphore, #tpu.memory_space<semaphore_mem>>) src(%dma_wait3A_20 : memref<10240x128xf32, #tpu.memory_space<hbm>>) dst(%arg9 : memref<128x128xf32, #tpu.memory_space<vmem>>)
    %scan3A = arith.constant 0 : i32
    %scan3A_21 = arith.constant 0 : i32
    %scan3A_22 = arith.constant 39 : i32
    %scan3A_23 = arith.addi %scan3A_21, %scan3A_22 : i32
    %scan3A_24 = arith.constant 1 : i32
    scf.for %scan3A_72 = %scan3A_21 to %scan3A_23 step %scan3A_24  : i32 {
      %mul3A_73 = arith.constant 2 : i32
      %mul3A_74 = arith.muli %scan3A_72, %mul3A_73 : i32
      %add3A_75 = arith.constant 1 : i32
      %add3A_76 = arith.addi %mul3A_74, %add3A_75 : i32
      %dma_start3A_77 = arith.constant 0 : i32
      %dma_start3A_78 = tpu.memref_slice %arg7[%add3A_76, %dma_start3A_77] : memref<80x128xi32, #tpu.memory_space<vmem>> -> memref<1x128xi32, #tpu.memory_space<vmem>>
      %dma_start3A_79 = tpu.memref_squeeze %dma_start3A_78 : memref<1x128xi32, #tpu.memory_space<vmem>> -> memref<128xi32, #tpu.memory_space<vmem>>
      %dma_start3A_80 = arith.constant 0 : i32
      %dma_start3A_81 = arith.constant 0 : i32
      %dma_start3A_82 = tpu.memref_slice %arg2[%dma_start3A_80, %dma_start3A_81] : memref<10240x128xf32, #tpu.memory_space<hbm>> -> memref<10240x128xf32, #tpu.memory_space<hbm>>
      tpu.enqueue_indirect_dma source(%dma_start3A_82 : memref<10240x128xf32, #tpu.memory_space<hbm>>) target(%arg10 : memref<128x128xf32, #tpu.memory_space<vmem>>) offsets(%dma_start3A_79 : memref<128xi32, #tpu.memory_space<vmem>>) semaphore(%arg12 : memref<!tpu.dma_semaphore, #tpu.memory_space<semaphore_mem>>)
      %add3A_83 = arith.addi %mul3A_4, %mul3A_74 : i32
      %add3A_84 = arith.constant 1 : i32
      %add3A_85 = arith.addi %add3A_83, %add3A_84 : i32
      %dma_start3A_86 = arith.constant 1 : i32
      %dma_start3A_87 = arith.constant 0 : i32
      %dma_start3A_88 = tpu.memref_slice %arg8[%dma_start3A_86, %dma_start3A_87] : memref<2x128xi32, #tpu.memory_space<vmem>> -> memref<1x128xi32, #tpu.memory_space<vmem>>
      %dma_start3A_89 = tpu.memref_squeeze %dma_start3A_88 : memref<1x128xi32, #tpu.memory_space<vmem>> -> memref<128xi32, #tpu.memory_space<vmem>>
      %dma_start3A_90 = arith.constant 0 : i32
      %dma_start3A_91 = tpu.memref_slice %arg4[%add3A_85, %dma_start3A_90] : memref<2560x128xi32, #tpu.memory_space<hbm>> -> memref<1x128xi32, #tpu.memory_space<hbm>>
      %dma_start3A_92 = tpu.memref_squeeze %dma_start3A_91 : memref<1x128xi32, #tpu.memory_space<hbm>> -> memref<128xi32, #tpu.memory_space<hbm>>
      %dma_start3A_93 = arith.constant 0 : i32
      %dma_start3A_94 = tpu.memref_slice %arg8[%dma_start3A_86, %dma_start3A_93] : memref<2x128xi32, #tpu.memory_space<vmem>> -> memref<1x128xi32, #tpu.memory_space<vmem>>
      %dma_start3A_95 = tpu.memref_squeeze %dma_start3A_94 : memref<1x128xi32, #tpu.memory_space<vmem>> -> memref<128xi32, #tpu.memory_space<vmem>>
      %dma_start3A_96 = arith.constant 0 : i32
      %dma_start3A_97 = tpu.memref_slice %arg4[%add3A_85, %dma_start3A_96] : memref<2560x128xi32, #tpu.memory_space<hbm>> -> memref<1x128xi32, #tpu.memory_space<hbm>>
      %dma_start3A_98 = tpu.memref_squeeze %dma_start3A_97 : memref<1x128xi32, #tpu.memory_space<hbm>> -> memref<128xi32, #tpu.memory_space<hbm>>
      tpu.enqueue_dma source(%dma_start3A_98 : memref<128xi32, #tpu.memory_space<hbm>>) target(%dma_start3A_95 : memref<128xi32, #tpu.memory_space<vmem>>) target_semaphore(%arg13 : memref<!tpu.dma_semaphore, #tpu.memory_space<semaphore_mem>>)
      %run_scoped3A_99 = arith.constant 0 : i32
      "tpu.region"() ({
        %run_scoped3A_163 = tpu.sem_alloc : memref<!tpu.dma_semaphore, #tpu.memory_space<semaphore_mem>>
        %dma_start3A_164 = arith.constant 0 : i32
        %dma_start3A_165 = tpu.memref_slice %arg8[%run_scoped3A_99, %dma_start3A_164] : memref<2x128xi32, #tpu.memory_space<vmem>> -> memref<1x128xi32, #tpu.memory_space<vmem>>
        %dma_start3A_166 = tpu.memref_squeeze %dma_start3A_165 : memref<1x128xi32, #tpu.memory_space<vmem>> -> memref<128xi32, #tpu.memory_space<vmem>>
        %dma_start3A_167 = arith.constant 0 : i32
        %dma_start3A_168 = arith.constant 0 : i32
        %dma_start3A_169 = tpu.memref_slice %arg11[%dma_start3A_167, %dma_start3A_168] : memref<10240x128xf32, #tpu.memory_space<vmem_shared>> -> memref<10240x128xf32, #tpu.memory_space<vmem_shared>>
        tpu.enqueue_indirect_dma source(%arg9 : memref<128x128xf32, #tpu.memory_space<vmem>>) target(%dma_start3A_169 : memref<10240x128xf32, #tpu.memory_space<vmem_shared>>) offsets(%dma_start3A_166 : memref<128xi32, #tpu.memory_space<vmem>>) semaphore(%run_scoped3A_163 : memref<!tpu.dma_semaphore, #tpu.memory_space<semaphore_mem>>) {add = true}
        %dma_wait3A_170 = arith.constant 0 : i32
        %dma_wait3A_171 = tpu.memref_slice %arg8[%run_scoped3A_99, %dma_wait3A_170] : memref<2x128xi32, #tpu.memory_space<vmem>> -> memref<1x128xi32, #tpu.memory_space<vmem>>
        %dma_wait3A_172 = tpu.memref_squeeze %dma_wait3A_171 : memref<1x128xi32, #tpu.memory_space<vmem>> -> memref<128xi32, #tpu.memory_space<vmem>>
        %dma_wait3A_173 = arith.constant 0 : i32
        %dma_wait3A_174 = arith.constant 0 : i32
        %dma_wait3A_175 = tpu.memref_slice %arg11[%dma_wait3A_173, %dma_wait3A_174] : memref<10240x128xf32, #tpu.memory_space<vmem_shared>> -> memref<10240x128xf32, #tpu.memory_space<vmem_shared>>
        tpu.wait_indirect_dma semaphore(%run_scoped3A_163 : memref<!tpu.dma_semaphore, #tpu.memory_space<semaphore_mem>>) src(%arg9 : memref<128x128xf32, #tpu.memory_space<vmem>>) dst(%dma_wait3A_175 : memref<10240x128xf32, #tpu.memory_space<vmem_shared>>)
        tpu.yield
      }) : () -> ()
      %dma_wait3A_100 = arith.constant 0 : i32
      %dma_wait3A_101 = tpu.memref_slice %arg7[%add3A_76, %dma_wait3A_100] : memref<80x128xi32, #tpu.memory_space<vmem>> -> memref<1x128xi32, #tpu.memory_space<vmem>>
      %dma_wait3A_102 = tpu.memref_squeeze %dma_wait3A_101 : memref<1x128xi32, #tpu.memory_space<vmem>> -> memref<128xi32, #tpu.memory_space<vmem>>
      %dma_wait3A_103 = arith.constant 0 : i32
      %dma_wait3A_104 = arith.constant 0 : i32
      %dma_wait3A_105 = tpu.memref_slice %arg2[%dma_wait3A_103, %dma_wait3A_104] : memref<10240x128xf32, #tpu.memory_space<hbm>> -> memref<10240x128xf32, #tpu.memory_space<hbm>>
      tpu.wait_indirect_dma semaphore(%arg12 : memref<!tpu.dma_semaphore, #tpu.memory_space<semaphore_mem>>) src(%dma_wait3A_105 : memref<10240x128xf32, #tpu.memory_space<hbm>>) dst(%arg10 : memref<128x128xf32, #tpu.memory_space<vmem>>)
      %dma_wait3A_106 = arith.constant 1 : i32
      %dma_wait3A_107 = arith.constant 0 : i32
      %dma_wait3A_108 = tpu.memref_slice %arg8[%dma_wait3A_106, %dma_wait3A_107] : memref<2x128xi32, #tpu.memory_space<vmem>> -> memref<1x128xi32, #tpu.memory_space<vmem>>
      %dma_wait3A_109 = tpu.memref_squeeze %dma_wait3A_108 : memref<1x128xi32, #tpu.memory_space<vmem>> -> memref<128xi32, #tpu.memory_space<vmem>>
      %dma_wait3A_110 = arith.constant 0 : i32
      %dma_wait3A_111 = tpu.memref_slice %arg4[%add3A_85, %dma_wait3A_110] : memref<2560x128xi32, #tpu.memory_space<hbm>> -> memref<1x128xi32, #tpu.memory_space<hbm>>
      %dma_wait3A_112 = tpu.memref_squeeze %dma_wait3A_111 : memref<1x128xi32, #tpu.memory_space<hbm>> -> memref<128xi32, #tpu.memory_space<hbm>>
      %dma_wait3A_113 = arith.constant 0 : i32
      %dma_wait3A_114 = tpu.memref_slice %arg8[%dma_wait3A_106, %dma_wait3A_113] : memref<2x128xi32, #tpu.memory_space<vmem>> -> memref<1x128xi32, #tpu.memory_space<vmem>>
      %dma_wait3A_115 = tpu.memref_squeeze %dma_wait3A_114 : memref<1x128xi32, #tpu.memory_space<vmem>> -> memref<128xi32, #tpu.memory_space<vmem>>
      %dma_wait3A_116 = arith.constant 0 : i32
      %dma_wait3A_117 = tpu.memref_slice %arg4[%add3A_85, %dma_wait3A_116] : memref<2560x128xi32, #tpu.memory_space<hbm>> -> memref<1x128xi32, #tpu.memory_space<hbm>>
      %dma_wait3A_118 = tpu.memref_squeeze %dma_wait3A_117 : memref<1x128xi32, #tpu.memory_space<hbm>> -> memref<128xi32, #tpu.memory_space<hbm>>
      tpu.wait_dma2 semaphore(%arg13 : memref<!tpu.dma_semaphore, #tpu.memory_space<semaphore_mem>>) src(%dma_wait3A_118 : memref<128xi32, #tpu.memory_space<hbm>>) dst(%dma_wait3A_115 : memref<128xi32, #tpu.memory_space<vmem>>)
      %add3A_119 = arith.constant 2 : i32
      %add3A_120 = arith.addi %mul3A_74, %add3A_119 : i32
      %dma_start3A_121 = arith.constant 0 : i32
      %dma_start3A_122 = tpu.memref_slice %arg7[%add3A_120, %dma_start3A_121] : memref<80x128xi32, #tpu.memory_space<vmem>> -> memref<1x128xi32, #tpu.memory_space<vmem>>
      %dma_start3A_123 = tpu.memref_squeeze %dma_start3A_122 : memref<1x128xi32, #tpu.memory_space<vmem>> -> memref<128xi32, #tpu.memory_space<vmem>>
      %dma_start3A_124 = arith.constant 0 : i32
      %dma_start3A_125 = arith.constant 0 : i32
      %dma_start3A_126 = tpu.memref_slice %arg2[%dma_start3A_124, %dma_start3A_125] : memref<10240x128xf32, #tpu.memory_space<hbm>> -> memref<10240x128xf32, #tpu.memory_space<hbm>>
      tpu.enqueue_indirect_dma source(%dma_start3A_126 : memref<10240x128xf32, #tpu.memory_space<hbm>>) target(%arg9 : memref<128x128xf32, #tpu.memory_space<vmem>>) offsets(%dma_start3A_123 : memref<128xi32, #tpu.memory_space<vmem>>) semaphore(%arg12 : memref<!tpu.dma_semaphore, #tpu.memory_space<semaphore_mem>>)
      %add3A_127 = arith.addi %mul3A_4, %mul3A_74 : i32
      %add3A_128 = arith.constant 2 : i32
      %add3A_129 = arith.addi %add3A_127, %add3A_128 : i32
      %dma_start3A_130 = arith.constant 0 : i32
      %dma_start3A_131 = arith.constant 0 : i32
      %dma_start3A_132 = tpu.memref_slice %arg8[%dma_start3A_130, %dma_start3A_131] : memref<2x128xi32, #tpu.memory_space<vmem>> -> memref<1x128xi32, #tpu.memory_space<vmem>>
      %dma_start3A_133 = tpu.memref_squeeze %dma_start3A_132 : memref<1x128xi32, #tpu.memory_space<vmem>> -> memref<128xi32, #tpu.memory_space<vmem>>
      %dma_start3A_134 = arith.constant 0 : i32
      %dma_start3A_135 = tpu.memref_slice %arg4[%add3A_129, %dma_start3A_134] : memref<2560x128xi32, #tpu.memory_space<hbm>> -> memref<1x128xi32, #tpu.memory_space<hbm>>
      %dma_start3A_136 = tpu.memref_squeeze %dma_start3A_135 : memref<1x128xi32, #tpu.memory_space<hbm>> -> memref<128xi32, #tpu.memory_space<hbm>>
      %dma_start3A_137 = arith.constant 0 : i32
      %dma_start3A_138 = tpu.memref_slice %arg8[%dma_start3A_130, %dma_start3A_137] : memref<2x128xi32, #tpu.memory_space<vmem>> -> memref<1x128xi32, #tpu.memory_space<vmem>>
      %dma_start3A_139 = tpu.memref_squeeze %dma_start3A_138 : memref<1x128xi32, #tpu.memory_space<vmem>> -> memref<128xi32, #tpu.memory_space<vmem>>
      %dma_start3A_140 = arith.constant 0 : i32
      %dma_start3A_141 = tpu.memref_slice %arg4[%add3A_129, %dma_start3A_140] : memref<2560x128xi32, #tpu.memory_space<hbm>> -> memref<1x128xi32, #tpu.memory_space<hbm>>
      %dma_start3A_142 = tpu.memref_squeeze %dma_start3A_141 : memref<1x128xi32, #tpu.memory_space<hbm>> -> memref<128xi32, #tpu.memory_space<hbm>>
      tpu.enqueue_dma source(%dma_start3A_142 : memref<128xi32, #tpu.memory_space<hbm>>) target(%dma_start3A_139 : memref<128xi32, #tpu.memory_space<vmem>>) target_semaphore(%arg13 : memref<!tpu.dma_semaphore, #tpu.memory_space<semaphore_mem>>)
      %run_scoped3A_143 = arith.constant 1 : i32
      "tpu.region"() ({
        %run_scoped3A_163 = tpu.sem_alloc : memref<!tpu.dma_semaphore, #tpu.memory_space<semaphore_mem>>
        %dma_start3A_164 = arith.constant 0 : i32
        %dma_start3A_165 = tpu.memref_slice %arg8[%run_scoped3A_143, %dma_start3A_164] : memref<2x128xi32, #tpu.memory_space<vmem>> -> memref<1x128xi32, #tpu.memory_space<vmem>>
        %dma_start3A_166 = tpu.memref_squeeze %dma_start3A_165 : memref<1x128xi32, #tpu.memory_space<vmem>> -> memref<128xi32, #tpu.memory_space<vmem>>
        %dma_start3A_167 = arith.constant 0 : i32
        %dma_start3A_168 = arith.constant 0 : i32
        %dma_start3A_169 = tpu.memref_slice %arg11[%dma_start3A_167, %dma_start3A_168] : memref<10240x128xf32, #tpu.memory_space<vmem_shared>> -> memref<10240x128xf32, #tpu.memory_space<vmem_shared>>
        tpu.enqueue_indirect_dma source(%arg10 : memref<128x128xf32, #tpu.memory_space<vmem>>) target(%dma_start3A_169 : memref<10240x128xf32, #tpu.memory_space<vmem_shared>>) offsets(%dma_start3A_166 : memref<128xi32, #tpu.memory_space<vmem>>) semaphore(%run_scoped3A_163 : memref<!tpu.dma_semaphore, #tpu.memory_space<semaphore_mem>>) {add = true}
        %dma_wait3A_170 = arith.constant 0 : i32
        %dma_wait3A_171 = tpu.memref_slice %arg8[%run_scoped3A_143, %dma_wait3A_170] : memref<2x128xi32, #tpu.memory_space<vmem>> -> memref<1x128xi32, #tpu.memory_space<vmem>>
        %dma_wait3A_172 = tpu.memref_squeeze %dma_wait3A_171 : memref<1x128xi32, #tpu.memory_space<vmem>> -> memref<128xi32, #tpu.memory_space<vmem>>
        %dma_wait3A_173 = arith.constant 0 : i32
        %dma_wait3A_174 = arith.constant 0 : i32
        %dma_wait3A_175 = tpu.memref_slice %arg11[%dma_wait3A_173, %dma_wait3A_174] : memref<10240x128xf32, #tpu.memory_space<vmem_shared>> -> memref<10240x128xf32, #tpu.memory_space<vmem_shared>>
        tpu.wait_indirect_dma semaphore(%run_scoped3A_163 : memref<!tpu.dma_semaphore, #tpu.memory_space<semaphore_mem>>) src(%arg10 : memref<128x128xf32, #tpu.memory_space<vmem>>) dst(%dma_wait3A_175 : memref<10240x128xf32, #tpu.memory_space<vmem_shared>>)
        tpu.yield
      }) : () -> ()
      %dma_wait3A_144 = arith.constant 0 : i32
      %dma_wait3A_145 = tpu.memref_slice %arg7[%add3A_120, %dma_wait3A_144] : memref<80x128xi32, #tpu.memory_space<vmem>> -> memref<1x128xi32, #tpu.memory_space<vmem>>
      %dma_wait3A_146 = tpu.memref_squeeze %dma_wait3A_145 : memref<1x128xi32, #tpu.memory_space<vmem>> -> memref<128xi32, #tpu.memory_space<vmem>>
      %dma_wait3A_147 = arith.constant 0 : i32
      %dma_wait3A_148 = arith.constant 0 : i32
      %dma_wait3A_149 = tpu.memref_slice %arg2[%dma_wait3A_147, %dma_wait3A_148] : memref<10240x128xf32, #tpu.memory_space<hbm>> -> memref<10240x128xf32, #tpu.memory_space<hbm>>
      tpu.wait_indirect_dma semaphore(%arg12 : memref<!tpu.dma_semaphore, #tpu.memory_space<semaphore_mem>>) src(%dma_wait3A_149 : memref<10240x128xf32, #tpu.memory_space<hbm>>) dst(%arg9 : memref<128x128xf32, #tpu.memory_space<vmem>>)
      %dma_wait3A_150 = arith.constant 0 : i32
      %dma_wait3A_151 = arith.constant 0 : i32
      %dma_wait3A_152 = tpu.memref_slice %arg8[%dma_wait3A_150, %dma_wait3A_151] : memref<2x128xi32, #tpu.memory_space<vmem>> -> memref<1x128xi32, #tpu.memory_space<vmem>>
      %dma_wait3A_153 = tpu.memref_squeeze %dma_wait3A_152 : memref<1x128xi32, #tpu.memory_space<vmem>> -> memref<128xi32, #tpu.memory_space<vmem>>
      %dma_wait3A_154 = arith.constant 0 : i32
      %dma_wait3A_155 = tpu.memref_slice %arg4[%add3A_129, %dma_wait3A_154] : memref<2560x128xi32, #tpu.memory_space<hbm>> -> memref<1x128xi32, #tpu.memory_space<hbm>>
      %dma_wait3A_156 = tpu.memref_squeeze %dma_wait3A_155 : memref<1x128xi32, #tpu.memory_space<hbm>> -> memref<128xi32, #tpu.memory_space<hbm>>
      %dma_wait3A_157 = arith.constant 0 : i32
      %dma_wait3A_158 = tpu.memref_slice %arg8[%dma_wait3A_150, %dma_wait3A_157] : memref<2x128xi32, #tpu.memory_space<vmem>> -> memref<1x128xi32, #tpu.memory_space<vmem>>
      %dma_wait3A_159 = tpu.memref_squeeze %dma_wait3A_158 : memref<1x128xi32, #tpu.memory_space<vmem>> -> memref<128xi32, #tpu.memory_space<vmem>>
      %dma_wait3A_160 = arith.constant 0 : i32
      %dma_wait3A_161 = tpu.memref_slice %arg4[%add3A_129, %dma_wait3A_160] : memref<2560x128xi32, #tpu.memory_space<hbm>> -> memref<1x128xi32, #tpu.memory_space<hbm>>
      %dma_wait3A_162 = tpu.memref_squeeze %dma_wait3A_161 : memref<1x128xi32, #tpu.memory_space<hbm>> -> memref<128xi32, #tpu.memory_space<hbm>>
      tpu.wait_dma2 semaphore(%arg13 : memref<!tpu.dma_semaphore, #tpu.memory_space<semaphore_mem>>) src(%dma_wait3A_162 : memref<128xi32, #tpu.memory_space<hbm>>) dst(%dma_wait3A_159 : memref<128xi32, #tpu.memory_space<vmem>>)
    }
    %scan3A_25 = arith.constant 39 : i32
    %dma_start3A_26 = arith.constant 79 : i32
    %dma_start3A_27 = arith.constant 0 : i32
    %dma_start3A_28 = tpu.memref_slice %arg7[%dma_start3A_26, %dma_start3A_27] : memref<80x128xi32, #tpu.memory_space<vmem>> -> memref<1x128xi32, #tpu.memory_space<vmem>>
    %dma_start3A_29 = tpu.memref_squeeze %dma_start3A_28 : memref<1x128xi32, #tpu.memory_space<vmem>> -> memref<128xi32, #tpu.memory_space<vmem>>
    %dma_start3A_30 = arith.constant 0 : i32
    %dma_start3A_31 = arith.constant 0 : i32
    %dma_start3A_32 = tpu.memref_slice %arg2[%dma_start3A_30, %dma_start3A_31] : memref<10240x128xf32, #tpu.memory_space<hbm>> -> memref<10240x128xf32, #tpu.memory_space<hbm>>
    tpu.enqueue_indirect_dma source(%dma_start3A_32 : memref<10240x128xf32, #tpu.memory_space<hbm>>) target(%arg10 : memref<128x128xf32, #tpu.memory_space<vmem>>) offsets(%dma_start3A_29 : memref<128xi32, #tpu.memory_space<vmem>>) semaphore(%arg12 : memref<!tpu.dma_semaphore, #tpu.memory_space<semaphore_mem>>)
    %add3A_33 = arith.constant 80 : i32
    %add3A_34 = arith.addi %mul3A_4, %add3A_33 : i32
    %sub3A = arith.constant 1 : i32
    %sub3A_35 = arith.subi %add3A_34, %sub3A : i32
    %dma_start3A_36 = arith.constant 1 : i32
    %dma_start3A_37 = arith.constant 0 : i32
    %dma_start3A_38 = tpu.memref_slice %arg8[%dma_start3A_36, %dma_start3A_37] : memref<2x128xi32, #tpu.memory_space<vmem>> -> memref<1x128xi32, #tpu.memory_space<vmem>>
    %dma_start3A_39 = tpu.memref_squeeze %dma_start3A_38 : memref<1x128xi32, #tpu.memory_space<vmem>> -> memref<128xi32, #tpu.memory_space<vmem>>
    %dma_start3A_40 = arith.constant 0 : i32
    %dma_start3A_41 = tpu.memref_slice %arg4[%sub3A_35, %dma_start3A_40] : memref<2560x128xi32, #tpu.memory_space<hbm>> -> memref<1x128xi32, #tpu.memory_space<hbm>>
    %dma_start3A_42 = tpu.memref_squeeze %dma_start3A_41 : memref<1x128xi32, #tpu.memory_space<hbm>> -> memref<128xi32, #tpu.memory_space<hbm>>
    %dma_start3A_43 = arith.constant 0 : i32
    %dma_start3A_44 = tpu.memref_slice %arg8[%dma_start3A_36, %dma_start3A_43] : memref<2x128xi32, #tpu.memory_space<vmem>> -> memref<1x128xi32, #tpu.memory_space<vmem>>
    %dma_start3A_45 = tpu.memref_squeeze %dma_start3A_44 : memref<1x128xi32, #tpu.memory_space<vmem>> -> memref<128xi32, #tpu.memory_space<vmem>>
    %dma_start3A_46 = arith.constant 0 : i32
    %dma_start3A_47 = tpu.memref_slice %arg4[%sub3A_35, %dma_start3A_46] : memref<2560x128xi32, #tpu.memory_space<hbm>> -> memref<1x128xi32, #tpu.memory_space<hbm>>
    %dma_start3A_48 = tpu.memref_squeeze %dma_start3A_47 : memref<1x128xi32, #tpu.memory_space<hbm>> -> memref<128xi32, #tpu.memory_space<hbm>>
    tpu.enqueue_dma source(%dma_start3A_48 : memref<128xi32, #tpu.memory_space<hbm>>) target(%dma_start3A_45 : memref<128xi32, #tpu.memory_space<vmem>>) target_semaphore(%arg13 : memref<!tpu.dma_semaphore, #tpu.memory_space<semaphore_mem>>)
    %run_scoped3A_49 = arith.constant 0 : i32
    "tpu.region"() ({
      %run_scoped3A_72 = tpu.sem_alloc : memref<!tpu.dma_semaphore, #tpu.memory_space<semaphore_mem>>
      %dma_start3A_73 = arith.constant 0 : i32
      %dma_start3A_74 = tpu.memref_slice %arg8[%run_scoped3A_49, %dma_start3A_73] : memref<2x128xi32, #tpu.memory_space<vmem>> -> memref<1x128xi32, #tpu.memory_space<vmem>>
      %dma_start3A_75 = tpu.memref_squeeze %dma_start3A_74 : memref<1x128xi32, #tpu.memory_space<vmem>> -> memref<128xi32, #tpu.memory_space<vmem>>
      %dma_start3A_76 = arith.constant 0 : i32
      %dma_start3A_77 = arith.constant 0 : i32
      %dma_start3A_78 = tpu.memref_slice %arg11[%dma_start3A_76, %dma_start3A_77] : memref<10240x128xf32, #tpu.memory_space<vmem_shared>> -> memref<10240x128xf32, #tpu.memory_space<vmem_shared>>
      tpu.enqueue_indirect_dma source(%arg9 : memref<128x128xf32, #tpu.memory_space<vmem>>) target(%dma_start3A_78 : memref<10240x128xf32, #tpu.memory_space<vmem_shared>>) offsets(%dma_start3A_75 : memref<128xi32, #tpu.memory_space<vmem>>) semaphore(%run_scoped3A_72 : memref<!tpu.dma_semaphore, #tpu.memory_space<semaphore_mem>>) {add = true}
      %dma_wait3A_79 = arith.constant 0 : i32
      %dma_wait3A_80 = tpu.memref_slice %arg8[%run_scoped3A_49, %dma_wait3A_79] : memref<2x128xi32, #tpu.memory_space<vmem>> -> memref<1x128xi32, #tpu.memory_space<vmem>>
      %dma_wait3A_81 = tpu.memref_squeeze %dma_wait3A_80 : memref<1x128xi32, #tpu.memory_space<vmem>> -> memref<128xi32, #tpu.memory_space<vmem>>
      %dma_wait3A_82 = arith.constant 0 : i32
      %dma_wait3A_83 = arith.constant 0 : i32
      %dma_wait3A_84 = tpu.memref_slice %arg11[%dma_wait3A_82, %dma_wait3A_83] : memref<10240x128xf32, #tpu.memory_space<vmem_shared>> -> memref<10240x128xf32, #tpu.memory_space<vmem_shared>>
      tpu.wait_indirect_dma semaphore(%run_scoped3A_72 : memref<!tpu.dma_semaphore, #tpu.memory_space<semaphore_mem>>) src(%arg9 : memref<128x128xf32, #tpu.memory_space<vmem>>) dst(%dma_wait3A_84 : memref<10240x128xf32, #tpu.memory_space<vmem_shared>>)
      tpu.yield
    }) : () -> ()
    %dma_wait3A_50 = arith.constant 79 : i32
    %dma_wait3A_51 = arith.constant 0 : i32
    %dma_wait3A_52 = tpu.memref_slice %arg7[%dma_wait3A_50, %dma_wait3A_51] : memref<80x128xi32, #tpu.memory_space<vmem>> -> memref<1x128xi32, #tpu.memory_space<vmem>>
    %dma_wait3A_53 = tpu.memref_squeeze %dma_wait3A_52 : memref<1x128xi32, #tpu.memory_space<vmem>> -> memref<128xi32, #tpu.memory_space<vmem>>
    %dma_wait3A_54 = arith.constant 0 : i32
    %dma_wait3A_55 = arith.constant 0 : i32
    %dma_wait3A_56 = tpu.memref_slice %arg2[%dma_wait3A_54, %dma_wait3A_55] : memref<10240x128xf32, #tpu.memory_space<hbm>> -> memref<10240x128xf32, #tpu.memory_space<hbm>>
    tpu.wait_indirect_dma semaphore(%arg12 : memref<!tpu.dma_semaphore, #tpu.memory_space<semaphore_mem>>) src(%dma_wait3A_56 : memref<10240x128xf32, #tpu.memory_space<hbm>>) dst(%arg10 : memref<128x128xf32, #tpu.memory_space<vmem>>)
    %dma_wait3A_57 = arith.constant 1 : i32
    %dma_wait3A_58 = arith.constant 0 : i32
    %dma_wait3A_59 = tpu.memref_slice %arg8[%dma_wait3A_57, %dma_wait3A_58] : memref<2x128xi32, #tpu.memory_space<vmem>> -> memref<1x128xi32, #tpu.memory_space<vmem>>
    %dma_wait3A_60 = tpu.memref_squeeze %dma_wait3A_59 : memref<1x128xi32, #tpu.memory_space<vmem>> -> memref<128xi32, #tpu.memory_space<vmem>>
    %dma_wait3A_61 = arith.constant 0 : i32
    %dma_wait3A_62 = tpu.memref_slice %arg4[%sub3A_35, %dma_wait3A_61] : memref<2560x128xi32, #tpu.memory_space<hbm>> -> memref<1x128xi32, #tpu.memory_space<hbm>>
    %dma_wait3A_63 = tpu.memref_squeeze %dma_wait3A_62 : memref<1x128xi32, #tpu.memory_space<hbm>> -> memref<128xi32, #tpu.memory_space<hbm>>
    %dma_wait3A_64 = arith.constant 0 : i32
    %dma_wait3A_65 = tpu.memref_slice %arg8[%dma_wait3A_57, %dma_wait3A_64] : memref<2x128xi32, #tpu.memory_space<vmem>> -> memref<1x128xi32, #tpu.memory_space<vmem>>
    %dma_wait3A_66 = tpu.memref_squeeze %dma_wait3A_65 : memref<1x128xi32, #tpu.memory_space<vmem>> -> memref<128xi32, #tpu.memory_space<vmem>>
    %dma_wait3A_67 = arith.constant 0 : i32
    %dma_wait3A_68 = tpu.memref_slice %arg4[%sub3A_35, %dma_wait3A_67] : memref<2560x128xi32, #tpu.memory_space<hbm>> -> memref<1x128xi32, #tpu.memory_space<hbm>>
    %dma_wait3A_69 = tpu.memref_squeeze %dma_wait3A_68 : memref<1x128xi32, #tpu.memory_space<hbm>> -> memref<128xi32, #tpu.memory_space<hbm>>
    tpu.wait_dma2 semaphore(%arg13 : memref<!tpu.dma_semaphore, #tpu.memory_space<semaphore_mem>>) src(%dma_wait3A_69 : memref<128xi32, #tpu.memory_space<hbm>>) dst(%dma_wait3A_66 : memref<128xi32, #tpu.memory_space<vmem>>)
    %run_scoped3A_70 = arith.constant 1 : i32
    "tpu.region"() ({
      %run_scoped3A_72 = tpu.sem_alloc : memref<!tpu.dma_semaphore, #tpu.memory_space<semaphore_mem>>
      %dma_start3A_73 = arith.constant 0 : i32
      %dma_start3A_74 = tpu.memref_slice %arg8[%run_scoped3A_70, %dma_start3A_73] : memref<2x128xi32, #tpu.memory_space<vmem>> -> memref<1x128xi32, #tpu.memory_space<vmem>>
      %dma_start3A_75 = tpu.memref_squeeze %dma_start3A_74 : memref<1x128xi32, #tpu.memory_space<vmem>> -> memref<128xi32, #tpu.memory_space<vmem>>
      %dma_start3A_76 = arith.constant 0 : i32
      %dma_start3A_77 = arith.constant 0 : i32
      %dma_start3A_78 = tpu.memref_slice %arg11[%dma_start3A_76, %dma_start3A_77] : memref<10240x128xf32, #tpu.memory_space<vmem_shared>> -> memref<10240x128xf32, #tpu.memory_space<vmem_shared>>
      tpu.enqueue_indirect_dma source(%arg10 : memref<128x128xf32, #tpu.memory_space<vmem>>) target(%dma_start3A_78 : memref<10240x128xf32, #tpu.memory_space<vmem_shared>>) offsets(%dma_start3A_75 : memref<128xi32, #tpu.memory_space<vmem>>) semaphore(%run_scoped3A_72 : memref<!tpu.dma_semaphore, #tpu.memory_space<semaphore_mem>>) {add = true}
      %dma_wait3A_79 = arith.constant 0 : i32
      %dma_wait3A_80 = tpu.memref_slice %arg8[%run_scoped3A_70, %dma_wait3A_79] : memref<2x128xi32, #tpu.memory_space<vmem>> -> memref<1x128xi32, #tpu.memory_space<vmem>>
      %dma_wait3A_81 = tpu.memref_squeeze %dma_wait3A_80 : memref<1x128xi32, #tpu.memory_space<vmem>> -> memref<128xi32, #tpu.memory_space<vmem>>
      %dma_wait3A_82 = arith.constant 0 : i32
      %dma_wait3A_83 = arith.constant 0 : i32
      %dma_wait3A_84 = tpu.memref_slice %arg11[%dma_wait3A_82, %dma_wait3A_83] : memref<10240x128xf32, #tpu.memory_space<vmem_shared>> -> memref<10240x128xf32, #tpu.memory_space<vmem_shared>>
      tpu.wait_indirect_dma semaphore(%run_scoped3A_72 : memref<!tpu.dma_semaphore, #tpu.memory_space<semaphore_mem>>) src(%arg10 : memref<128x128xf32, #tpu.memory_space<vmem>>) dst(%dma_wait3A_84 : memref<10240x128xf32, #tpu.memory_space<vmem_shared>>)
      tpu.yield
    }) : () -> ()
    %barrier3A_71 = arith.constant 0 : index
    tpu.barrier barrier_id(%barrier3A_71)
    "tpu.region"() ({
      %run_scoped3A_72 = tpu.sem_alloc : memref<!tpu.dma_semaphore, #tpu.memory_space<semaphore_mem>>
      %dma_start3A_73 = arith.constant 0 : i32
      %dma_start3A_74 = tpu.memref_slice %arg6[%arg0, %multiple_of3A, %dma_start3A_73] : memref<2x10240x128xf32, #tpu.memory_space<hbm>> -> memref<1x640x128xf32, #tpu.memory_space<hbm>>
      %dma_start3A_75 = tpu.memref_squeeze %dma_start3A_74 : memref<1x640x128xf32, #tpu.memory_space<hbm>> -> memref<640x128xf32, #tpu.memory_space<hbm>>
      %dma_start3A_76 = arith.constant 0 : i32
      %dma_start3A_77 = tpu.memref_slice %arg11[%multiple_of3A, %dma_start3A_76] : memref<10240x128xf32, #tpu.memory_space<vmem_shared>> -> memref<640x128xf32, #tpu.memory_space<vmem_shared>>
      tpu.enqueue_dma source(%dma_start3A_77 : memref<640x128xf32, #tpu.memory_space<vmem_shared>>) target(%dma_start3A_75 : memref<640x128xf32, #tpu.memory_space<hbm>>) target_semaphore(%run_scoped3A_72 : memref<!tpu.dma_semaphore, #tpu.memory_space<semaphore_mem>>)
      %dma_wait3A_78 = arith.constant 0 : i32
      %dma_wait3A_79 = tpu.memref_slice %arg6[%arg0, %multiple_of3A, %dma_wait3A_78] : memref<2x10240x128xf32, #tpu.memory_space<hbm>> -> memref<1x640x128xf32, #tpu.memory_space<hbm>>
      %dma_wait3A_80 = tpu.memref_squeeze %dma_wait3A_79 : memref<1x640x128xf32, #tpu.memory_space<hbm>> -> memref<640x128xf32, #tpu.memory_space<hbm>>
      %dma_wait3A_81 = arith.constant 0 : i32
      %dma_wait3A_82 = tpu.memref_slice %arg11[%multiple_of3A, %dma_wait3A_81] : memref<10240x128xf32, #tpu.memory_space<vmem_shared>> -> memref<640x128xf32, #tpu.memory_space<vmem_shared>>
      tpu.wait_dma2 semaphore(%run_scoped3A_72 : memref<!tpu.dma_semaphore, #tpu.memory_space<semaphore_mem>>) src(%dma_wait3A_82 : memref<640x128xf32, #tpu.memory_space<vmem_shared>>) dst(%dma_wait3A_80 : memref<640x128xf32, #tpu.memory_space<hbm>>)
      tpu.yield
    }) : () -> ()
    return
  }
}

#map = affine_map<(d0, d1) -> (0, 0)>
#map1 = affine_map<(d0, d1) -> (0, 0, 0)>
module attributes {stable_mosaic.version = 14 : i64} {
  func.func @agg_kernel(%arg0: i32, %arg1: i32, %arg2: memref<10240x128xf32, #tpu.memory_space<hbm>>, %arg3: memref<2560x128xi32, #tpu.memory_space<hbm>>, %arg4: memref<2560x128xi32, #tpu.memory_space<hbm>>, %arg5: memref<640x128xf32, #tpu.memory_space<hbm>>, %arg6: memref<2x10240x128xf32, #tpu.memory_space<hbm>>, %arg7: memref<80x128xi32, #tpu.memory_space<vmem>>, %arg8: memref<2x128xi32, #tpu.memory_space<vmem>>, %arg9: memref<128x128xf32, #tpu.memory_space<vmem>>, %arg10: memref<128x128xf32, #tpu.memory_space<vmem>>, %arg11: memref<10240x128xf32, #tpu.memory_space<vmem_shared>>, %arg12: memref<!tpu.dma_semaphore, #tpu.memory_space<semaphore_mem>>, %arg13: memref<!tpu.dma_semaphore, #tpu.memory_space<semaphore_mem>>) attributes {dimension_semantics = [#tpu.dimension_semantics<core_parallel>, #tpu.dimension_semantics<subcore_parallel>], iteration_bounds = array<i64: 2, 16>, scalar_prefetch = 0 : i64, scratch_operands = 7 : i64, tpu.core_type = #tpu.core_type<sc_vector_subcore>, window_params = [{transform_indices = #map}, {transform_indices = #map}, {transform_indices = #map}, {transform_indices = #map}, {transform_indices = #map1}]} {
    %mul3A = arith.constant 2 : i32
    %mul3A_0 = arith.muli %arg1, %mul3A : i32
    %add3A = arith.addi %mul3A_0, %arg0 : i32
    %mul3A_1 = arith.constant 640 : i32
    %mul3A_2 = arith.muli %arg1, %mul3A_1 : i32
    %multiple_of3A = tpu.assume_multiple %mul3A_2, 128 : i32
    %mul3A_3 = arith.constant 80 : i32
    %mul3A_4 = arith.muli %add3A, %mul3A_3 : i32
    %dma_start3A = arith.constant 0 : i32
    %dma_start3A_5 = tpu.memref_slice %arg11[%multiple_of3A, %dma_start3A] : memref<10240x128xf32, #tpu.memory_space<vmem_shared>> -> memref<640x128xf32, #tpu.memory_space<vmem_shared>>
    tpu.enqueue_dma source(%arg5 : memref<640x128xf32, #tpu.memory_space<hbm>>) target(%dma_start3A_5 : memref<640x128xf32, #tpu.memory_space<vmem_shared>>) target_semaphore(%arg13 : memref<!tpu.dma_semaphore, #tpu.memory_space<semaphore_mem>>)
    "tpu.region"() ({
      %run_scoped3A_72 = tpu.sem_alloc : memref<!tpu.dma_semaphore, #tpu.memory_space<semaphore_mem>>
      %dma_start3A_73 = arith.constant 0 : i32
      %dma_start3A_74 = tpu.memref_slice %arg3[%mul3A_4, %dma_start3A_73] : memref<2560x128xi32, #tpu.memory_space<hbm>> -> memref<80x128xi32, #tpu.memory_space<hbm>>
      %dma_start3A_75 = arith.constant 0 : i32
      %dma_start3A_76 = tpu.memref_slice %arg3[%mul3A_4, %dma_start3A_75] : memref<2560x128xi32, #tpu.memory_space<hbm>> -> memref<80x128xi32, #tpu.memory_space<hbm>>
      tpu.enqueue_dma source(%dma_start3A_76 : memref<80x128xi32, #tpu.memory_space<hbm>>) target(%arg7 : memref<80x128xi32, #tpu.memory_space<vmem>>) target_semaphore(%run_scoped3A_72 : memref<!tpu.dma_semaphore, #tpu.memory_space<semaphore_mem>>)
      %dma_wait3A_77 = arith.constant 0 : i32
      %dma_wait3A_78 = tpu.memref_slice %arg3[%mul3A_4, %dma_wait3A_77] : memref<2560x128xi32, #tpu.memory_space<hbm>> -> memref<80x128xi32, #tpu.memory_space<hbm>>
      %dma_wait3A_79 = arith.constant 0 : i32
      %dma_wait3A_80 = tpu.memref_slice %arg3[%mul3A_4, %dma_wait3A_79] : memref<2560x128xi32, #tpu.memory_space<hbm>> -> memref<80x128xi32, #tpu.memory_space<hbm>>
      tpu.wait_dma2 semaphore(%run_scoped3A_72 : memref<!tpu.dma_semaphore, #tpu.memory_space<semaphore_mem>>) src(%dma_wait3A_80 : memref<80x128xi32, #tpu.memory_space<hbm>>) dst(%arg7 : memref<80x128xi32, #tpu.memory_space<vmem>>)
      tpu.yield
    }) : () -> ()
    %dma_start3A_6 = arith.constant 0 : i32
    %dma_start3A_7 = arith.constant 0 : i32
    %dma_start3A_8 = tpu.memref_slice %arg7[%dma_start3A_6, %dma_start3A_7] : memref<80x128xi32, #tpu.memory_space<vmem>> -> memref<1x128xi32, #tpu.memory_space<vmem>>
    %dma_start3A_9 = tpu.memref_squeeze %dma_start3A_8 : memref<1x128xi32, #tpu.memory_space<vmem>> -> memref<128xi32, #tpu.memory_space<vmem>>
    %dma_start3A_10 = arith.constant 0 : i32
    %dma_start3A_11 = arith.constant 0 : i32
    %dma_start3A_12 = tpu.memref_slice %arg2[%dma_start3A_10, %dma_start3A_11] : memref<10240x128xf32, #tpu.memory_space<hbm>> -> memref<10240x128xf32, #tpu.memory_space<hbm>>
    tpu.enqueue_indirect_dma source(%dma_start3A_12 : memref<10240x128xf32, #tpu.memory_space<hbm>>) target(%arg9 : memref<128x128xf32, #tpu.memory_space<vmem>>) offsets(%dma_start3A_9 : memref<128xi32, #tpu.memory_space<vmem>>) semaphore(%arg12 : memref<!tpu.dma_semaphore, #tpu.memory_space<semaphore_mem>>)
    %run_scoped3A = arith.constant 0 : i32
    "tpu.region"() ({
      %run_scoped3A_72 = tpu.sem_alloc : memref<!tpu.dma_semaphore, #tpu.memory_space<semaphore_mem>>
      %dma_start3A_73 = arith.constant 0 : i32
      %dma_start3A_74 = tpu.memref_slice %arg8[%run_scoped3A, %dma_start3A_73] : memref<2x128xi32, #tpu.memory_space<vmem>> -> memref<1x128xi32, #tpu.memory_space<vmem>>
      %dma_start3A_75 = tpu.memref_squeeze %dma_start3A_74 : memref<1x128xi32, #tpu.memory_space<vmem>> -> memref<128xi32, #tpu.memory_space<vmem>>
      %dma_start3A_76 = arith.constant 0 : i32
      %dma_start3A_77 = tpu.memref_slice %arg4[%mul3A_4, %dma_start3A_76] : memref<2560x128xi32, #tpu.memory_space<hbm>> -> memref<1x128xi32, #tpu.memory_space<hbm>>
      %dma_start3A_78 = tpu.memref_squeeze %dma_start3A_77 : memref<1x128xi32, #tpu.memory_space<hbm>> -> memref<128xi32, #tpu.memory_space<hbm>>
      %dma_start3A_79 = arith.constant 0 : i32
      %dma_start3A_80 = tpu.memref_slice %arg8[%run_scoped3A, %dma_start3A_79] : memref<2x128xi32, #tpu.memory_space<vmem>> -> memref<1x128xi32, #tpu.memory_space<vmem>>
      %dma_start3A_81 = tpu.memref_squeeze %dma_start3A_80 : memref<1x128xi32, #tpu.memory_space<vmem>> -> memref<128xi32, #tpu.memory_space<vmem>>
      %dma_start3A_82 = arith.constant 0 : i32
      %dma_start3A_83 = tpu.memref_slice %arg4[%mul3A_4, %dma_start3A_82] : memref<2560x128xi32, #tpu.memory_space<hbm>> -> memref<1x128xi32, #tpu.memory_space<hbm>>
      %dma_start3A_84 = tpu.memref_squeeze %dma_start3A_83 : memref<1x128xi32, #tpu.memory_space<hbm>> -> memref<128xi32, #tpu.memory_space<hbm>>
      tpu.enqueue_dma source(%dma_start3A_84 : memref<128xi32, #tpu.memory_space<hbm>>) target(%dma_start3A_81 : memref<128xi32, #tpu.memory_space<vmem>>) target_semaphore(%run_scoped3A_72 : memref<!tpu.dma_semaphore, #tpu.memory_space<semaphore_mem>>)
      %dma_wait3A_85 = arith.constant 0 : i32
      %dma_wait3A_86 = tpu.memref_slice %arg8[%run_scoped3A, %dma_wait3A_85] : memref<2x128xi32, #tpu.memory_space<vmem>> -> memref<1x128xi32, #tpu.memory_space<vmem>>
      %dma_wait3A_87 = tpu.memref_squeeze %dma_wait3A_86 : memref<1x128xi32, #tpu.memory_space<vmem>> -> memref<128xi32, #tpu.memory_space<vmem>>
      %dma_wait3A_88 = arith.constant 0 : i32
      %dma_wait3A_89 = tpu.memref_slice %arg4[%mul3A_4, %dma_wait3A_88] : memref<2560x128xi32, #tpu.memory_space<hbm>> -> memref<1x128xi32, #tpu.memory_space<hbm>>
      %dma_wait3A_90 = tpu.memref_squeeze %dma_wait3A_89 : memref<1x128xi32, #tpu.memory_space<hbm>> -> memref<128xi32, #tpu.memory_space<hbm>>
      %dma_wait3A_91 = arith.constant 0 : i32
      %dma_wait3A_92 = tpu.memref_slice %arg8[%run_scoped3A, %dma_wait3A_91] : memref<2x128xi32, #tpu.memory_space<vmem>> -> memref<1x128xi32, #tpu.memory_space<vmem>>
      %dma_wait3A_93 = tpu.memref_squeeze %dma_wait3A_92 : memref<1x128xi32, #tpu.memory_space<vmem>> -> memref<128xi32, #tpu.memory_space<vmem>>
      %dma_wait3A_94 = arith.constant 0 : i32
      %dma_wait3A_95 = tpu.memref_slice %arg4[%mul3A_4, %dma_wait3A_94] : memref<2560x128xi32, #tpu.memory_space<hbm>> -> memref<1x128xi32, #tpu.memory_space<hbm>>
      %dma_wait3A_96 = tpu.memref_squeeze %dma_wait3A_95 : memref<1x128xi32, #tpu.memory_space<hbm>> -> memref<128xi32, #tpu.memory_space<hbm>>
      tpu.wait_dma2 semaphore(%run_scoped3A_72 : memref<!tpu.dma_semaphore, #tpu.memory_space<semaphore_mem>>) src(%dma_wait3A_96 : memref<128xi32, #tpu.memory_space<hbm>>) dst(%dma_wait3A_93 : memref<128xi32, #tpu.memory_space<vmem>>)
      tpu.yield
    }) : () -> ()
    %dma_wait3A = arith.constant 0 : i32
    %dma_wait3A_13 = tpu.memref_slice %arg11[%multiple_of3A, %dma_wait3A] : memref<10240x128xf32, #tpu.memory_space<vmem_shared>> -> memref<640x128xf32, #tpu.memory_space<vmem_shared>>
    tpu.wait_dma2 semaphore(%arg13 : memref<!tpu.dma_semaphore, #tpu.memory_space<semaphore_mem>>) src(%arg5 : memref<640x128xf32, #tpu.memory_space<hbm>>) dst(%dma_wait3A_13 : memref<640x128xf32, #tpu.memory_space<vmem_shared>>)
    %barrier3A = arith.constant 0 : index
    tpu.barrier barrier_id(%barrier3A)
    %dma_wait3A_14 = arith.constant 0 : i32
    %dma_wait3A_15 = arith.constant 0 : i32
    %dma_wait3A_16 = tpu.memref_slice %arg7[%dma_wait3A_14, %dma_wait3A_15] : memref<80x128xi32, #tpu.memory_space<vmem>> -> memref<1x128xi32, #tpu.memory_space<vmem>>
    %dma_wait3A_17 = tpu.memref_squeeze %dma_wait3A_16 : memref<1x128xi32, #tpu.memory_space<vmem>> -> memref<128xi32, #tpu.memory_space<vmem>>
    %dma_wait3A_18 = arith.constant 0 : i32
    %dma_wait3A_19 = arith.constant 0 : i32
    %dma_wait3A_20 = tpu.memref_slice %arg2[%dma_wait3A_18, %dma_wait3A_19] : memref<10240x128xf32, #tpu.memory_space<hbm>> -> memref<10240x128xf32, #tpu.memory_space<hbm>>
    tpu.wait_indirect_dma semaphore(%arg12 : memref<!tpu.dma_semaphore, #tpu.memory_space<semaphore_mem>>) src(%dma_wait3A_20 : memref<10240x128xf32, #tpu.memory_space<hbm>>) dst(%arg9 : memref<128x128xf32, #tpu.memory_space<vmem>>)
    %scan3A = arith.constant 0 : i32
    %scan3A_21 = arith.constant 0 : i32
    %scan3A_22 = arith.constant 39 : i32
    %scan3A_23 = arith.addi %scan3A_21, %scan3A_22 : i32
    %scan3A_24 = arith.constant 1 : i32
    scf.for %scan3A_72 = %scan3A_21 to %scan3A_23 step %scan3A_24  : i32 {
      %mul3A_73 = arith.constant 2 : i32
      %mul3A_74 = arith.muli %scan3A_72, %mul3A_73 : i32
      %add3A_75 = arith.constant 1 : i32
      %add3A_76 = arith.addi %mul3A_74, %add3A_75 : i32
      %dma_start3A_77 = arith.constant 0 : i32
      %dma_start3A_78 = tpu.memref_slice %arg7[%add3A_76, %dma_start3A_77] : memref<80x128xi32, #tpu.memory_space<vmem>> -> memref<1x128xi32, #tpu.memory_space<vmem>>
      %dma_start3A_79 = tpu.memref_squeeze %dma_start3A_78 : memref<1x128xi32, #tpu.memory_space<vmem>> -> memref<128xi32, #tpu.memory_space<vmem>>
      %dma_start3A_80 = arith.constant 0 : i32
      %dma_start3A_81 = arith.constant 0 : i32
      %dma_start3A_82 = tpu.memref_slice %arg2[%dma_start3A_80, %dma_start3A_81] : memref<10240x128xf32, #tpu.memory_space<hbm>> -> memref<10240x128xf32, #tpu.memory_space<hbm>>
      tpu.enqueue_indirect_dma source(%dma_start3A_82 : memref<10240x128xf32, #tpu.memory_space<hbm>>) target(%arg10 : memref<128x128xf32, #tpu.memory_space<vmem>>) offsets(%dma_start3A_79 : memref<128xi32, #tpu.memory_space<vmem>>) semaphore(%arg12 : memref<!tpu.dma_semaphore, #tpu.memory_space<semaphore_mem>>)
      %add3A_83 = arith.addi %mul3A_4, %mul3A_74 : i32
      %add3A_84 = arith.constant 1 : i32
      %add3A_85 = arith.addi %add3A_83, %add3A_84 : i32
      %dma_start3A_86 = arith.constant 1 : i32
      %dma_start3A_87 = arith.constant 0 : i32
      %dma_start3A_88 = tpu.memref_slice %arg8[%dma_start3A_86, %dma_start3A_87] : memref<2x128xi32, #tpu.memory_space<vmem>> -> memref<1x128xi32, #tpu.memory_space<vmem>>
      %dma_start3A_89 = tpu.memref_squeeze %dma_start3A_88 : memref<1x128xi32, #tpu.memory_space<vmem>> -> memref<128xi32, #tpu.memory_space<vmem>>
      %dma_start3A_90 = arith.constant 0 : i32
      %dma_start3A_91 = tpu.memref_slice %arg4[%add3A_85, %dma_start3A_90] : memref<2560x128xi32, #tpu.memory_space<hbm>> -> memref<1x128xi32, #tpu.memory_space<hbm>>
      %dma_start3A_92 = tpu.memref_squeeze %dma_start3A_91 : memref<1x128xi32, #tpu.memory_space<hbm>> -> memref<128xi32, #tpu.memory_space<hbm>>
      %dma_start3A_93 = arith.constant 0 : i32
      %dma_start3A_94 = tpu.memref_slice %arg8[%dma_start3A_86, %dma_start3A_93] : memref<2x128xi32, #tpu.memory_space<vmem>> -> memref<1x128xi32, #tpu.memory_space<vmem>>
      %dma_start3A_95 = tpu.memref_squeeze %dma_start3A_94 : memref<1x128xi32, #tpu.memory_space<vmem>> -> memref<128xi32, #tpu.memory_space<vmem>>
      %dma_start3A_96 = arith.constant 0 : i32
      %dma_start3A_97 = tpu.memref_slice %arg4[%add3A_85, %dma_start3A_96] : memref<2560x128xi32, #tpu.memory_space<hbm>> -> memref<1x128xi32, #tpu.memory_space<hbm>>
      %dma_start3A_98 = tpu.memref_squeeze %dma_start3A_97 : memref<1x128xi32, #tpu.memory_space<hbm>> -> memref<128xi32, #tpu.memory_space<hbm>>
      tpu.enqueue_dma source(%dma_start3A_98 : memref<128xi32, #tpu.memory_space<hbm>>) target(%dma_start3A_95 : memref<128xi32, #tpu.memory_space<vmem>>) target_semaphore(%arg13 : memref<!tpu.dma_semaphore, #tpu.memory_space<semaphore_mem>>)
      %run_scoped3A_99 = arith.constant 0 : i32
      "tpu.region"() ({
        %run_scoped3A_163 = tpu.sem_alloc : memref<!tpu.dma_semaphore, #tpu.memory_space<semaphore_mem>>
        %dma_start3A_164 = arith.constant 0 : i32
        %dma_start3A_165 = tpu.memref_slice %arg8[%run_scoped3A_99, %dma_start3A_164] : memref<2x128xi32, #tpu.memory_space<vmem>> -> memref<1x128xi32, #tpu.memory_space<vmem>>
        %dma_start3A_166 = tpu.memref_squeeze %dma_start3A_165 : memref<1x128xi32, #tpu.memory_space<vmem>> -> memref<128xi32, #tpu.memory_space<vmem>>
        %dma_start3A_167 = arith.constant 0 : i32
        %dma_start3A_168 = arith.constant 0 : i32
        %dma_start3A_169 = tpu.memref_slice %arg11[%dma_start3A_167, %dma_start3A_168] : memref<10240x128xf32, #tpu.memory_space<vmem_shared>> -> memref<10240x128xf32, #tpu.memory_space<vmem_shared>>
        tpu.enqueue_indirect_dma source(%arg9 : memref<128x128xf32, #tpu.memory_space<vmem>>) target(%dma_start3A_169 : memref<10240x128xf32, #tpu.memory_space<vmem_shared>>) offsets(%dma_start3A_166 : memref<128xi32, #tpu.memory_space<vmem>>) semaphore(%run_scoped3A_163 : memref<!tpu.dma_semaphore, #tpu.memory_space<semaphore_mem>>) {add = true}
        %dma_wait3A_170 = arith.constant 0 : i32
        %dma_wait3A_171 = tpu.memref_slice %arg8[%run_scoped3A_99, %dma_wait3A_170] : memref<2x128xi32, #tpu.memory_space<vmem>> -> memref<1x128xi32, #tpu.memory_space<vmem>>
        %dma_wait3A_172 = tpu.memref_squeeze %dma_wait3A_171 : memref<1x128xi32, #tpu.memory_space<vmem>> -> memref<128xi32, #tpu.memory_space<vmem>>
        %dma_wait3A_173 = arith.constant 0 : i32
        %dma_wait3A_174 = arith.constant 0 : i32
        %dma_wait3A_175 = tpu.memref_slice %arg11[%dma_wait3A_173, %dma_wait3A_174] : memref<10240x128xf32, #tpu.memory_space<vmem_shared>> -> memref<10240x128xf32, #tpu.memory_space<vmem_shared>>
        tpu.wait_indirect_dma semaphore(%run_scoped3A_163 : memref<!tpu.dma_semaphore, #tpu.memory_space<semaphore_mem>>) src(%arg9 : memref<128x128xf32, #tpu.memory_space<vmem>>) dst(%dma_wait3A_175 : memref<10240x128xf32, #tpu.memory_space<vmem_shared>>)
        tpu.yield
      }) : () -> ()
      %dma_wait3A_100 = arith.constant 0 : i32
      %dma_wait3A_101 = tpu.memref_slice %arg7[%add3A_76, %dma_wait3A_100] : memref<80x128xi32, #tpu.memory_space<vmem>> -> memref<1x128xi32, #tpu.memory_space<vmem>>
      %dma_wait3A_102 = tpu.memref_squeeze %dma_wait3A_101 : memref<1x128xi32, #tpu.memory_space<vmem>> -> memref<128xi32, #tpu.memory_space<vmem>>
      %dma_wait3A_103 = arith.constant 0 : i32
      %dma_wait3A_104 = arith.constant 0 : i32
      %dma_wait3A_105 = tpu.memref_slice %arg2[%dma_wait3A_103, %dma_wait3A_104] : memref<10240x128xf32, #tpu.memory_space<hbm>> -> memref<10240x128xf32, #tpu.memory_space<hbm>>
      tpu.wait_indirect_dma semaphore(%arg12 : memref<!tpu.dma_semaphore, #tpu.memory_space<semaphore_mem>>) src(%dma_wait3A_105 : memref<10240x128xf32, #tpu.memory_space<hbm>>) dst(%arg10 : memref<128x128xf32, #tpu.memory_space<vmem>>)
      %dma_wait3A_106 = arith.constant 1 : i32
      %dma_wait3A_107 = arith.constant 0 : i32
      %dma_wait3A_108 = tpu.memref_slice %arg8[%dma_wait3A_106, %dma_wait3A_107] : memref<2x128xi32, #tpu.memory_space<vmem>> -> memref<1x128xi32, #tpu.memory_space<vmem>>
      %dma_wait3A_109 = tpu.memref_squeeze %dma_wait3A_108 : memref<1x128xi32, #tpu.memory_space<vmem>> -> memref<128xi32, #tpu.memory_space<vmem>>
      %dma_wait3A_110 = arith.constant 0 : i32
      %dma_wait3A_111 = tpu.memref_slice %arg4[%add3A_85, %dma_wait3A_110] : memref<2560x128xi32, #tpu.memory_space<hbm>> -> memref<1x128xi32, #tpu.memory_space<hbm>>
      %dma_wait3A_112 = tpu.memref_squeeze %dma_wait3A_111 : memref<1x128xi32, #tpu.memory_space<hbm>> -> memref<128xi32, #tpu.memory_space<hbm>>
      %dma_wait3A_113 = arith.constant 0 : i32
      %dma_wait3A_114 = tpu.memref_slice %arg8[%dma_wait3A_106, %dma_wait3A_113] : memref<2x128xi32, #tpu.memory_space<vmem>> -> memref<1x128xi32, #tpu.memory_space<vmem>>
      %dma_wait3A_115 = tpu.memref_squeeze %dma_wait3A_114 : memref<1x128xi32, #tpu.memory_space<vmem>> -> memref<128xi32, #tpu.memory_space<vmem>>
      %dma_wait3A_116 = arith.constant 0 : i32
      %dma_wait3A_117 = tpu.memref_slice %arg4[%add3A_85, %dma_wait3A_116] : memref<2560x128xi32, #tpu.memory_space<hbm>> -> memref<1x128xi32, #tpu.memory_space<hbm>>
      %dma_wait3A_118 = tpu.memref_squeeze %dma_wait3A_117 : memref<1x128xi32, #tpu.memory_space<hbm>> -> memref<128xi32, #tpu.memory_space<hbm>>
      tpu.wait_dma2 semaphore(%arg13 : memref<!tpu.dma_semaphore, #tpu.memory_space<semaphore_mem>>) src(%dma_wait3A_118 : memref<128xi32, #tpu.memory_space<hbm>>) dst(%dma_wait3A_115 : memref<128xi32, #tpu.memory_space<vmem>>)
      %add3A_119 = arith.constant 2 : i32
      %add3A_120 = arith.addi %mul3A_74, %add3A_119 : i32
      %dma_start3A_121 = arith.constant 0 : i32
      %dma_start3A_122 = tpu.memref_slice %arg7[%add3A_120, %dma_start3A_121] : memref<80x128xi32, #tpu.memory_space<vmem>> -> memref<1x128xi32, #tpu.memory_space<vmem>>
      %dma_start3A_123 = tpu.memref_squeeze %dma_start3A_122 : memref<1x128xi32, #tpu.memory_space<vmem>> -> memref<128xi32, #tpu.memory_space<vmem>>
      %dma_start3A_124 = arith.constant 0 : i32
      %dma_start3A_125 = arith.constant 0 : i32
      %dma_start3A_126 = tpu.memref_slice %arg2[%dma_start3A_124, %dma_start3A_125] : memref<10240x128xf32, #tpu.memory_space<hbm>> -> memref<10240x128xf32, #tpu.memory_space<hbm>>
      tpu.enqueue_indirect_dma source(%dma_start3A_126 : memref<10240x128xf32, #tpu.memory_space<hbm>>) target(%arg9 : memref<128x128xf32, #tpu.memory_space<vmem>>) offsets(%dma_start3A_123 : memref<128xi32, #tpu.memory_space<vmem>>) semaphore(%arg12 : memref<!tpu.dma_semaphore, #tpu.memory_space<semaphore_mem>>)
      %add3A_127 = arith.addi %mul3A_4, %mul3A_74 : i32
      %add3A_128 = arith.constant 2 : i32
      %add3A_129 = arith.addi %add3A_127, %add3A_128 : i32
      %dma_start3A_130 = arith.constant 0 : i32
      %dma_start3A_131 = arith.constant 0 : i32
      %dma_start3A_132 = tpu.memref_slice %arg8[%dma_start3A_130, %dma_start3A_131] : memref<2x128xi32, #tpu.memory_space<vmem>> -> memref<1x128xi32, #tpu.memory_space<vmem>>
      %dma_start3A_133 = tpu.memref_squeeze %dma_start3A_132 : memref<1x128xi32, #tpu.memory_space<vmem>> -> memref<128xi32, #tpu.memory_space<vmem>>
      %dma_start3A_134 = arith.constant 0 : i32
      %dma_start3A_135 = tpu.memref_slice %arg4[%add3A_129, %dma_start3A_134] : memref<2560x128xi32, #tpu.memory_space<hbm>> -> memref<1x128xi32, #tpu.memory_space<hbm>>
      %dma_start3A_136 = tpu.memref_squeeze %dma_start3A_135 : memref<1x128xi32, #tpu.memory_space<hbm>> -> memref<128xi32, #tpu.memory_space<hbm>>
      %dma_start3A_137 = arith.constant 0 : i32
      %dma_start3A_138 = tpu.memref_slice %arg8[%dma_start3A_130, %dma_start3A_137] : memref<2x128xi32, #tpu.memory_space<vmem>> -> memref<1x128xi32, #tpu.memory_space<vmem>>
      %dma_start3A_139 = tpu.memref_squeeze %dma_start3A_138 : memref<1x128xi32, #tpu.memory_space<vmem>> -> memref<128xi32, #tpu.memory_space<vmem>>
      %dma_start3A_140 = arith.constant 0 : i32
      %dma_start3A_141 = tpu.memref_slice %arg4[%add3A_129, %dma_start3A_140] : memref<2560x128xi32, #tpu.memory_space<hbm>> -> memref<1x128xi32, #tpu.memory_space<hbm>>
      %dma_start3A_142 = tpu.memref_squeeze %dma_start3A_141 : memref<1x128xi32, #tpu.memory_space<hbm>> -> memref<128xi32, #tpu.memory_space<hbm>>
      tpu.enqueue_dma source(%dma_start3A_142 : memref<128xi32, #tpu.memory_space<hbm>>) target(%dma_start3A_139 : memref<128xi32, #tpu.memory_space<vmem>>) target_semaphore(%arg13 : memref<!tpu.dma_semaphore, #tpu.memory_space<semaphore_mem>>)
      %run_scoped3A_143 = arith.constant 1 : i32
      "tpu.region"() ({
        %run_scoped3A_163 = tpu.sem_alloc : memref<!tpu.dma_semaphore, #tpu.memory_space<semaphore_mem>>
        %dma_start3A_164 = arith.constant 0 : i32
        %dma_start3A_165 = tpu.memref_slice %arg8[%run_scoped3A_143, %dma_start3A_164] : memref<2x128xi32, #tpu.memory_space<vmem>> -> memref<1x128xi32, #tpu.memory_space<vmem>>
        %dma_start3A_166 = tpu.memref_squeeze %dma_start3A_165 : memref<1x128xi32, #tpu.memory_space<vmem>> -> memref<128xi32, #tpu.memory_space<vmem>>
        %dma_start3A_167 = arith.constant 0 : i32
        %dma_start3A_168 = arith.constant 0 : i32
        %dma_start3A_169 = tpu.memref_slice %arg11[%dma_start3A_167, %dma_start3A_168] : memref<10240x128xf32, #tpu.memory_space<vmem_shared>> -> memref<10240x128xf32, #tpu.memory_space<vmem_shared>>
        tpu.enqueue_indirect_dma source(%arg10 : memref<128x128xf32, #tpu.memory_space<vmem>>) target(%dma_start3A_169 : memref<10240x128xf32, #tpu.memory_space<vmem_shared>>) offsets(%dma_start3A_166 : memref<128xi32, #tpu.memory_space<vmem>>) semaphore(%run_scoped3A_163 : memref<!tpu.dma_semaphore, #tpu.memory_space<semaphore_mem>>) {add = true}
        %dma_wait3A_170 = arith.constant 0 : i32
        %dma_wait3A_171 = tpu.memref_slice %arg8[%run_scoped3A_143, %dma_wait3A_170] : memref<2x128xi32, #tpu.memory_space<vmem>> -> memref<1x128xi32, #tpu.memory_space<vmem>>
        %dma_wait3A_172 = tpu.memref_squeeze %dma_wait3A_171 : memref<1x128xi32, #tpu.memory_space<vmem>> -> memref<128xi32, #tpu.memory_space<vmem>>
        %dma_wait3A_173 = arith.constant 0 : i32
        %dma_wait3A_174 = arith.constant 0 : i32
        %dma_wait3A_175 = tpu.memref_slice %arg11[%dma_wait3A_173, %dma_wait3A_174] : memref<10240x128xf32, #tpu.memory_space<vmem_shared>> -> memref<10240x128xf32, #tpu.memory_space<vmem_shared>>
        tpu.wait_indirect_dma semaphore(%run_scoped3A_163 : memref<!tpu.dma_semaphore, #tpu.memory_space<semaphore_mem>>) src(%arg10 : memref<128x128xf32, #tpu.memory_space<vmem>>) dst(%dma_wait3A_175 : memref<10240x128xf32, #tpu.memory_space<vmem_shared>>)
        tpu.yield
      }) : () -> ()
      %dma_wait3A_144 = arith.constant 0 : i32
      %dma_wait3A_145 = tpu.memref_slice %arg7[%add3A_120, %dma_wait3A_144] : memref<80x128xi32, #tpu.memory_space<vmem>> -> memref<1x128xi32, #tpu.memory_space<vmem>>
      %dma_wait3A_146 = tpu.memref_squeeze %dma_wait3A_145 : memref<1x128xi32, #tpu.memory_space<vmem>> -> memref<128xi32, #tpu.memory_space<vmem>>
      %dma_wait3A_147 = arith.constant 0 : i32
      %dma_wait3A_148 = arith.constant 0 : i32
      %dma_wait3A_149 = tpu.memref_slice %arg2[%dma_wait3A_147, %dma_wait3A_148] : memref<10240x128xf32, #tpu.memory_space<hbm>> -> memref<10240x128xf32, #tpu.memory_space<hbm>>
      tpu.wait_indirect_dma semaphore(%arg12 : memref<!tpu.dma_semaphore, #tpu.memory_space<semaphore_mem>>) src(%dma_wait3A_149 : memref<10240x128xf32, #tpu.memory_space<hbm>>) dst(%arg9 : memref<128x128xf32, #tpu.memory_space<vmem>>)
      %dma_wait3A_150 = arith.constant 0 : i32
      %dma_wait3A_151 = arith.constant 0 : i32
      %dma_wait3A_152 = tpu.memref_slice %arg8[%dma_wait3A_150, %dma_wait3A_151] : memref<2x128xi32, #tpu.memory_space<vmem>> -> memref<1x128xi32, #tpu.memory_space<vmem>>
      %dma_wait3A_153 = tpu.memref_squeeze %dma_wait3A_152 : memref<1x128xi32, #tpu.memory_space<vmem>> -> memref<128xi32, #tpu.memory_space<vmem>>
      %dma_wait3A_154 = arith.constant 0 : i32
      %dma_wait3A_155 = tpu.memref_slice %arg4[%add3A_129, %dma_wait3A_154] : memref<2560x128xi32, #tpu.memory_space<hbm>> -> memref<1x128xi32, #tpu.memory_space<hbm>>
      %dma_wait3A_156 = tpu.memref_squeeze %dma_wait3A_155 : memref<1x128xi32, #tpu.memory_space<hbm>> -> memref<128xi32, #tpu.memory_space<hbm>>
      %dma_wait3A_157 = arith.constant 0 : i32
      %dma_wait3A_158 = tpu.memref_slice %arg8[%dma_wait3A_150, %dma_wait3A_157] : memref<2x128xi32, #tpu.memory_space<vmem>> -> memref<1x128xi32, #tpu.memory_space<vmem>>
      %dma_wait3A_159 = tpu.memref_squeeze %dma_wait3A_158 : memref<1x128xi32, #tpu.memory_space<vmem>> -> memref<128xi32, #tpu.memory_space<vmem>>
      %dma_wait3A_160 = arith.constant 0 : i32
      %dma_wait3A_161 = tpu.memref_slice %arg4[%add3A_129, %dma_wait3A_160] : memref<2560x128xi32, #tpu.memory_space<hbm>> -> memref<1x128xi32, #tpu.memory_space<hbm>>
      %dma_wait3A_162 = tpu.memref_squeeze %dma_wait3A_161 : memref<1x128xi32, #tpu.memory_space<hbm>> -> memref<128xi32, #tpu.memory_space<hbm>>
      tpu.wait_dma2 semaphore(%arg13 : memref<!tpu.dma_semaphore, #tpu.memory_space<semaphore_mem>>) src(%dma_wait3A_162 : memref<128xi32, #tpu.memory_space<hbm>>) dst(%dma_wait3A_159 : memref<128xi32, #tpu.memory_space<vmem>>)
    }
    %scan3A_25 = arith.constant 39 : i32
    %dma_start3A_26 = arith.constant 79 : i32
    %dma_start3A_27 = arith.constant 0 : i32
    %dma_start3A_28 = tpu.memref_slice %arg7[%dma_start3A_26, %dma_start3A_27] : memref<80x128xi32, #tpu.memory_space<vmem>> -> memref<1x128xi32, #tpu.memory_space<vmem>>
    %dma_start3A_29 = tpu.memref_squeeze %dma_start3A_28 : memref<1x128xi32, #tpu.memory_space<vmem>> -> memref<128xi32, #tpu.memory_space<vmem>>
    %dma_start3A_30 = arith.constant 0 : i32
    %dma_start3A_31 = arith.constant 0 : i32
    %dma_start3A_32 = tpu.memref_slice %arg2[%dma_start3A_30, %dma_start3A_31] : memref<10240x128xf32, #tpu.memory_space<hbm>> -> memref<10240x128xf32, #tpu.memory_space<hbm>>
    tpu.enqueue_indirect_dma source(%dma_start3A_32 : memref<10240x128xf32, #tpu.memory_space<hbm>>) target(%arg10 : memref<128x128xf32, #tpu.memory_space<vmem>>) offsets(%dma_start3A_29 : memref<128xi32, #tpu.memory_space<vmem>>) semaphore(%arg12 : memref<!tpu.dma_semaphore, #tpu.memory_space<semaphore_mem>>)
    %add3A_33 = arith.constant 80 : i32
    %add3A_34 = arith.addi %mul3A_4, %add3A_33 : i32
    %sub3A = arith.constant 1 : i32
    %sub3A_35 = arith.subi %add3A_34, %sub3A : i32
    %dma_start3A_36 = arith.constant 1 : i32
    %dma_start3A_37 = arith.constant 0 : i32
    %dma_start3A_38 = tpu.memref_slice %arg8[%dma_start3A_36, %dma_start3A_37] : memref<2x128xi32, #tpu.memory_space<vmem>> -> memref<1x128xi32, #tpu.memory_space<vmem>>
    %dma_start3A_39 = tpu.memref_squeeze %dma_start3A_38 : memref<1x128xi32, #tpu.memory_space<vmem>> -> memref<128xi32, #tpu.memory_space<vmem>>
    %dma_start3A_40 = arith.constant 0 : i32
    %dma_start3A_41 = tpu.memref_slice %arg4[%sub3A_35, %dma_start3A_40] : memref<2560x128xi32, #tpu.memory_space<hbm>> -> memref<1x128xi32, #tpu.memory_space<hbm>>
    %dma_start3A_42 = tpu.memref_squeeze %dma_start3A_41 : memref<1x128xi32, #tpu.memory_space<hbm>> -> memref<128xi32, #tpu.memory_space<hbm>>
    %dma_start3A_43 = arith.constant 0 : i32
    %dma_start3A_44 = tpu.memref_slice %arg8[%dma_start3A_36, %dma_start3A_43] : memref<2x128xi32, #tpu.memory_space<vmem>> -> memref<1x128xi32, #tpu.memory_space<vmem>>
    %dma_start3A_45 = tpu.memref_squeeze %dma_start3A_44 : memref<1x128xi32, #tpu.memory_space<vmem>> -> memref<128xi32, #tpu.memory_space<vmem>>
    %dma_start3A_46 = arith.constant 0 : i32
    %dma_start3A_47 = tpu.memref_slice %arg4[%sub3A_35, %dma_start3A_46] : memref<2560x128xi32, #tpu.memory_space<hbm>> -> memref<1x128xi32, #tpu.memory_space<hbm>>
    %dma_start3A_48 = tpu.memref_squeeze %dma_start3A_47 : memref<1x128xi32, #tpu.memory_space<hbm>> -> memref<128xi32, #tpu.memory_space<hbm>>
    tpu.enqueue_dma source(%dma_start3A_48 : memref<128xi32, #tpu.memory_space<hbm>>) target(%dma_start3A_45 : memref<128xi32, #tpu.memory_space<vmem>>) target_semaphore(%arg13 : memref<!tpu.dma_semaphore, #tpu.memory_space<semaphore_mem>>)
    %run_scoped3A_49 = arith.constant 0 : i32
    "tpu.region"() ({
      %run_scoped3A_72 = tpu.sem_alloc : memref<!tpu.dma_semaphore, #tpu.memory_space<semaphore_mem>>
      %dma_start3A_73 = arith.constant 0 : i32
      %dma_start3A_74 = tpu.memref_slice %arg8[%run_scoped3A_49, %dma_start3A_73] : memref<2x128xi32, #tpu.memory_space<vmem>> -> memref<1x128xi32, #tpu.memory_space<vmem>>
      %dma_start3A_75 = tpu.memref_squeeze %dma_start3A_74 : memref<1x128xi32, #tpu.memory_space<vmem>> -> memref<128xi32, #tpu.memory_space<vmem>>
      %dma_start3A_76 = arith.constant 0 : i32
      %dma_start3A_77 = arith.constant 0 : i32
      %dma_start3A_78 = tpu.memref_slice %arg11[%dma_start3A_76, %dma_start3A_77] : memref<10240x128xf32, #tpu.memory_space<vmem_shared>> -> memref<10240x128xf32, #tpu.memory_space<vmem_shared>>
      tpu.enqueue_indirect_dma source(%arg9 : memref<128x128xf32, #tpu.memory_space<vmem>>) target(%dma_start3A_78 : memref<10240x128xf32, #tpu.memory_space<vmem_shared>>) offsets(%dma_start3A_75 : memref<128xi32, #tpu.memory_space<vmem>>) semaphore(%run_scoped3A_72 : memref<!tpu.dma_semaphore, #tpu.memory_space<semaphore_mem>>) {add = true}
      %dma_wait3A_79 = arith.constant 0 : i32
      %dma_wait3A_80 = tpu.memref_slice %arg8[%run_scoped3A_49, %dma_wait3A_79] : memref<2x128xi32, #tpu.memory_space<vmem>> -> memref<1x128xi32, #tpu.memory_space<vmem>>
      %dma_wait3A_81 = tpu.memref_squeeze %dma_wait3A_80 : memref<1x128xi32, #tpu.memory_space<vmem>> -> memref<128xi32, #tpu.memory_space<vmem>>
      %dma_wait3A_82 = arith.constant 0 : i32
      %dma_wait3A_83 = arith.constant 0 : i32
      %dma_wait3A_84 = tpu.memref_slice %arg11[%dma_wait3A_82, %dma_wait3A_83] : memref<10240x128xf32, #tpu.memory_space<vmem_shared>> -> memref<10240x128xf32, #tpu.memory_space<vmem_shared>>
      tpu.wait_indirect_dma semaphore(%run_scoped3A_72 : memref<!tpu.dma_semaphore, #tpu.memory_space<semaphore_mem>>) src(%arg9 : memref<128x128xf32, #tpu.memory_space<vmem>>) dst(%dma_wait3A_84 : memref<10240x128xf32, #tpu.memory_space<vmem_shared>>)
      tpu.yield
    }) : () -> ()
    %dma_wait3A_50 = arith.constant 79 : i32
    %dma_wait3A_51 = arith.constant 0 : i32
    %dma_wait3A_52 = tpu.memref_slice %arg7[%dma_wait3A_50, %dma_wait3A_51] : memref<80x128xi32, #tpu.memory_space<vmem>> -> memref<1x128xi32, #tpu.memory_space<vmem>>
    %dma_wait3A_53 = tpu.memref_squeeze %dma_wait3A_52 : memref<1x128xi32, #tpu.memory_space<vmem>> -> memref<128xi32, #tpu.memory_space<vmem>>
    %dma_wait3A_54 = arith.constant 0 : i32
    %dma_wait3A_55 = arith.constant 0 : i32
    %dma_wait3A_56 = tpu.memref_slice %arg2[%dma_wait3A_54, %dma_wait3A_55] : memref<10240x128xf32, #tpu.memory_space<hbm>> -> memref<10240x128xf32, #tpu.memory_space<hbm>>
    tpu.wait_indirect_dma semaphore(%arg12 : memref<!tpu.dma_semaphore, #tpu.memory_space<semaphore_mem>>) src(%dma_wait3A_56 : memref<10240x128xf32, #tpu.memory_space<hbm>>) dst(%arg10 : memref<128x128xf32, #tpu.memory_space<vmem>>)
    %dma_wait3A_57 = arith.constant 1 : i32
    %dma_wait3A_58 = arith.constant 0 : i32
    %dma_wait3A_59 = tpu.memref_slice %arg8[%dma_wait3A_57, %dma_wait3A_58] : memref<2x128xi32, #tpu.memory_space<vmem>> -> memref<1x128xi32, #tpu.memory_space<vmem>>
    %dma_wait3A_60 = tpu.memref_squeeze %dma_wait3A_59 : memref<1x128xi32, #tpu.memory_space<vmem>> -> memref<128xi32, #tpu.memory_space<vmem>>
    %dma_wait3A_61 = arith.constant 0 : i32
    %dma_wait3A_62 = tpu.memref_slice %arg4[%sub3A_35, %dma_wait3A_61] : memref<2560x128xi32, #tpu.memory_space<hbm>> -> memref<1x128xi32, #tpu.memory_space<hbm>>
    %dma_wait3A_63 = tpu.memref_squeeze %dma_wait3A_62 : memref<1x128xi32, #tpu.memory_space<hbm>> -> memref<128xi32, #tpu.memory_space<hbm>>
    %dma_wait3A_64 = arith.constant 0 : i32
    %dma_wait3A_65 = tpu.memref_slice %arg8[%dma_wait3A_57, %dma_wait3A_64] : memref<2x128xi32, #tpu.memory_space<vmem>> -> memref<1x128xi32, #tpu.memory_space<vmem>>
    %dma_wait3A_66 = tpu.memref_squeeze %dma_wait3A_65 : memref<1x128xi32, #tpu.memory_space<vmem>> -> memref<128xi32, #tpu.memory_space<vmem>>
    %dma_wait3A_67 = arith.constant 0 : i32
    %dma_wait3A_68 = tpu.memref_slice %arg4[%sub3A_35, %dma_wait3A_67] : memref<2560x128xi32, #tpu.memory_space<hbm>> -> memref<1x128xi32, #tpu.memory_space<hbm>>
    %dma_wait3A_69 = tpu.memref_squeeze %dma_wait3A_68 : memref<1x128xi32, #tpu.memory_space<hbm>> -> memref<128xi32, #tpu.memory_space<hbm>>
    tpu.wait_dma2 semaphore(%arg13 : memref<!tpu.dma_semaphore, #tpu.memory_space<semaphore_mem>>) src(%dma_wait3A_69 : memref<128xi32, #tpu.memory_space<hbm>>) dst(%dma_wait3A_66 : memref<128xi32, #tpu.memory_space<vmem>>)
    %run_scoped3A_70 = arith.constant 1 : i32
    "tpu.region"() ({
      %run_scoped3A_72 = tpu.sem_alloc : memref<!tpu.dma_semaphore, #tpu.memory_space<semaphore_mem>>
      %dma_start3A_73 = arith.constant 0 : i32
      %dma_start3A_74 = tpu.memref_slice %arg8[%run_scoped3A_70, %dma_start3A_73] : memref<2x128xi32, #tpu.memory_space<vmem>> -> memref<1x128xi32, #tpu.memory_space<vmem>>
      %dma_start3A_75 = tpu.memref_squeeze %dma_start3A_74 : memref<1x128xi32, #tpu.memory_space<vmem>> -> memref<128xi32, #tpu.memory_space<vmem>>
      %dma_start3A_76 = arith.constant 0 : i32
      %dma_start3A_77 = arith.constant 0 : i32
      %dma_start3A_78 = tpu.memref_slice %arg11[%dma_start3A_76, %dma_start3A_77] : memref<10240x128xf32, #tpu.memory_space<vmem_shared>> -> memref<10240x128xf32, #tpu.memory_space<vmem_shared>>
      tpu.enqueue_indirect_dma source(%arg10 : memref<128x128xf32, #tpu.memory_space<vmem>>) target(%dma_start3A_78 : memref<10240x128xf32, #tpu.memory_space<vmem_shared>>) offsets(%dma_start3A_75 : memref<128xi32, #tpu.memory_space<vmem>>) semaphore(%run_scoped3A_72 : memref<!tpu.dma_semaphore, #tpu.memory_space<semaphore_mem>>) {add = true}
      %dma_wait3A_79 = arith.constant 0 : i32
      %dma_wait3A_80 = tpu.memref_slice %arg8[%run_scoped3A_70, %dma_wait3A_79] : memref<2x128xi32, #tpu.memory_space<vmem>> -> memref<1x128xi32, #tpu.memory_space<vmem>>
      %dma_wait3A_81 = tpu.memref_squeeze %dma_wait3A_80 : memref<1x128xi32, #tpu.memory_space<vmem>> -> memref<128xi32, #tpu.memory_space<vmem>>
      %dma_wait3A_82 = arith.constant 0 : i32
      %dma_wait3A_83 = arith.constant 0 : i32
      %dma_wait3A_84 = tpu.memref_slice %arg11[%dma_wait3A_82, %dma_wait3A_83] : memref<10240x128xf32, #tpu.memory_space<vmem_shared>> -> memref<10240x128xf32, #tpu.memory_space<vmem_shared>>
      tpu.wait_indirect_dma semaphore(%run_scoped3A_72 : memref<!tpu.dma_semaphore, #tpu.memory_space<semaphore_mem>>) src(%arg10 : memref<128x128xf32, #tpu.memory_space<vmem>>) dst(%dma_wait3A_84 : memref<10240x128xf32, #tpu.memory_space<vmem_shared>>)
      tpu.yield
    }) : () -> ()
    %barrier3A_71 = arith.constant 0 : index
    tpu.barrier barrier_id(%barrier3A_71)
    "tpu.region"() ({
      %run_scoped3A_72 = tpu.sem_alloc : memref<!tpu.dma_semaphore, #tpu.memory_space<semaphore_mem>>
      %dma_start3A_73 = arith.constant 0 : i32
      %dma_start3A_74 = tpu.memref_slice %arg6[%arg0, %multiple_of3A, %dma_start3A_73] : memref<2x10240x128xf32, #tpu.memory_space<hbm>> -> memref<1x640x128xf32, #tpu.memory_space<hbm>>
      %dma_start3A_75 = tpu.memref_squeeze %dma_start3A_74 : memref<1x640x128xf32, #tpu.memory_space<hbm>> -> memref<640x128xf32, #tpu.memory_space<hbm>>
      %dma_start3A_76 = arith.constant 0 : i32
      %dma_start3A_77 = tpu.memref_slice %arg11[%multiple_of3A, %dma_start3A_76] : memref<10240x128xf32, #tpu.memory_space<vmem_shared>> -> memref<640x128xf32, #tpu.memory_space<vmem_shared>>
      tpu.enqueue_dma source(%dma_start3A_77 : memref<640x128xf32, #tpu.memory_space<vmem_shared>>) target(%dma_start3A_75 : memref<640x128xf32, #tpu.memory_space<hbm>>) target_semaphore(%run_scoped3A_72 : memref<!tpu.dma_semaphore, #tpu.memory_space<semaphore_mem>>)
      %dma_wait3A_78 = arith.constant 0 : i32
      %dma_wait3A_79 = tpu.memref_slice %arg6[%arg0, %multiple_of3A, %dma_wait3A_78] : memref<2x10240x128xf32, #tpu.memory_space<hbm>> -> memref<1x640x128xf32, #tpu.memory_space<hbm>>
      %dma_wait3A_80 = tpu.memref_squeeze %dma_wait3A_79 : memref<1x640x128xf32, #tpu.memory_space<hbm>> -> memref<640x128xf32, #tpu.memory_space<hbm>>
      %dma_wait3A_81 = arith.constant 0 : i32
      %dma_wait3A_82 = tpu.memref_slice %arg11[%multiple_of3A, %dma_wait3A_81] : memref<10240x128xf32, #tpu.memory_space<vmem_shared>> -> memref<640x128xf32, #tpu.memory_space<vmem_shared>>
      tpu.wait_dma2 semaphore(%run_scoped3A_72 : memref<!tpu.dma_semaphore, #tpu.memory_space<semaphore_mem>>) src(%dma_wait3A_82 : memref<640x128xf32, #tpu.memory_space<vmem_shared>>) dst(%dma_wait3A_80 : memref<640x128xf32, #tpu.memory_space<hbm>>)
      tpu.yield
    }) : () -> ()
    return
  }
}

module attributes {stable_mosaic.version = 14 : i64} {
  func.func @body(%arg0: memref<10000x128xf32, #tpu.memory_space<vmem>>, %arg1: memref<128x128xf32, #tpu.memory_space<vmem>>, %arg2: memref<10000x128xf32, #tpu.memory_space<vmem>>) attributes {dimension_semantics = [], scalar_prefetch = 0 : i64, scratch_operands = 0 : i64, tpu.core_type = #tpu.core_type<tc>} {
    %get3A = arith.constant 0 : index
    %get3A_0 = arith.constant 0 : index
    %get3A_1 = vector.load %arg0[%get3A, %get3A_0] : memref<10000x128xf32, #tpu.memory_space<vmem>>, vector<10000x128xf32>
    %get3A_2 = arith.constant 0 : index
    %get3A_3 = arith.constant 0 : index
    %get3A_4 = vector.load %arg1[%get3A_2, %get3A_3] : memref<128x128xf32, #tpu.memory_space<vmem>>, vector<128x128xf32>
    %dot_general3A = arith.constant dense<0.000000e+00> : vector<10000x128xf32>
    %dot_general3A_5 = tpu.matmul %get3A_1, %get3A_4, %dot_general3A {dimension_numbers = #tpu.dot_dimension_numbers<[1], [0], [0], [1], [0, 0, 1, 1], [], []>, transpose_lhs_hint = false} : vector<10000x128xf32>, vector<128x128xf32>, vector<10000x128xf32> -> vector<10000x128xf32>
    %swap3A = arith.constant 0 : index
    %swap3A_6 = arith.constant 0 : index
    %swap3A_7 = vector.load %arg2[%swap3A, %swap3A_6] : memref<10000x128xf32, #tpu.memory_space<vmem>>, vector<10000x128xf32>
    tpu.vector_store %arg2[%swap3A, %swap3A_6], %dot_general3A_5 {strides = array<i32>} : memref<10000x128xf32, #tpu.memory_space<vmem>>, vector<10000x128xf32>,
    return
  }
}

module attributes {stable_mosaic.version = 14 : i64} {
  func.func @body(%arg0: memref<2x10240xf32, #tpu.memory_space<vmem>>, %arg1: memref<2x10240xf32, #tpu.memory_space<vmem>>, %arg2: memref<10000x128xf32, #tpu.memory_space<vmem>>, %arg3: memref<10000xf32, #tpu.memory_space<vmem>>, %arg4: memref<10000xf32, #tpu.memory_space<vmem>>, %arg5: memref<10240x128xf32, #tpu.memory_space<vmem>>) attributes {dimension_semantics = [], scalar_prefetch = 0 : i64, scratch_operands = 0 : i64, tpu.core_type = #tpu.core_type<tc>} {
    %get3A = arith.constant 0 : index
    %get3A_0 = arith.constant 0 : index
    %get3A_1 = vector.load %arg0[%get3A, %get3A_0] : memref<2x10240xf32, #tpu.memory_space<vmem>>, vector<1x10000xf32>
    %get3A_2 = vector.shape_cast %get3A_1 : vector<1x10000xf32> to vector<10000xf32>
    %get3A_3 = arith.constant 1 : index
    %get3A_4 = arith.constant 0 : index
    %get3A_5 = vector.load %arg0[%get3A_3, %get3A_4] : memref<2x10240xf32, #tpu.memory_space<vmem>>, vector<1x10000xf32>
    %get3A_6 = vector.shape_cast %get3A_5 : vector<1x10000xf32> to vector<10000xf32>
    %add3A = arith.addf %get3A_2, %get3A_6 : vector<10000xf32>
    %get3A_7 = arith.constant 0 : index
    %get3A_8 = arith.constant 0 : index
    %get3A_9 = vector.load %arg1[%get3A_7, %get3A_8] : memref<2x10240xf32, #tpu.memory_space<vmem>>, vector<1x10000xf32>
    %get3A_10 = vector.shape_cast %get3A_9 : vector<1x10000xf32> to vector<10000xf32>
    %get3A_11 = arith.constant 1 : index
    %get3A_12 = arith.constant 0 : index
    %get3A_13 = vector.load %arg1[%get3A_11, %get3A_12] : memref<2x10240xf32, #tpu.memory_space<vmem>>, vector<1x10000xf32>
    %get3A_14 = vector.shape_cast %get3A_13 : vector<1x10000xf32> to vector<10000xf32>
    %add3A_15 = arith.addf %get3A_10, %get3A_14 : vector<10000xf32>
    %gt3A = arith.constant 0.000000e+00 : f32
    %gt3A_16 = vector.broadcast %gt3A : f32 to vector<10000xf32>
    %gt3A_17 = arith.cmpf ogt, %add3A, %gt3A_16 : vector<10000xf32>
    %max3A = arith.constant 1.000000e+00 : f32
    %max3A_18 = vector.broadcast %max3A : f32 to vector<10000xf32>
    %max3A_19 = arith.maximumf %add3A, %max3A_18 : vector<10000xf32>
    %rsqrt3A = math.rsqrt %max3A_19 : vector<10000xf32>
    %jit3A = arith.constant 0.000000e+00 : f32
    %broadcast_in_dim3A = vector.broadcast %jit3A : f32 to vector<10000xf32>
    %select_n3A = arith.select %gt3A_17, %rsqrt3A, %broadcast_in_dim3A : vector<10000xi1>, vector<10000xf32>
    %gt3A_20 = arith.constant 0.000000e+00 : f32
    %gt3A_21 = vector.broadcast %gt3A_20 : f32 to vector<10000xf32>
    %gt3A_22 = arith.cmpf ogt, %add3A_15, %gt3A_21 : vector<10000xf32>
    %max3A_23 = arith.constant 1.000000e+00 : f32
    %max3A_24 = vector.broadcast %max3A_23 : f32 to vector<10000xf32>
    %max3A_25 = arith.maximumf %add3A_15, %max3A_24 : vector<10000xf32>
    %rsqrt3A_26 = math.rsqrt %max3A_25 : vector<10000xf32>
    %jit3A_27 = arith.constant 0.000000e+00 : f32
    %broadcast_in_dim3A_28 = vector.broadcast %jit3A_27 : f32 to vector<10000xf32>
    %select_n3A_29 = arith.select %gt3A_22, %rsqrt3A_26, %broadcast_in_dim3A_28 : vector<10000xi1>, vector<10000xf32>
    %swap3A = arith.constant 0 : index
    %swap3A_30 = vector.load %arg3[%swap3A] : memref<10000xf32, #tpu.memory_space<vmem>>, vector<10000xf32>
    tpu.vector_store %arg3[%swap3A], %select_n3A {strides = array<i32>} : memref<10000xf32, #tpu.memory_space<vmem>>, vector<10000xf32>,
    %swap3A_31 = arith.constant 0 : index
    %swap3A_32 = vector.load %arg4[%swap3A_31] : memref<10000xf32, #tpu.memory_space<vmem>>, vector<10000xf32>
    tpu.vector_store %arg4[%swap3A_31], %select_n3A_29 {strides = array<i32>} : memref<10000xf32, #tpu.memory_space<vmem>>, vector<10000xf32>,
    %get3A_33 = arith.constant 0 : index
    %get3A_34 = arith.constant 0 : index
    %get3A_35 = vector.load %arg2[%get3A_33, %get3A_34] : memref<10000x128xf32, #tpu.memory_space<vmem>>, vector<10000x128xf32>
    %broadcast_in_dim3A_36 = vector.shape_cast %select_n3A : vector<10000xf32> to vector<10000x1xf32>
    %mul3A = vector.broadcast %broadcast_in_dim3A_36 : vector<10000x1xf32> to vector<10000x128xf32>
    %mul3A_37 = arith.mulf %get3A_35, %mul3A : vector<10000x128xf32>
    %swap3A_38 = arith.constant 0 : index
    %swap3A_39 = arith.constant 0 : index
    %swap3A_40 = vector.load %arg5[%swap3A_38, %swap3A_39] : memref<10240x128xf32, #tpu.memory_space<vmem>>, vector<10000x128xf32>
    tpu.vector_store %arg5[%swap3A_38, %swap3A_39], %mul3A_37 {strides = array<i32>} : memref<10240x128xf32, #tpu.memory_space<vmem>>, vector<10000x128xf32>,
    %broadcast_in_dim3A_41 = arith.constant 0.000000e+00 : f32
    %broadcast_in_dim3A_42 = vector.broadcast %broadcast_in_dim3A_41 : f32 to vector<240x128xf32>
    %swap3A_43 = arith.constant 10000 : index
    %swap3A_44 = arith.constant 0 : index
    %swap3A_45 = vector.load %arg5[%swap3A_43, %swap3A_44] : memref<10240x128xf32, #tpu.memory_space<vmem>>, vector<240x128xf32>
    tpu.vector_store %arg5[%swap3A_43, %swap3A_44], %broadcast_in_dim3A_42 {strides = array<i32>} : memref<10240x128xf32, #tpu.memory_space<vmem>>, vector<240x128xf32>,
    return
  }
}

module attributes {stable_mosaic.version = 14 : i64} {
  func.func @body(%arg0: memref<2x10240x128xf32, #tpu.memory_space<vmem>>, %arg1: memref<10000xf32, #tpu.memory_space<vmem>>, %arg2: memref<128xf32, #tpu.memory_space<vmem>>, %arg3: memref<128xf32, #tpu.memory_space<vmem>>, %arg4: memref<128xf32, #tpu.memory_space<vmem>>, %arg5: memref<10000xf32, #tpu.memory_space<vmem>>, %arg6: memref<128x128xf32, #tpu.memory_space<vmem>>, %arg7: memref<10240x128xf32, #tpu.memory_space<vmem>>) attributes {dimension_semantics = [], scalar_prefetch = 0 : i64, scratch_operands = 0 : i64, tpu.core_type = #tpu.core_type<tc>} {
    %get3A = arith.constant 0 : index
    %get3A_0 = arith.constant 0 : index
    %get3A_1 = arith.constant 0 : index
    %get3A_2 = vector.load %arg0[%get3A, %get3A_0, %get3A_1] : memref<2x10240x128xf32, #tpu.memory_space<vmem>>, vector<1x10000x128xf32>
    %get3A_3 = vector.shape_cast %get3A_2 : vector<1x10000x128xf32> to vector<10000x128xf32>
    %get3A_4 = arith.constant 1 : index
    %get3A_5 = arith.constant 0 : index
    %get3A_6 = arith.constant 0 : index
    %get3A_7 = vector.load %arg0[%get3A_4, %get3A_5, %get3A_6] : memref<2x10240x128xf32, #tpu.memory_space<vmem>>, vector<1x10000x128xf32>
    %get3A_8 = vector.shape_cast %get3A_7 : vector<1x10000x128xf32> to vector<10000x128xf32>
    %add3A = arith.addf %get3A_3, %get3A_8 : vector<10000x128xf32>
    %get3A_9 = arith.constant 0 : index
    %get3A_10 = vector.load %arg1[%get3A_9] : memref<10000xf32, #tpu.memory_space<vmem>>, vector<10000xf32>
    %broadcast_in_dim3A = vector.shape_cast %get3A_10 : vector<10000xf32> to vector<10000x1xf32>
    %mul3A = vector.broadcast %broadcast_in_dim3A : vector<10000x1xf32> to vector<10000x128xf32>
    %mul3A_11 = arith.mulf %add3A, %mul3A : vector<10000x128xf32>
    %get3A_12 = arith.constant 0 : index
    %get3A_13 = vector.load %arg2[%get3A_12] : memref<128xf32, #tpu.memory_space<vmem>>, vector<128xf32>
    %broadcast_in_dim3A_14 = vector.shape_cast %get3A_13 : vector<128xf32> to vector<1x128xf32>
    %add3A_15 = vector.broadcast %broadcast_in_dim3A_14 : vector<1x128xf32> to vector<10000x128xf32>
    %add3A_16 = arith.addf %mul3A_11, %add3A_15 : vector<10000x128xf32>
    %reduce_sum3A = arith.constant dense<0.000000e+00> : vector<128xf32>
    %reduce_sum3A_17 = vector.multi_reduction <add>, %add3A_16, %reduce_sum3A [0] : vector<10000x128xf32> to vector<128xf32>
    %div3A = arith.constant 1.000000e+04 : f32
    %div3A_18 = vector.broadcast %div3A : f32 to vector<128xf32>
    %div3A_19 = arith.divf %reduce_sum3A_17, %div3A_18 : vector<128xf32>
    %broadcast_in_dim3A_20 = vector.shape_cast %div3A_19 : vector<128xf32> to vector<1x128xf32>
    %sub3A = vector.broadcast %broadcast_in_dim3A_20 : vector<1x128xf32> to vector<10000x128xf32>
    %sub3A_21 = arith.subf %add3A_16, %sub3A : vector<10000x128xf32>
    %integer_pow3A = arith.mulf %sub3A_21, %sub3A_21 : vector<10000x128xf32>
    %reduce_sum3A_22 = arith.constant dense<0.000000e+00> : vector<128xf32>
    %reduce_sum3A_23 = vector.multi_reduction <add>, %integer_pow3A, %reduce_sum3A_22 [0] : vector<10000x128xf32> to vector<128xf32>
    %div3A_24 = arith.constant 1.000000e+04 : f32
    %div3A_25 = vector.broadcast %div3A_24 : f32 to vector<128xf32>
    %div3A_26 = arith.divf %reduce_sum3A_23, %div3A_25 : vector<128xf32>
    %get3A_27 = arith.constant 0 : index
    %get3A_28 = vector.load %arg3[%get3A_27] : memref<128xf32, #tpu.memory_space<vmem>>, vector<128xf32>
    %broadcast_in_dim3A_29 = vector.shape_cast %div3A_19 : vector<128xf32> to vector<1x128xf32>
    %sub3A_30 = vector.broadcast %broadcast_in_dim3A_29 : vector<1x128xf32> to vector<10000x128xf32>
    %sub3A_31 = arith.subf %add3A_16, %sub3A_30 : vector<10000x128xf32>
    %broadcast_in_dim3A_32 = vector.shape_cast %get3A_28 : vector<128xf32> to vector<1x128xf32>
    %mul3A_33 = vector.broadcast %broadcast_in_dim3A_32 : vector<1x128xf32> to vector<10000x128xf32>
    %mul3A_34 = arith.mulf %mul3A_33, %sub3A_31 : vector<10000x128xf32>
    %add3A_35 = arith.constant 9.99999974E-6 : f32
    %add3A_36 = vector.broadcast %add3A_35 : f32 to vector<128xf32>
    %add3A_37 = arith.addf %div3A_26, %add3A_36 : vector<128xf32>
    %rsqrt3A = math.rsqrt %add3A_37 : vector<128xf32>
    %broadcast_in_dim3A_38 = vector.shape_cast %rsqrt3A : vector<128xf32> to vector<1x128xf32>
    %mul3A_39 = vector.broadcast %broadcast_in_dim3A_38 : vector<1x128xf32> to vector<10000x128xf32>
    %mul3A_40 = arith.mulf %mul3A_34, %mul3A_39 : vector<10000x128xf32>
    %get3A_41 = arith.constant 0 : index
    %get3A_42 = vector.load %arg4[%get3A_41] : memref<128xf32, #tpu.memory_space<vmem>>, vector<128xf32>
    %broadcast_in_dim3A_43 = vector.shape_cast %get3A_42 : vector<128xf32> to vector<1x128xf32>
    %add3A_44 = vector.broadcast %broadcast_in_dim3A_43 : vector<1x128xf32> to vector<10000x128xf32>
    %add3A_45 = arith.addf %mul3A_40, %add3A_44 : vector<10000x128xf32>
    %max3A = arith.constant 0.000000e+00 : f32
    %max3A_46 = vector.broadcast %max3A : f32 to vector<10000x128xf32>
    %max3A_47 = arith.maximumf %add3A_45, %max3A_46 : vector<10000x128xf32>
    %get3A_48 = arith.constant 0 : index
    %get3A_49 = vector.load %arg5[%get3A_48] : memref<10000xf32, #tpu.memory_space<vmem>>, vector<10000xf32>
    %broadcast_in_dim3A_50 = vector.shape_cast %get3A_49 : vector<10000xf32> to vector<10000x1xf32>
    %mul3A_51 = vector.broadcast %broadcast_in_dim3A_50 : vector<10000x1xf32> to vector<10000x128xf32>
    %mul3A_52 = arith.mulf %max3A_47, %mul3A_51 : vector<10000x128xf32>
    %get3A_53 = arith.constant 0 : index
    %get3A_54 = arith.constant 0 : index
    %get3A_55 = vector.load %arg6[%get3A_53, %get3A_54] : memref<128x128xf32, #tpu.memory_space<vmem>>, vector<128x128xf32>
    %dot_general3A = arith.constant dense<0.000000e+00> : vector<10000x128xf32>
    %dot_general3A_56 = tpu.matmul %mul3A_52, %get3A_55, %dot_general3A {dimension_numbers = #tpu.dot_dimension_numbers<[1], [0], [0], [1], [0, 0, 1, 1], [], []>, transpose_lhs_hint = false} : vector<10000x128xf32>, vector<128x128xf32>, vector<10000x128xf32> -> vector<10000x128xf32>
    %swap3A = arith.constant 0 : index
    %swap3A_57 = arith.constant 0 : index
    %swap3A_58 = vector.load %arg7[%swap3A, %swap3A_57] : memref<10240x128xf32, #tpu.memory_space<vmem>>, vector<10000x128xf32>
    tpu.vector_store %arg7[%swap3A, %swap3A_57], %dot_general3A_56 {strides = array<i32>} : memref<10240x128xf32, #tpu.memory_space<vmem>>, vector<10000x128xf32>,
    %broadcast_in_dim3A_59 = arith.constant 0.000000e+00 : f32
    %broadcast_in_dim3A_60 = vector.broadcast %broadcast_in_dim3A_59 : f32 to vector<240x128xf32>
    %swap3A_61 = arith.constant 10000 : index
    %swap3A_62 = arith.constant 0 : index
    %swap3A_63 = vector.load %arg7[%swap3A_61, %swap3A_62] : memref<10240x128xf32, #tpu.memory_space<vmem>>, vector<240x128xf32>
    tpu.vector_store %arg7[%swap3A_61, %swap3A_62], %broadcast_in_dim3A_60 {strides = array<i32>} : memref<10240x128xf32, #tpu.memory_space<vmem>>, vector<240x128xf32>,
    return
  }
}

module attributes {stable_mosaic.version = 14 : i64} {
  func.func @body(%arg0: memref<2x10240x128xf32, #tpu.memory_space<vmem>>, %arg1: memref<10000xf32, #tpu.memory_space<vmem>>, %arg2: memref<128xf32, #tpu.memory_space<vmem>>, %arg3: memref<128xf32, #tpu.memory_space<vmem>>, %arg4: memref<128xf32, #tpu.memory_space<vmem>>, %arg5: memref<10000xf32, #tpu.memory_space<vmem>>, %arg6: memref<10240x128xf32, #tpu.memory_space<vmem>>) attributes {dimension_semantics = [], scalar_prefetch = 0 : i64, scratch_operands = 0 : i64, tpu.core_type = #tpu.core_type<tc>} {
    %get3A = arith.constant 0 : index
    %get3A_0 = arith.constant 0 : index
    %get3A_1 = arith.constant 0 : index
    %get3A_2 = vector.load %arg0[%get3A, %get3A_0, %get3A_1] : memref<2x10240x128xf32, #tpu.memory_space<vmem>>, vector<1x10000x128xf32>
    %get3A_3 = vector.shape_cast %get3A_2 : vector<1x10000x128xf32> to vector<10000x128xf32>
    %get3A_4 = arith.constant 1 : index
    %get3A_5 = arith.constant 0 : index
    %get3A_6 = arith.constant 0 : index
    %get3A_7 = vector.load %arg0[%get3A_4, %get3A_5, %get3A_6] : memref<2x10240x128xf32, #tpu.memory_space<vmem>>, vector<1x10000x128xf32>
    %get3A_8 = vector.shape_cast %get3A_7 : vector<1x10000x128xf32> to vector<10000x128xf32>
    %add3A = arith.addf %get3A_3, %get3A_8 : vector<10000x128xf32>
    %get3A_9 = arith.constant 0 : index
    %get3A_10 = vector.load %arg1[%get3A_9] : memref<10000xf32, #tpu.memory_space<vmem>>, vector<10000xf32>
    %broadcast_in_dim3A = vector.shape_cast %get3A_10 : vector<10000xf32> to vector<10000x1xf32>
    %mul3A = vector.broadcast %broadcast_in_dim3A : vector<10000x1xf32> to vector<10000x128xf32>
    %mul3A_11 = arith.mulf %add3A, %mul3A : vector<10000x128xf32>
    %get3A_12 = arith.constant 0 : index
    %get3A_13 = vector.load %arg2[%get3A_12] : memref<128xf32, #tpu.memory_space<vmem>>, vector<128xf32>
    %broadcast_in_dim3A_14 = vector.shape_cast %get3A_13 : vector<128xf32> to vector<1x128xf32>
    %add3A_15 = vector.broadcast %broadcast_in_dim3A_14 : vector<1x128xf32> to vector<10000x128xf32>
    %add3A_16 = arith.addf %mul3A_11, %add3A_15 : vector<10000x128xf32>
    %reduce_sum3A = arith.constant dense<0.000000e+00> : vector<128xf32>
    %reduce_sum3A_17 = vector.multi_reduction <add>, %add3A_16, %reduce_sum3A [0] : vector<10000x128xf32> to vector<128xf32>
    %div3A = arith.constant 1.000000e+04 : f32
    %div3A_18 = vector.broadcast %div3A : f32 to vector<128xf32>
    %div3A_19 = arith.divf %reduce_sum3A_17, %div3A_18 : vector<128xf32>
    %broadcast_in_dim3A_20 = vector.shape_cast %div3A_19 : vector<128xf32> to vector<1x128xf32>
    %sub3A = vector.broadcast %broadcast_in_dim3A_20 : vector<1x128xf32> to vector<10000x128xf32>
    %sub3A_21 = arith.subf %add3A_16, %sub3A : vector<10000x128xf32>
    %integer_pow3A = arith.mulf %sub3A_21, %sub3A_21 : vector<10000x128xf32>
    %reduce_sum3A_22 = arith.constant dense<0.000000e+00> : vector<128xf32>
    %reduce_sum3A_23 = vector.multi_reduction <add>, %integer_pow3A, %reduce_sum3A_22 [0] : vector<10000x128xf32> to vector<128xf32>
    %div3A_24 = arith.constant 1.000000e+04 : f32
    %div3A_25 = vector.broadcast %div3A_24 : f32 to vector<128xf32>
    %div3A_26 = arith.divf %reduce_sum3A_23, %div3A_25 : vector<128xf32>
    %get3A_27 = arith.constant 0 : index
    %get3A_28 = vector.load %arg3[%get3A_27] : memref<128xf32, #tpu.memory_space<vmem>>, vector<128xf32>
    %broadcast_in_dim3A_29 = vector.shape_cast %div3A_19 : vector<128xf32> to vector<1x128xf32>
    %sub3A_30 = vector.broadcast %broadcast_in_dim3A_29 : vector<1x128xf32> to vector<10000x128xf32>
    %sub3A_31 = arith.subf %add3A_16, %sub3A_30 : vector<10000x128xf32>
    %broadcast_in_dim3A_32 = vector.shape_cast %get3A_28 : vector<128xf32> to vector<1x128xf32>
    %mul3A_33 = vector.broadcast %broadcast_in_dim3A_32 : vector<1x128xf32> to vector<10000x128xf32>
    %mul3A_34 = arith.mulf %mul3A_33, %sub3A_31 : vector<10000x128xf32>
    %add3A_35 = arith.constant 9.99999974E-6 : f32
    %add3A_36 = vector.broadcast %add3A_35 : f32 to vector<128xf32>
    %add3A_37 = arith.addf %div3A_26, %add3A_36 : vector<128xf32>
    %rsqrt3A = math.rsqrt %add3A_37 : vector<128xf32>
    %broadcast_in_dim3A_38 = vector.shape_cast %rsqrt3A : vector<128xf32> to vector<1x128xf32>
    %mul3A_39 = vector.broadcast %broadcast_in_dim3A_38 : vector<1x128xf32> to vector<10000x128xf32>
    %mul3A_40 = arith.mulf %mul3A_34, %mul3A_39 : vector<10000x128xf32>
    %get3A_41 = arith.constant 0 : index
    %get3A_42 = vector.load %arg4[%get3A_41] : memref<128xf32, #tpu.memory_space<vmem>>, vector<128xf32>
    %broadcast_in_dim3A_43 = vector.shape_cast %get3A_42 : vector<128xf32> to vector<1x128xf32>
    %add3A_44 = vector.broadcast %broadcast_in_dim3A_43 : vector<1x128xf32> to vector<10000x128xf32>
    %add3A_45 = arith.addf %mul3A_40, %add3A_44 : vector<10000x128xf32>
    %max3A = arith.constant 0.000000e+00 : f32
    %max3A_46 = vector.broadcast %max3A : f32 to vector<10000x128xf32>
    %max3A_47 = arith.maximumf %add3A_45, %max3A_46 : vector<10000x128xf32>
    %get3A_48 = arith.constant 0 : index
    %get3A_49 = vector.load %arg5[%get3A_48] : memref<10000xf32, #tpu.memory_space<vmem>>, vector<10000xf32>
    %broadcast_in_dim3A_50 = vector.shape_cast %get3A_49 : vector<10000xf32> to vector<10000x1xf32>
    %mul3A_51 = vector.broadcast %broadcast_in_dim3A_50 : vector<10000x1xf32> to vector<10000x128xf32>
    %mul3A_52 = arith.mulf %max3A_47, %mul3A_51 : vector<10000x128xf32>
    %swap3A = arith.constant 0 : index
    %swap3A_53 = arith.constant 0 : index
    %swap3A_54 = vector.load %arg6[%swap3A, %swap3A_53] : memref<10240x128xf32, #tpu.memory_space<vmem>>, vector<10000x128xf32>
    tpu.vector_store %arg6[%swap3A, %swap3A_53], %mul3A_52 {strides = array<i32>} : memref<10240x128xf32, #tpu.memory_space<vmem>>, vector<10000x128xf32>,
    %broadcast_in_dim3A_55 = arith.constant 0.000000e+00 : f32
    %broadcast_in_dim3A_56 = vector.broadcast %broadcast_in_dim3A_55 : f32 to vector<240x128xf32>
    %swap3A_57 = arith.constant 10000 : index
    %swap3A_58 = arith.constant 0 : index
    %swap3A_59 = vector.load %arg6[%swap3A_57, %swap3A_58] : memref<10240x128xf32, #tpu.memory_space<vmem>>, vector<240x128xf32>
    tpu.vector_store %arg6[%swap3A_57, %swap3A_58], %broadcast_in_dim3A_56 {strides = array<i32>} : memref<10240x128xf32, #tpu.memory_space<vmem>>, vector<240x128xf32>,
    return
  }
}

module attributes {stable_mosaic.version = 14 : i64} {
  func.func @body(%arg0: memref<2x10240x128xf32, #tpu.memory_space<vmem>>, %arg1: memref<10000xf32, #tpu.memory_space<vmem>>, %arg2: memref<128x40xf32, #tpu.memory_space<vmem>>, %arg3: memref<40xf32, #tpu.memory_space<vmem>>, %arg4: memref<10000x40xf32, #tpu.memory_space<vmem>>) attributes {dimension_semantics = [], scalar_prefetch = 0 : i64, scratch_operands = 0 : i64, tpu.core_type = #tpu.core_type<tc>} {
    %get3A = arith.constant 0 : index
    %get3A_0 = arith.constant 0 : index
    %get3A_1 = arith.constant 0 : index
    %get3A_2 = vector.load %arg0[%get3A, %get3A_0, %get3A_1] : memref<2x10240x128xf32, #tpu.memory_space<vmem>>, vector<1x10000x128xf32>
    %get3A_3 = vector.shape_cast %get3A_2 : vector<1x10000x128xf32> to vector<10000x128xf32>
    %get3A_4 = arith.constant 1 : index
    %get3A_5 = arith.constant 0 : index
    %get3A_6 = arith.constant 0 : index
    %get3A_7 = vector.load %arg0[%get3A_4, %get3A_5, %get3A_6] : memref<2x10240x128xf32, #tpu.memory_space<vmem>>, vector<1x10000x128xf32>
    %get3A_8 = vector.shape_cast %get3A_7 : vector<1x10000x128xf32> to vector<10000x128xf32>
    %add3A = arith.addf %get3A_3, %get3A_8 : vector<10000x128xf32>
    %get3A_9 = arith.constant 0 : index
    %get3A_10 = arith.constant 0 : index
    %get3A_11 = vector.load %arg2[%get3A_9, %get3A_10] : memref<128x40xf32, #tpu.memory_space<vmem>>, vector<128x40xf32>
    %dot_general3A = arith.constant dense<0.000000e+00> : vector<10000x40xf32>
    %dot_general3A_12 = tpu.matmul %add3A, %get3A_11, %dot_general3A {dimension_numbers = #tpu.dot_dimension_numbers<[1], [0], [0], [1], [0, 0, 1, 1], [], []>, transpose_lhs_hint = false} : vector<10000x128xf32>, vector<128x40xf32>, vector<10000x40xf32> -> vector<10000x40xf32>
    %get3A_13 = arith.constant 0 : index
    %get3A_14 = vector.load %arg1[%get3A_13] : memref<10000xf32, #tpu.memory_space<vmem>>, vector<10000xf32>
    %broadcast_in_dim3A = vector.shape_cast %get3A_14 : vector<10000xf32> to vector<10000x1xf32>
    %mul3A = vector.broadcast %broadcast_in_dim3A : vector<10000x1xf32> to vector<10000x40xf32>
    %mul3A_15 = arith.mulf %dot_general3A_12, %mul3A : vector<10000x40xf32>
    %get3A_16 = arith.constant 0 : index
    %get3A_17 = vector.load %arg3[%get3A_16] : memref<40xf32, #tpu.memory_space<vmem>>, vector<40xf32>
    %broadcast_in_dim3A_18 = vector.shape_cast %get3A_17 : vector<40xf32> to vector<1x40xf32>
    %add3A_19 = vector.broadcast %broadcast_in_dim3A_18 : vector<1x40xf32> to vector<10000x40xf32>
    %add3A_20 = arith.addf %mul3A_15, %add3A_19 : vector<10000x40xf32>
    %swap3A = arith.constant 0 : index
    %swap3A_21 = arith.constant 0 : index
    %swap3A_22 = vector.load %arg4[%swap3A, %swap3A_21] : memref<10000x40xf32, #tpu.memory_space<vmem>>, vector<10000x40xf32>
    tpu.vector_store %arg4[%swap3A, %swap3A_21], %add3A_20 {strides = array<i32>} : memref<10000x40xf32, #tpu.memory_space<vmem>>, vector<10000x40xf32>,
    return
  }
}

</mosaic_0001>

<sc_bundles>
// kernel: kernel.11.cloned.1.call-start
scs
__scs_entry_jumppad:
0x0: {  	(pc) =	sbr.rel $0x88, $3  }
0x1: {  	(tag) =	ssettag $0x0;
	lr =	simm.s32 $0x1  }
0x2: {  	[smem:$0x3F95] =	sst lr;
	_ =	strace $0xD0000000  }
0x3: {  	_ = 	snop  }
0x4: {  	_ = 	snop  }
0x5: {  	_ = 	snop  }
0x6: {  	_ = 	snop  }
0x7: {  	_ = 	snop  }
__scs_overlays_trampoline_lowered:
0x8: {  	[smem:$0x3FA4] =	sst s0  }
0x9: {  	[smem:$0x3FA5] =	sst s1  }
0xa: {  	[smem:$0x3FA6] =	sst s2  }
0xb: {  	[smem:$0x3FA7] =	sst s3  }
0xc: {  	[smem:$0x3FA8] =	sst s4  }
0xd: {  	[smem:$0x3FA9] =	sst s5  }
0xe: {  	[smem:$0x3FAA] =	sst s6  }
0xf: {  	[smem:$0x3FAB] =	sst s7  }
0x10: {  	[smem:$0x3FAC] =	sst s8  }
0x11: {  	[smem:$0x3FAD] =	sst s9;
	s0 =	simm.s32 @!p0 $0x0  }
0x12: {  	s1 =	sld [smem:$0x3F93];
	s0 =	simm.s32 @p0 $0x1  }
0x13: {  	[smem:$0x3FAE] =	sst s0;
	s0 =	simm.s32 @!p1 $0x0  }
0x14: {  	s2 =	sld [smem:$0x3F92];
	s0 =	simm.s32 @p1 $0x1  }
0x15: {  	[smem:$0x3FAF] =	sst s0;
	s0 =	simm.s32 @!p2 $0x0  }
0x16: {  	s3 =	sld [smem:$0x3FDB];
	s0 =	simm.s32 @p2 $0x1  }
0x17: {  	s4 =	simm.s32 $0x1BF5;
	[smem:$0x3FB1] =	sst s0  }
0x18: {  	s0 =	sld [smem:$0x3F94];
	_ =	swait.ge [sflag:s4], $0x0  }
0x19: {  	s7 =	sld [smem:$0x3F95]  }
0x1a: {  	s8 =	sadd.s32 $0xFFFFE003, lr  }
0x1b: {  	s9 =	sadd.s32 $0xFFFFFEF7, lr;
	s5 =	simm.s32 $0xFFFFFFFF;
	p2 =	slt.u32 s8, $0xFFFFF086  }
0x1c: {  	p1 =	slt.u32 s9, $0xF7A;
	s5 =	simm.s32 @!p2 $0x0  }
0x1d: {  	s5 =	simm.s32 @p1 $0x1;
	p0 =	seq.s32 s7, s2  }
0x1e: {  	s7 =	smul.u32 @!p0 $0xF7A, s2;
	p2 =	seq.s32 @!p0 s5, $0x0  }
0x1f: {  	s9 =	smul.u32 $0xF7A, s1;
	s8 =	simm.s32 @!p0 $0x1BF5;
	p2 =	por !p2, p0  }
0x20: {  	[sflag:s8] =	ssyncset.s32 @!p0 $0xFFFFF086;
	s6 =	sadd.s32 @!p0 s3, s7;
	s7 =	simm.s32 @!p0 $0x108  }
0x21: {  	s3 =	sadd.s32 s3, s9;
	s6 =	sadd.s32 @!p0 $0x88, s6;
	s7 =	simm.s32 @p2 $0x1082  }
0x22: {  	[simem:s7], [sflag:s8] =	dma.local @!p0 [hbm:s6], $0xF7A  }
0x23: {  	s9 =	sor.u32 $0xD0000000, s2;
	s6 =	simm.s32 $0x108;
	_ =	swait.ge @!p0 [sflag:s8], $0x0  }
0x24: {  	s3 =	sadd.s32 $0x88, s3;
	s6 =	simm.s32 @!p1 $0x1082;
	[sflag:s4] =	ssyncset.s32 $0xFFFFF086  }
0x25: {  	[simem:s6], [sflag:s4] =	dma.local [hbm:s3], $0xF7A  }
0x26: {  	[smem:$0x3F95] =	sst s1;
	(tag) =	ssettag s2;
	_ =	strace s9  }
0x27: {  	s1 =	sld [smem:$0x3FA5]  }
0x28: {  	s2 =	sld [smem:$0x3FA6]  }
0x29: {  	s4 =	sld [smem:$0x3FA8]  }
0x2a: {  	p0 =	seq.s32 s5, $0x0;
	s5 =	sld [smem:$0x3FA9]  }
0x2b: {  	s6 =	sld [smem:$0x3FAA]  }
0x2c: {  	s7 =	sld [smem:$0x3FAB]  }
0x2d: {  	s3 =	simm.s32 $0x108;
	s8 =	sld [smem:$0x3FAC]  }
0x2e: {  	s3 =	simm.s32 @!p0 $0x1082;
	s9 =	sld [smem:$0x3FAD]  }
0x2f: {  	lr =	sadd.s32 s0, s3;
	s0 =	sld [smem:$0x3FA4]  }
0x30: {  	s3 =	sld [smem:$0x3FA7]  }
0x31: {  	[smem:$0x3FB0] =	sst s10  }
0x32: {  	s10 =	sld [smem:$0x3FAE];
	_ =	sdelay $0x3  }
0x33: {  	p0 =	seq.s32 s10, $0x1;
	s10 =	sld [smem:$0x3FB0];
	_ =	sdelay $0x3  }
0x34: {  	[smem:$0x3FB0] =	sst s10  }
0x35: {  	s10 =	sld [smem:$0x3FAF];
	_ =	sdelay $0x3  }
0x36: {  	p1 =	seq.s32 s10, $0x1;
	s10 =	sld [smem:$0x3FB0];
	_ =	sdelay $0x3  }
0x37: {  	[smem:$0x3FB0] =	sst s10  }
0x38: {  	s10 =	sld [smem:$0x3FB1]  }
0x39: {  	_ = 	snop;
	(pc) =	sbr.ind lr, $3  }
0x3a: {  	_ = 	snop  }
0x3b: {  	_ = 	snop  }
0x3c: {  	p2 =	seq.s32 s10, $0x1;
	s10 =	sld [smem:$0x3FB0]  }
0x3d: {  	_ =	shalt  }
0x3e: {  	_ =	shalt  }
0x3f: {  	_ =	shalt  }
0x40: {  	_ =	shalt  }
0x41: {  	_ =	shalt  }
0x42: {  	_ =	shalt  }
0x43: {  	_ =	shalt  }
0x44: {  	_ =	shalt  }
0x45: {  	_ =	shalt  }
0x46: {  	_ =	shalt  }
0x47: {  	_ =	shalt  }
0x48: {  	_ =	shalt  }
0x49: {  	_ =	shalt  }
0x4a: {  	_ =	shalt  }
0x4b: {  	_ =	shalt  }
0x4c: {  	_ =	shalt  }
0x4d: {  	_ =	shalt  }
0x4e: {  	_ =	shalt  }
0x4f: {  	_ =	shalt  }
0x50: {  	_ =	shalt  }
0x51: {  	_ =	shalt  }
0x52: {  	_ =	shalt  }
0x53: {  	_ =	shalt  }
0x54: {  	_ =	shalt  }
0x55: {  	_ =	shalt  }
0x56: {  	_ =	shalt  }
0x57: {  	_ =	shalt  }
0x58: {  	_ =	shalt  }
0x59: {  	_ =	shalt  }
0x5a: {  	_ =	shalt  }
0x5b: {  	_ =	shalt  }
0x5c: {  	_ =	shalt  }
0x5d: {  	_ =	shalt  }
0x5e: {  	_ =	shalt  }
0x5f: {  	_ =	shalt  }
0x60: {  	_ =	shalt  }
0x61: {  	_ =	shalt  }
0x62: {  	_ =	shalt  }
0x63: {  	_ =	shalt  }
0x64: {  	_ =	shalt  }
0x65: {  	_ =	shalt  }
0x66: {  	_ =	shalt  }
0x67: {  	_ =	shalt  }
0x68: {  	_ =	shalt  }
0x69: {  	_ =	shalt  }
0x6a: {  	_ =	shalt  }
0x6b: {  	_ =	shalt  }
0x6c: {  	_ =	shalt  }
0x6d: {  	_ =	shalt  }
0x6e: {  	_ =	shalt  }
0x6f: {  	_ =	shalt  }
0x70: {  	_ =	shalt  }
0x71: {  	_ =	shalt  }
0x72: {  	_ =	shalt  }
0x73: {  	_ =	shalt  }
0x74: {  	_ =	shalt  }
0x75: {  	_ =	shalt  }
0x76: {  	_ =	shalt  }
0x77: {  	_ =	shalt  }
0x78: {  	_ =	shalt  }
0x79: {  	_ =	shalt  }
0x7a: {  	_ =	shalt  }
0x7b: {  	_ =	shalt  }
0x7c: {  	_ =	shalt  }
0x7d: {  	_ =	shalt  }
0x7e: {  	_ =	shalt  }
0x7f: {  	_ =	shalt  }
0x80: {  	_ =	shalt  }
0x81: {  	_ =	shalt  }
0x82: {  	_ =	shalt  }
0x83: {  	_ =	shalt  }
0x84: {  	_ =	shalt  }
0x85: {  	_ =	shalt  }
0x86: {  	_ =	shalt  }
0x87: {  	_ =	shalt  }
.Lfunc_end0:
.L_simem_size_0:
called_computation_lowered:
.L_overlay_start_0:
0x88: {  	s2 =	sld [smem:$0x3FD9]  }
0x89: {  	s3 =	sld [smem:$0x3FFE];
	_ =	sdelay $0x1  }
0x8a: {  	s1 =	srdreg.scid  }
0x8b: {  	s0 =	sand.u32 $0x1, s1  }
0x8c: {  	s17 =	sshll.u32 s0, $0xA;
	s2 =	sadd.s32 s3, s2  }
0x8d: {  	s2 =	sadd.s32 s2, s17  }
0x8e: {  	[smem:$0x3FBC] =	sst s2  }
0x8f: {  	_ = 	snop  }
0x90: {  	s2 =	sld [smem:$0x3FD0];
	(tm) =	ssettm $0x1  }
0x91: {  	s18 =	sld [smem:$0x3FFB];
	_ =	sdelay $0x3  }
0x92: {  	_ =	strace s18  }
0x93: {  	s3 =	sld [smem:$0x3FFC];
	_ =	sdelay $0x3  }
0x94: {  	_ =	strace s3  }
0x95: {  	s3 =	sld [smem:$0x3FFD];
	_ =	sdelay $0x3  }
0x96: {  	_ =	strace s3  }
0x97: {  	_ =	strace $0x8FFFFFFF  }
0x98: {  	s19 =	sld [smem:$0x3FDB];
	_ =	sdelay $0x1  }
0x99: {  	s4 =	simm.s32 $_scs_section_size  }
0x9a: {  	s5 =	simm.s32 $_size__tile_overlayer_lowered;
	s6 =	simm.s32 $_tile_overlayer_lowered  }
0x9b: {  	s22 =	simm.s32 $0x1BFF;
	s21 =	sshll.u32 s6, $0x1;
	s3 =	sadd.s32 s4, s19  }
0x9c: {  	s7 =	simm.s32 $0x0;
	s20 =	sshll.u32 s5, $0x1;
	s5 =	sadd.s32 s21, s3  }
0x9d: {  	[timem:s7], [sflag:s22] =	dma.local [hbm:s5], s20  }
0x9e: {  	_ =	swait.ge [sflag:s22], s20  }
0x9f: {  	s4 =	ssub.s32 $0x0, s20;
	[sflag:s22] =	ssyncset.done $0x0  }
0xa0: {  	[sflag:s22] =	ssyncadd.s32 s4;
	_ =	sdelay $0x1  }
0xa1: {  	s23 =	simm.s32 $0x1B8B  }
0xa2: {  	_ =	swait.ge [sflag:s23], $0x1  }
0xa3: {  	[sflag:s23] =	ssyncset.done $0x0  }
0xa4: {  	s25 =	simm.s32 $0x1B8E;
	s24 =	sld [smem:$0x3FFE];
	[sflag:s23] =	ssyncadd.s32 $0xFFFFFFFF  }
0xa5: {  	s26 =	simm.s32 $execute0_lowered;
	[smem:$0x3FD2] =	sst s25  }
0xa6: {  	s5 =	sshll.u32 s26, $0x1;
	_ =	strace $0x80000046;
	[dreg:$0x1] =	wrdreg $0xFFFFFFFF  }
0xa7: {  	s28 =	simm.s32 $_size_execute0_lowered;
	s3 =	sadd.s32 s3, s5;
	[dreg:$0x0] =	wrdreg $0x0  }
0xa8: {  	s5 =	sshll.u32 s28, $0x1;
	[dreg:$0x2] =	wrdreg s3  }
0xa9: {  	[dreg:$0x3] =	wrdreg s5  }
0xaa: {  	[dreg:$0x4] =	wrdreg $0xC0  }
0xab: {  	_ =	task [dreg:s7], $0x5FFFF  }
0xac: {  	[dreg:$0x1] =	wrdreg $0xFFFFFFFF  }
0xad: {  	[dreg:$0x0] =	wrdreg $0x60  }
0xae: {  	[dreg:$0x2] =	wrdreg s24  }
0xaf: {  	[dreg:$0x3] =	wrdreg s2  }
0xb0: {  	[dreg:$0x4] =	wrdreg $0x50800  }
0xb1: {  	[dreg:$0x5] =	wrdreg $0x53000  }
0xb2: {  	[dreg:$0x6] =	wrdreg $0x9  }
0xb3: {  	_ =	task.clear_ibuf [dreg:s7], $0x7FFFF;
	_ =	strace $0x90000046  }
0xb4: {  	s29 =	simm.s32 $0x9;
	_ =	strace $0x80000048  }
0xb5: {  	_ =	swait.ge [sflag:s29], $0x1  }
0xb6: {  	[sflag:s29] =	ssyncadd.s32 $0xFFFFFFFF  }
0xb7: {  	_ =	strace $0x90000048  }
0xb8: {  	_ =	sfence  }
0xb9: {  	s30 =	sld [smem:$0x0];
	_ =	sdelay $0x2  }
0xba: {  	s31 =	sshll.u32 s1, $0xD;
	s1 =	sshrl.u32 s1, $0x2  }
0xbb: {  	s3 =	sand.u32 $0x4000, s31;
	s1 =	sadd.s32 s1, s30  }
0xbc: {  	s0 =	sor.u32 s3, s0;
	s1 =	sshll.u32 s1, $0x11  }
0xbd: {  	s0 =	sor.u32 s1, s0  }
0xbe: {  	s0 =	sadd.s32 $0x8F2B, s0  }
0xbf: {  	[sflag:s0] =	ssyncadd.remote.s32 $0x1  }
0xc0: {  	_ =	sfence.sel $0xFFFF  }
0xc1: {  	[dreg:$0x0] =	wrdreg $0xFFFFFFFF;
	(pc) =	sbr.abs _section_cstart, $3  }
0xc2: {  	[dreg:$0x1] =	wrdreg $0xFFFFFFFF  }
0xc3: {  	_ =	task.clear_ibuf [dreg:s7], $0x2FFFF;
	_ =	strace $0x9FFFFFFF  }
0xc4: {  	(tm) =	ssettm $0x7FFFFFFF  }
0xc5: {  	_ =	shalt  }
tec
execute0_lowered:
.L_overlay_start_1:
0x0: {  	(tag) =	ssettag $0x1  }
0x1: {  	s7 =	rddreg [dreg:$0x0]  }
0x2: {  	s8 =	rddreg [dreg:$0x1]  }
0x3: {  	s1 =	srdreg.scid;
	s2 =	rddreg [dreg:$0x2]  }
0x4: {  	s0 =	stileid.u32;
	s3 =	rddreg [dreg:$0x3]  }
0x5: {  	s4 =	simm.s32 $0x0;
	s14 =	simm.s32 $0x5000;
	s18 =	simm.s32 $0x80  }
0x6: {  	s19 =	simm.s32 $0x1;
	s20 =	simm.s32 $0x0;
	s6 =	sand.u32 $0x1, s1  }
0x7: {  	s30 =	sshll.u32 s0, $0x1;
	s10 =	smul.u32 $0x280, s0;
	[smem:$0x7FF] =	sst s4  }
0x8: {  	s15 =	sshll.u32 s0, $0x6;
	s1 =	sor.u32 s6, s30;
	s5 =	smul.u32 $0x2800, s6  }
0x9: {  	s13 =	ssub.s32 $0x2, s6;
	s6 =	sadd.s32 $0xD800, s7;
	s15 =	sor.u32 $0x1C02, s15  }
0xa: {  	s9 =	smul.u32 $0x500, s1;
	s1 =	rddreg [dreg:$0x4];
	_ =	strace $0x80000047  }
0xb: {  	s31 =	sshrl.u32 s13, $0x1;
	s16 =	sadd.s32 s10, s2;
	s17 =	sadd.s32 s10, s3  }
0xc: {  	s12 =	sadd.s32 s10, s5;
	s5 =	sadd.s32 $0xDA00, s7;
	s13 =	ssub.s32 s13, s31  }
0xd: {  	s16 =	sshrl.u32 s16, $0x3;
	s17 =	sshrl.u32 s17, $0x3;
	s12 =	sshrl.u32 s12, $0x3  }
0xe: {  	s11 =	sadd.s32 s9, s7;
	s8 =	sadd.s32 s8, s9;
	s12 =	sadd.s32 s12, s7  }
0xf: {  	s7 =	sadd.s32 $0x3800, s11;
	s11 =	smax.u32 s13, $0x1;
	s13 =	simm.s32 $0x2800  }
0x10: {  	s9 =	sadd.s32 $0xDC00, s12;
	s10 =	sadd.s32 $0xE600, s12;
	s12 =	simm.s32 $0x2  }
.LBB2_1:
0x11: {  	[tilespmem:s4], [sflag:$0x2] =	stream.linear.gather [hbm4b:s7+s4], $0x2800, $0x38;
	[tilespmem:$0x5580] =	vst v63  }
0x12: {  	_ =	swait.ge [sflag:s12], $0x2800  }
0x13: {  	[sflag:s12] =	ssyncset.done $0x0  }
0x14: {  	[sflag:s12] =	ssyncadd.s32 $0xFFFFD800  }
0x15: {  	[tilespmem:s13], [sflag:$0x2] =	stream.linear.gather [hbm4b:s8+s4], $0x2800, $0x38;
	[tilespmem:$0x5580] =	vst v63  }
0x16: {  	_ =	swait.ge [sflag:s12], $0x2800  }
0x17: {  	[sflag:s12] =	ssyncset.done $0x0  }
0x18: {  	[sflag:s12] =	ssyncadd.s32 $0xFFFFD800  }
0x19: {  	[tilespmem:s14], [sflag:$0x2] =	stream.linear.gather [hbm4b:s5+s4], $0x80, $0x38;
	[tilespmem:$0x5580] =	vst v63  }
0x1a: {  	_ =	swait.ge [sflag:s12], $0x80  }
0x1b: {  	[sflag:s12] =	ssyncset.done $0x0  }
0x1c: {  	[sflag:s12] =	ssyncadd.s32 $0xFFFFFF80  }
0x1d: {  	[spmem:s16], [sflag:s15] =	dma.local [hbm:s6], $0x50  }
0x1e: {  	_ =	swait.ge [sflag:s12], $0x50  }
0x1f: {  	[sflag:s12] =	ssyncset.done $0x0  }
0x20: {  	[sflag:s12] =	ssyncadd.s32 $0xFFFFFFB0  }
0x21: {  	[spmem:s17], [sflag:s15] =	dma.local [hbm:s6], $0x50  }
0x22: {  	_ =	swait.ge [sflag:s12], $0x50  }
0x23: {  	[sflag:s12] =	ssyncset.done $0x0  }
0x24: {  	[sflag:s12] =	ssyncadd.s32 $0xFFFFFFB0  }
0x25: {  	s21 =	simm.s32 $0x0;
	[bflag:$0x0] =	sbarrier.arrive $0xFFFF  }
0x26: {  	[spmem:s2] =	stream.indirect.scatter.add.f32 [tilespmem:s14], [sflag:$0x1], $0x1, s21, s18, $0xb8;
	[tilespmem:$0x5580] =	vst v63  }
0x27: {  	s31 =	simm.s32 $0x2800  }
0x28: {  	[spmem:s3] =	stream.indirect.scatter.add.f32 [tilespmem:s14], [sflag:$0x2], $0x1, s31, s18, $0xb8;
	[tilespmem:$0x5580] =	vst v63  }
0x29: {  	_ =	swait.ge [sflag:s12], $0x80  }
0x2a: {  	[sflag:s12] =	ssyncset.done $0x0  }
0x2b: {  	[sflag:s12] =	ssyncadd.s32 $0xFFFFFF80  }
0x2c: {  	_ =	swait.ge [sflag:s19], $0x80  }
0x2d: {  	s22 =	simm.s32 $0x400;
	s21 =	simm.s32 $0x200;
	[sflag:s19] =	ssyncset.done $0x0  }
.LBB2_2:
0x2e: {  	s23 =	sshra.s32 s21, $0x2  }
0x2f: {  	[sflag:s19] =	ssyncadd.s32 $0xFFFFFF80;
	s21 =	smov.u32 s22;
	s24 =	sadd.s32 $0x200, s22  }
0x30: {  	[spmem:s2] =	stream.indirect.scatter.add.f32 [tilespmem:s14], [sflag:$0x1], $0x1, s23, s18, $0xb8;
	[tilespmem:$0x5580] =	vst v63  }
0x31: {  	p0 =	sne.s32 s22, $0x9E00;
	s22 =	sadd.s32 $0x2800, s23  }
0x32: {  	[spmem:s3] =	stream.indirect.scatter.add.f32 [tilespmem:s14], [sflag:$0x2], $0x1, s22, s18, $0xb8;
	[tilespmem:$0x5580] =	vst v63  }
.Ltmp0:
0x33: {  	_ =	swait.ge [sflag:s12], $0x80;
	(pc) =	sbr.rel @p0 .LBB2_2-.Ltmp0, $4  }
0x34: {  	[sflag:s12] =	ssyncset.done $0x0  }
0x35: {  	[sflag:s12] =	ssyncadd.s32 $0xFFFFFF80  }
0x36: {  	_ =	swait.ge [sflag:s19], $0x80  }
0x37: {  	s22 =	smov.u32 s24;
	[sflag:s19] =	ssyncset.done $0x0  }
0x38: {  	s21 =	sshra.s32 s21, $0x2;
	[sflag:s19] =	ssyncadd.s32 $0xFFFFFF80  }
0x39: {  	[spmem:s2] =	stream.indirect.scatter.add.f32 [tilespmem:s14], [sflag:$0x1], $0x1, s21, s18, $0xb8;
	[tilespmem:$0x5580] =	vst v63  }
0x3a: {  	s21 =	sadd.s32 $0x2800, s21  }
0x3b: {  	[spmem:s3] =	stream.indirect.scatter.add.f32 [tilespmem:s14], [sflag:$0x2], $0x1, s21, s18, $0xb8;
	[tilespmem:$0x5580] =	vst v63  }
0x3c: {  	_ =	swait.ge [sflag:s12], $0x80  }
0x3d: {  	[sflag:s12] =	ssyncset.done $0x0  }
0x3e: {  	[sflag:s12] =	ssyncadd.s32 $0xFFFFFF80  }
0x3f: {  	_ =	swait.ge [sflag:s19], $0x80  }
0x40: {  	[sflag:s19] =	ssyncset.done $0x0  }
0x41: {  	[sflag:s19] =	ssyncadd.s32 $0xFFFFFF80  }
0x42: {  	[bflag:$0x0] =	sbarrier.arrive $0xFFFF  }
0x43: {  	[hbm:s9], [sflag:s15] =	dma.local [spmem:s16], $0x50  }
0x44: {  	s20 =	sadd.s32 $0x1, s20;
	_ =	swait.ge [sflag:s12], $0x50  }
0x45: {  	p0 =	sne.s32 s20, s11;
	[sflag:s12] =	ssyncset.done $0x0  }
.Ltmp1:
0x46: {  	[sflag:s12] =	ssyncadd.s32 $0xFFFFFFB0;
	(pc) =	sbr.rel @p0 .LBB2_1-.Ltmp1, $4  }
0x47: {  	[hbm:s10], [sflag:s15] =	dma.local [spmem:s17], $0x50  }
0x48: {  	_ =	swait.ge [sflag:s12], $0x50  }
0x49: {  	[sflag:s12] =	ssyncset.done $0x0  }
0x4a: {  	[sflag:s12] =	ssyncadd.s32 $0xFFFFFFB0  }
0x4b: {  	_ =	sfence.sel $0x180000  }
0x4c: {  	[bflag:$0x0] =	sbarrier.arrive $0xFFFF  }
0x4d: {  	p0 =	sne.s32 s0, $0x0;
	_ =	strace $0x90000047  }
0x4e: {  	s0 =	sadd.s32 @!p0 $0x100000, s1;
	[bflag:$0x2] =	sbarrier.arrive $0xFFFF  }
0x4f: {  	[sflag:s0] =	ssyncadd.tile.s32 @!p0 $0x1;
	_ =	shalt  }
.Lfunc_end2:
_tile_overlayer_lowered:
.L_overlay_start_2:
0x50: {  	(tag) =	ssettag $0x2  }
0x51: {  	s0 =	rddreg [dreg:$0x0];
	s2 =	stileid.u32  }
0x52: {  	s1 =	rddreg [dreg:$0x1];
	p0 =	sne.s32 s2, $0x0  }
0x53: {  	s3 =	rddreg [dreg:$0x2];
	[bflag:$0x3] =	sbarrier.arrive $0xFFFF;
	s2 =	simm.s32 @!p0 $0x1C02  }
0x54: {  	[timem:s3], [sflag:s2] =	dma.local @!p0 [hbm:s0], s1  }
0x55: {  	s0 =	simm.s32 @!p0 $0x2  }
0x56: {  	_ =	swait.ge @!p0 [sflag:s0], s1  }
0x57: {  	s1 =	ssub.s32 @!p0 $0x0, s1;
	[sflag:s0] =	ssyncset.done @!p0 $0x0  }
0x58: {  	[sflag:s0] =	ssyncadd.s32 @!p0 s1  }
0x59: {  	[bflag:$0x3] =	sbarrier.arrive $0xFFFF  }
0x5a: {  	_ =	shalt  }

// kernel: kernel.14.cloned.1.call-start
scs
__scs_entry_jumppad:
0x0: {  	(pc) =	sbr.rel $0x88, $3  }
0x1: {  	(tag) =	ssettag $0x0;
	lr =	simm.s32 $0x1  }
0x2: {  	[smem:$0x3F95] =	sst lr;
	_ =	strace $0xD0000000  }
0x3: {  	_ = 	snop  }
0x4: {  	_ = 	snop  }
0x5: {  	_ = 	snop  }
0x6: {  	_ = 	snop  }
0x7: {  	_ = 	snop  }
__scs_overlays_trampoline_lowered:
0x8: {  	[smem:$0x3FA4] =	sst s0  }
0x9: {  	[smem:$0x3FA5] =	sst s1  }
0xa: {  	[smem:$0x3FA6] =	sst s2  }
0xb: {  	[smem:$0x3FA7] =	sst s3  }
0xc: {  	[smem:$0x3FA8] =	sst s4  }
0xd: {  	[smem:$0x3FA9] =	sst s5  }
0xe: {  	[smem:$0x3FAA] =	sst s6  }
0xf: {  	[smem:$0x3FAB] =	sst s7  }
0x10: {  	[smem:$0x3FAC] =	sst s8  }
0x11: {  	[smem:$0x3FAD] =	sst s9;
	s0 =	simm.s32 @!p0 $0x0  }
0x12: {  	s1 =	sld [smem:$0x3F93];
	s0 =	simm.s32 @p0 $0x1  }
0x13: {  	[smem:$0x3FAE] =	sst s0;
	s0 =	simm.s32 @!p1 $0x0  }
0x14: {  	s2 =	sld [smem:$0x3F92];
	s0 =	simm.s32 @p1 $0x1  }
0x15: {  	[smem:$0x3FAF] =	sst s0;
	s0 =	simm.s32 @!p2 $0x0  }
0x16: {  	s3 =	sld [smem:$0x3FDB];
	s0 =	simm.s32 @p2 $0x1  }
0x17: {  	s4 =	simm.s32 $0x1BF5;
	[smem:$0x3FB1] =	sst s0  }
0x18: {  	s0 =	sld [smem:$0x3F94];
	_ =	swait.ge [sflag:s4], $0x0  }
0x19: {  	s7 =	sld [smem:$0x3F95]  }
0x1a: {  	s8 =	sadd.s32 $0xFFFFE003, lr  }
0x1b: {  	s9 =	sadd.s32 $0xFFFFFEF7, lr;
	s5 =	simm.s32 $0xFFFFFFFF;
	p2 =	slt.u32 s8, $0xFFFFF086  }
0x1c: {  	p1 =	slt.u32 s9, $0xF7A;
	s5 =	simm.s32 @!p2 $0x0  }
0x1d: {  	s5 =	simm.s32 @p1 $0x1;
	p0 =	seq.s32 s7, s2  }
0x1e: {  	s7 =	smul.u32 @!p0 $0xF7A, s2;
	p2 =	seq.s32 @!p0 s5, $0x0  }
0x1f: {  	s9 =	smul.u32 $0xF7A, s1;
	s8 =	simm.s32 @!p0 $0x1BF5;
	p2 =	por !p2, p0  }
0x20: {  	[sflag:s8] =	ssyncset.s32 @!p0 $0xFFFFF086;
	s6 =	sadd.s32 @!p0 s3, s7;
	s7 =	simm.s32 @!p0 $0x108  }
0x21: {  	s3 =	sadd.s32 s3, s9;
	s6 =	sadd.s32 @!p0 $0x88, s6;
	s7 =	simm.s32 @p2 $0x1082  }
0x22: {  	[simem:s7], [sflag:s8] =	dma.local @!p0 [hbm:s6], $0xF7A  }
0x23: {  	s9 =	sor.u32 $0xD0000000, s2;
	s6 =	simm.s32 $0x108;
	_ =	swait.ge @!p0 [sflag:s8], $0x0  }
0x24: {  	s3 =	sadd.s32 $0x88, s3;
	s6 =	simm.s32 @!p1 $0x1082;
	[sflag:s4] =	ssyncset.s32 $0xFFFFF086  }
0x25: {  	[simem:s6], [sflag:s4] =	dma.local [hbm:s3], $0xF7A  }
0x26: {  	[smem:$0x3F95] =	sst s1;
	(tag) =	ssettag s2;
	_ =	strace s9  }
0x27: {  	s1 =	sld [smem:$0x3FA5]  }
0x28: {  	s2 =	sld [smem:$0x3FA6]  }
0x29: {  	s4 =	sld [smem:$0x3FA8]  }
0x2a: {  	p0 =	seq.s32 s5, $0x0;
	s5 =	sld [smem:$0x3FA9]  }
0x2b: {  	s6 =	sld [smem:$0x3FAA]  }
0x2c: {  	s7 =	sld [smem:$0x3FAB]  }
0x2d: {  	s3 =	simm.s32 $0x108;
	s8 =	sld [smem:$0x3FAC]  }
0x2e: {  	s3 =	simm.s32 @!p0 $0x1082;
	s9 =	sld [smem:$0x3FAD]  }
0x2f: {  	lr =	sadd.s32 s0, s3;
	s0 =	sld [smem:$0x3FA4]  }
0x30: {  	s3 =	sld [smem:$0x3FA7]  }
0x31: {  	[smem:$0x3FB0] =	sst s10  }
0x32: {  	s10 =	sld [smem:$0x3FAE];
	_ =	sdelay $0x3  }
0x33: {  	p0 =	seq.s32 s10, $0x1;
	s10 =	sld [smem:$0x3FB0];
	_ =	sdelay $0x3  }
0x34: {  	[smem:$0x3FB0] =	sst s10  }
0x35: {  	s10 =	sld [smem:$0x3FAF];
	_ =	sdelay $0x3  }
0x36: {  	p1 =	seq.s32 s10, $0x1;
	s10 =	sld [smem:$0x3FB0];
	_ =	sdelay $0x3  }
0x37: {  	[smem:$0x3FB0] =	sst s10  }
0x38: {  	s10 =	sld [smem:$0x3FB1]  }
0x39: {  	_ = 	snop;
	(pc) =	sbr.ind lr, $3  }
0x3a: {  	_ = 	snop  }
0x3b: {  	_ = 	snop  }
0x3c: {  	p2 =	seq.s32 s10, $0x1;
	s10 =	sld [smem:$0x3FB0]  }
0x3d: {  	_ =	shalt  }
0x3e: {  	_ =	shalt  }
0x3f: {  	_ =	shalt  }
0x40: {  	_ =	shalt  }
0x41: {  	_ =	shalt  }
0x42: {  	_ =	shalt  }
0x43: {  	_ =	shalt  }
0x44: {  	_ =	shalt  }
0x45: {  	_ =	shalt  }
0x46: {  	_ =	shalt  }
0x47: {  	_ =	shalt  }
0x48: {  	_ =	shalt  }
0x49: {  	_ =	shalt  }
0x4a: {  	_ =	shalt  }
0x4b: {  	_ =	shalt  }
0x4c: {  	_ =	shalt  }
0x4d: {  	_ =	shalt  }
0x4e: {  	_ =	shalt  }
0x4f: {  	_ =	shalt  }
0x50: {  	_ =	shalt  }
0x51: {  	_ =	shalt  }
0x52: {  	_ =	shalt  }
0x53: {  	_ =	shalt  }
0x54: {  	_ =	shalt  }
0x55: {  	_ =	shalt  }
0x56: {  	_ =	shalt  }
0x57: {  	_ =	shalt  }
0x58: {  	_ =	shalt  }
0x59: {  	_ =	shalt  }
0x5a: {  	_ =	shalt  }
0x5b: {  	_ =	shalt  }
0x5c: {  	_ =	shalt  }
0x5d: {  	_ =	shalt  }
0x5e: {  	_ =	shalt  }
0x5f: {  	_ =	shalt  }
0x60: {  	_ =	shalt  }
0x61: {  	_ =	shalt  }
0x62: {  	_ =	shalt  }
0x63: {  	_ =	shalt  }
0x64: {  	_ =	shalt  }
0x65: {  	_ =	shalt  }
0x66: {  	_ =	shalt  }
0x67: {  	_ =	shalt  }
0x68: {  	_ =	shalt  }
0x69: {  	_ =	shalt  }
0x6a: {  	_ =	shalt  }
0x6b: {  	_ =	shalt  }
0x6c: {  	_ =	shalt  }
0x6d: {  	_ =	shalt  }
0x6e: {  	_ =	shalt  }
0x6f: {  	_ =	shalt  }
0x70: {  	_ =	shalt  }
0x71: {  	_ =	shalt  }
0x72: {  	_ =	shalt  }
0x73: {  	_ =	shalt  }
0x74: {  	_ =	shalt  }
0x75: {  	_ =	shalt  }
0x76: {  	_ =	shalt  }
0x77: {  	_ =	shalt  }
0x78: {  	_ =	shalt  }
0x79: {  	_ =	shalt  }
0x7a: {  	_ =	shalt  }
0x7b: {  	_ =	shalt  }
0x7c: {  	_ =	shalt  }
0x7d: {  	_ =	shalt  }
0x7e: {  	_ =	shalt  }
0x7f: {  	_ =	shalt  }
0x80: {  	_ =	shalt  }
0x81: {  	_ =	shalt  }
0x82: {  	_ =	shalt  }
0x83: {  	_ =	shalt  }
0x84: {  	_ =	shalt  }
0x85: {  	_ =	shalt  }
0x86: {  	_ =	shalt  }
0x87: {  	_ =	shalt  }
.Lfunc_end0:
.L_simem_size_0:
called_computation.1_lowered:
.L_overlay_start_0:
0x88: {  	s2 =	sld [smem:$0x3FD9]  }
0x89: {  	s3 =	sld [smem:$0x3FFE];
	_ =	sdelay $0x1  }
0x8a: {  	s1 =	srdreg.scid  }
0x8b: {  	s0 =	sand.u32 $0x1, s1  }
0x8c: {  	s17 =	sshll.u32 s0, $0xA;
	s2 =	sadd.s32 s3, s2  }
0x8d: {  	s2 =	sadd.s32 s2, s17  }
0x8e: {  	[smem:$0x3FBC] =	sst s2  }
0x8f: {  	_ = 	snop  }
0x90: {  	s2 =	sld [smem:$0x3FD0];
	(tm) =	ssettm $0x1  }
0x91: {  	s18 =	sld [smem:$0x3FFB];
	_ =	sdelay $0x3  }
0x92: {  	_ =	strace s18  }
0x93: {  	s3 =	sld [smem:$0x3FFC];
	_ =	sdelay $0x3  }
0x94: {  	_ =	strace s3  }
0x95: {  	s3 =	sld [smem:$0x3FFD];
	_ =	sdelay $0x3  }
0x96: {  	_ =	strace s3  }
0x97: {  	_ =	strace $0x8FFFFFFF  }
0x98: {  	s19 =	sld [smem:$0x3FDB];
	_ =	sdelay $0x1  }
0x99: {  	s4 =	simm.s32 $_scs_section_size  }
0x9a: {  	s5 =	simm.s32 $_size__tile_overlayer_lowered;
	s6 =	simm.s32 $_tile_overlayer_lowered  }
0x9b: {  	s22 =	simm.s32 $0x1BFF;
	s21 =	sshll.u32 s6, $0x1;
	s3 =	sadd.s32 s4, s19  }
0x9c: {  	s7 =	simm.s32 $0x0;
	s20 =	sshll.u32 s5, $0x1;
	s5 =	sadd.s32 s21, s3  }
0x9d: {  	[timem:s7], [sflag:s22] =	dma.local [hbm:s5], s20  }
0x9e: {  	_ =	swait.ge [sflag:s22], s20  }
0x9f: {  	s4 =	ssub.s32 $0x0, s20;
	[sflag:s22] =	ssyncset.done $0x0  }
0xa0: {  	[sflag:s22] =	ssyncadd.s32 s4;
	_ =	sdelay $0x1  }
0xa1: {  	s23 =	simm.s32 $0x1B8B  }
0xa2: {  	_ =	swait.ge [sflag:s23], $0x1  }
0xa3: {  	[sflag:s23] =	ssyncset.done $0x0  }
0xa4: {  	s25 =	simm.s32 $0x1B8E;
	s24 =	sld [smem:$0x3FFE];
	[sflag:s23] =	ssyncadd.s32 $0xFFFFFFFF  }
0xa5: {  	s26 =	simm.s32 $execute0_lowered;
	[smem:$0x3FD2] =	sst s25  }
0xa6: {  	s5 =	sshll.u32 s26, $0x1;
	_ =	strace $0x80000049;
	[dreg:$0x1] =	wrdreg $0xFFFFFFFF  }
0xa7: {  	s28 =	simm.s32 $_size_execute0_lowered;
	s3 =	sadd.s32 s3, s5;
	[dreg:$0x0] =	wrdreg $0x0  }
0xa8: {  	s5 =	sshll.u32 s28, $0x1;
	[dreg:$0x2] =	wrdreg s3  }
0xa9: {  	[dreg:$0x3] =	wrdreg s5  }
0xaa: {  	[dreg:$0x4] =	wrdreg $0xC0  }
0xab: {  	_ =	task [dreg:s7], $0x5FFFF  }
0xac: {  	[dreg:$0x1] =	wrdreg $0xFFFFFFFF  }
0xad: {  	[dreg:$0x0] =	wrdreg $0x60  }
0xae: {  	[dreg:$0x2] =	wrdreg s24  }
0xaf: {  	[dreg:$0x3] =	wrdreg s2  }
0xb0: {  	[dreg:$0x4] =	wrdreg $0xA9000  }
0xb1: {  	[dreg:$0x5] =	wrdreg $0x9  }
0xb2: {  	_ =	task.clear_ibuf [dreg:s7], $0x6FFFF;
	_ =	strace $0x90000049  }
0xb3: {  	s29 =	simm.s32 $0x9;
	_ =	strace $0x8000004B  }
0xb4: {  	_ =	swait.ge [sflag:s29], $0x1  }
0xb5: {  	[sflag:s29] =	ssyncadd.s32 $0xFFFFFFFF  }
0xb6: {  	_ =	strace $0x9000004B  }
0xb7: {  	_ =	sfence  }
0xb8: {  	s30 =	sld [smem:$0x0];
	_ =	sdelay $0x2  }
0xb9: {  	s31 =	sshll.u32 s1, $0xD;
	s1 =	sshrl.u32 s1, $0x2  }
0xba: {  	s3 =	sand.u32 $0x4000, s31;
	s1 =	sadd.s32 s1, s30  }
0xbb: {  	s0 =	sor.u32 s3, s0;
	s1 =	sshll.u32 s1, $0x11  }
0xbc: {  	s0 =	sor.u32 s1, s0  }
0xbd: {  	s0 =	sadd.s32 $0x8F2B, s0  }
0xbe: {  	[sflag:s0] =	ssyncadd.remote.s32 $0x1  }
0xbf: {  	_ =	sfence.sel $0xFFFF  }
0xc0: {  	[dreg:$0x0] =	wrdreg $0xFFFFFFFF;
	(pc) =	sbr.abs _section_cstart, $3  }
0xc1: {  	[dreg:$0x1] =	wrdreg $0xFFFFFFFF  }
0xc2: {  	_ =	task.clear_ibuf [dreg:s7], $0x2FFFF;
	_ =	strace $0x9FFFFFFF  }
0xc3: {  	(tm) =	ssettm $0x7FFFFFFF  }
tec
execute0_lowered:
.L_overlay_start_1:
0x0: {  	(tag) =	ssettag $0x1  }
0x1: {  	s0 =	rddreg [dreg:$0x0]  }
0x2: {  	s2 =	rddreg [dreg:$0x1];
	s1 =	srdreg.scid  }
0x3: {  	s3 =	rddreg [dreg:$0x2];
	s15 =	stileid.u32  }
0x4: {  	s4 =	simm.s32 $0x0;
	s17 =	simm.s32 $0x3;
	s18 =	simm.s32 $0x80  }
0x5: {  	s19 =	simm.s32 $0x2900;
	s20 =	simm.s32 $0x2800;
	s21 =	simm.s32 $0x2  }
0x6: {  	s22 =	simm.s32 $0x1;
	s23 =	simm.s32 $0x6900;
	s8 =	smul.u32 $0x14000, s15  }
0x7: {  	s24 =	simm.s32 $0x2880;
	s1 =	sand.u32 $0x1, s1;
	s11 =	smul.u32 $0x50000, s15  }
0x8: {  	s5 =	sshll.u32 s15, $0x1;
	[smem:$0x7FF] =	sst s4;
	s28 =	smul.u32 $0xA00, s15  }
0x9: {  	s25 =	sadd.s32 $0x35800, s0;
	s6 =	smul.u32 $0x140000, s1;
	s7 =	sor.u32 s1, s5  }
0xa: {  	_ =	strace $0x8000004A;
	s26 =	ssub.s32 $0x2, s1;
	s1 =	smul.u32 $0x500, s1  }
0xb: {  	s5 =	sadd.s32 $0xD800, s0;
	[dreg:$0x4] =	wrdreg s25;
	s10 =	smul.u32 $0x500, s7  }
0xc: {  	s12 =	sshrl.u32 s26, $0x1;
	s11 =	sshrl.u32 s11, $0x2;
	s13 =	smul.u32 $0x2800, s7  }
0xd: {  	s7 =	sshll.u32 s15, $0x6;
	s6 =	sadd.s32 s8, s6;
	s14 =	ssub.s32 s26, s12  }
0xe: {  	s16 =	sadd.s32 s11, s3;
	s30 =	sor.u32 $0x1C02, s7;
	s12 =	sadd.s32 s1, s28  }
0xf: {  	s26 =	simm.s32 $0x0;
	s9 =	sadd.s32 s10, s0;
	s8 =	sshrl.u32 s6, $0x3  }
0x10: {  	s29 =	sshrl.u32 s13, $0x3;
	[dreg:$0x5] =	wrdreg s30;
	s10 =	sadd.s32 s2, s10  }
0x11: {  	s14 =	smax.u32 s14, $0x1;
	s31 =	sadd.s32 s2, s12;
	s16 =	sshrl.u32 s16, $0x3  }
0x12: {  	s0 =	sadd.s32 s8, s0;
	s9 =	sadd.s32 $0x3800, s9;
	s11 =	sadd.s32 s2, s29  }
0x13: {  	s15 =	sadd.s32 $0x20, s31;
	s11 =	sadd.s32 $0x4F0, s11;
	s13 =	sadd.s32 $0x38000, s0  }
.LBB2_1:
0x14: {  	s0 =	rddreg [dreg:$0x4]  }
0x15: {  	s1 =	rddreg [dreg:$0x5]  }
0x16: {  	[spmem:s16], [sflag:s1] =	dma.local [hbm:s0], $0x2800  }
0x17: {  	[tilespmem:s4], [sflag:$0x3] =	stream.linear.gather [hbm4b:s9+s4], $0x2800, $0x38;
	[tilespmem:$0x1E900] =	vst v63  }
0x18: {  	_ =	swait.ge [sflag:s17], $0x2800  }
0x19: {  	[sflag:s17] =	ssyncset.done $0x0  }
0x1a: {  	[sflag:s17] =	ssyncadd.s32 $0xFFFFD800  }
0x1b: {  	[tilespmem:s19], [sflag:$0x1] =	stream.indirect.gather [hbm4b:s5+s18], $0x80, s4, s18, $0xb8;
	[tilespmem:$0x1E900] =	vst v63  }
0x1c: {  	_ = 	snop  }
0x1d: {  	[tilespmem:s20], [sflag:$0x3] =	stream.linear.gather [hbm4b:s10+s4], $0x80, $0x38;
	[tilespmem:$0x1E900] =	vst v63  }
0x1e: {  	_ =	swait.ge [sflag:s17], $0x80  }
0x1f: {  	[sflag:s17] =	ssyncset.done $0x0  }
0x20: {  	[sflag:s17] =	ssyncadd.s32 $0xFFFFFF80  }
0x21: {  	_ =	swait.ge [sflag:s21], $0x2800  }
0x22: {  	[sflag:s21] =	ssyncset.done $0x0  }
0x23: {  	[sflag:s21] =	ssyncadd.s32 $0xFFFFD800  }
0x24: {  	[bflag:$0x0] =	sbarrier.arrive $0xFFFF  }
0x25: {  	s6 =	sand.u32 $0x60, s4;
	s1 =	sadd.s32 $0x0, s12;
	_ =	swait.ge [sflag:s22], $0x4000  }
0x26: {  	s0 =	sand.u32 $0xFFFFF80, s1;
	s1 =	sadd.s32 s6, s2;
	[sflag:s22] =	ssyncset.done $0x0  }
0x27: {  	s25 =	simm.s32 $0x80;
	s0 =	sadd.s32 s0, s1;
	[sflag:s22] =	ssyncadd.s32 $0xFFFFC000  }
0x28: {  	[tilespmem:s23], [sflag:$0x1] =	stream.indirect.gather [hbm4b:s5+s18], $0x80, s25, s18, $0xb8;
	[tilespmem:$0x1E900] =	vst v63  }
0x29: {  	s0 =	sadd.s32 $0x10, s0  }
0x2a: {  	[tilespmem:s24], [sflag:$0x2] =	stream.linear.gather [hbm4b:s0+s4], $0x80, $0x38;
	[tilespmem:$0x1E900] =	vst v63  }
0x2b: {  	_ = 	snop  }
0x2c: {  	[spmem:s3] =	stream.indirect.scatter.add.f32 [tilespmem:s19], [sflag:$0x3], $0x80, s20, s18, $0xb8;
	[tilespmem:$0x1E900] =	vst v63  }
0x2d: {  	_ =	swait.ge [sflag:s17], $0x4000  }
0x2e: {  	[sflag:s17] =	ssyncset.done $0x0  }
0x2f: {  	[sflag:s17] =	ssyncadd.s32 $0xFFFFC000  }
0x30: {  	_ =	swait.ge [sflag:s22], $0x4000  }
0x31: {  	[sflag:s22] =	ssyncset.done $0x0  }
0x32: {  	[sflag:s22] =	ssyncadd.s32 $0xFFFFC000  }
0x33: {  	_ =	swait.ge [sflag:s21], $0x80  }
0x34: {  	[sflag:s21] =	ssyncset.done $0x0  }
0x35: {  	s8 =	simm.s32 $0x100;
	[sflag:s21] =	ssyncadd.s32 $0xFFFFFF80  }
0x36: {  	[tilespmem:s19], [sflag:$0x1] =	stream.indirect.gather [hbm4b:s5+s18], $0x80, s8, s18, $0xb8;
	[tilespmem:$0x1E900] =	vst v63  }
0x37: {  	s25 =	sadd.s32 $0x0, s15  }
0x38: {  	[tilespmem:s20], [sflag:$0x2] =	stream.linear.gather [hbm4b:s25+s4], $0x80, $0x38;
	[tilespmem:$0x1E900] =	vst v63  }
0x39: {  	_ = 	snop  }
0x3a: {  	[spmem:s3] =	stream.indirect.scatter.add.f32 [tilespmem:s23], [sflag:$0x3], $0x80, s24, s18, $0xb8;
	[tilespmem:$0x1E900] =	vst v63  }
0x3b: {  	_ =	swait.ge [sflag:s17], $0x4000  }
0x3c: {  	[sflag:s17] =	ssyncset.done $0x0  }
0x3d: {  	[sflag:s17] =	ssyncadd.s32 $0xFFFFC000  }
0x3e: {  	s28 =	simm.s32 $0x20;
	_ =	swait.ge [sflag:s22], $0x4000  }
0x3f: {  	s29 =	simm.s32 $0x200;
	s30 =	simm.s32 $0x180;
	[sflag:s22] =	ssyncset.done $0x0  }
0x40: {  	s31 =	simm.s32 $0x40;
	s1 =	sadd.s32 $0x20, s12;
	[sflag:s22] =	ssyncadd.s32 $0xFFFFC000  }
0x41: {  	s0 =	simm.s32 $0x300;
	s25 =	sand.u32 $0x60, s28;
	_ =	swait.ge [sflag:s21], $0x80  }
.LBB2_2:
0x42: {  	s1 =	sand.u32 $0xFFFFF80, s1  }
0x43: {  	s25 =	sadd.s32 s25, s2;
	[sflag:s21] =	ssyncset.done $0x0;
	s6 =	smov.u32 s31  }
0x44: {  	s8 =	sadd.s32 $0xFFFFFF80, s0;
	s1 =	sadd.s32 s1, s25;
	[sflag:s21] =	ssyncadd.s32 $0xFFFFFF80  }
0x45: {  	[tilespmem:s23], [sflag:$0x1] =	stream.indirect.gather [hbm4b:s5+s18], $0x80, s30, s18, $0xb8;
	[tilespmem:$0x1E900] =	vst v63  }
0x46: {  	p0 =	sne.s32 s31, $0x4C0;
	s31 =	sadd.s32 $0x20, s31;
	s1 =	sadd.s32 $0x10, s1  }
0x47: {  	[tilespmem:s24], [sflag:$0x2] =	stream.linear.gather [hbm4b:s1+s4], $0x80, $0x38;
	[tilespmem:$0x1E900] =	vst v63  }
0x48: {  	s30 =	smov.u32 s8  }
0x49: {  	[spmem:s3] =	stream.indirect.scatter.add.f32 [tilespmem:s19], [sflag:$0x3], $0x80, s20, s18, $0xb8;
	[tilespmem:$0x1E900] =	vst v63  }
0x4a: {  	_ =	swait.ge [sflag:s17], $0x4000  }
0x4b: {  	[sflag:s17] =	ssyncset.done $0x0  }
0x4c: {  	[sflag:s17] =	ssyncadd.s32 $0xFFFFC000  }
0x4d: {  	_ =	swait.ge [sflag:s22], $0x4000  }
0x4e: {  	[sflag:s22] =	ssyncset.done $0x0  }
0x4f: {  	[sflag:s22] =	ssyncadd.s32 $0xFFFFC000  }
0x50: {  	_ =	swait.ge [sflag:s21], $0x80  }
0x51: {  	[sflag:s21] =	ssyncset.done $0x0  }
0x52: {  	s1 =	sadd.s32 s28, s15;
	s28 =	smov.u32 s6;
	[sflag:s21] =	ssyncadd.s32 $0xFFFFFF80  }
0x53: {  	[tilespmem:s19], [sflag:$0x1] =	stream.indirect.gather [hbm4b:s5+s18], $0x80, s29, s18, $0xb8;
	[tilespmem:$0x1E900] =	vst v63  }
0x54: {  	s29 =	smov.u32 s0  }
0x55: {  	[tilespmem:s20], [sflag:$0x2] =	stream.linear.gather [hbm4b:s1+s4], $0x80, $0x38;
	[tilespmem:$0x1E900] =	vst v63  }
0x56: {  	_ = 	snop  }
0x57: {  	[spmem:s3] =	stream.indirect.scatter.add.f32 [tilespmem:s23], [sflag:$0x3], $0x80, s24, s18, $0xb8;
	[tilespmem:$0x1E900] =	vst v63  }
0x58: {  	_ =	swait.ge [sflag:s17], $0x4000  }
0x59: {  	[sflag:s17] =	ssyncset.done $0x0  }
.Ltmp0:
0x5a: {  	[sflag:s17] =	ssyncadd.s32 $0xFFFFC000;
	(pc) =	sbr.rel @p0 .LBB2_2-.Ltmp0, $4  }
0x5b: {  	_ =	swait.ge [sflag:s22], $0x4000  }
0x5c: {  	[sflag:s22] =	ssyncset.done $0x0  }
0x5d: {  	s0 =	sadd.s32 $0x100, s0;
	[sflag:s22] =	ssyncadd.s32 $0xFFFFC000  }
0x5e: {  	s25 =	sand.u32 $0x60, s28;
	s1 =	sadd.s32 s28, s12;
	_ =	swait.ge [sflag:s21], $0x80  }
0x5f: {  	s0 =	sand.u32 $0xFFFFF80, s1;
	s25 =	sadd.s32 s25, s2;
	[sflag:s21] =	ssyncset.done $0x0  }
0x60: {  	s0 =	sadd.s32 s0, s25;
	[sflag:s21] =	ssyncadd.s32 $0xFFFFFF80  }
0x61: {  	[tilespmem:s23], [sflag:$0x1] =	stream.indirect.gather [hbm4b:s5+s18], $0x80, s30, s18, $0xb8;
	[tilespmem:$0x1E900] =	vst v63  }
0x62: {  	s0 =	sadd.s32 $0x10, s0  }
0x63: {  	[tilespmem:s24], [sflag:$0x2] =	stream.linear.gather [hbm4b:s0+s4], $0x80, $0x38;
	[tilespmem:$0x1E900] =	vst v63  }
0x64: {  	_ = 	snop  }
0x65: {  	[spmem:s3] =	stream.indirect.scatter.add.f32 [tilespmem:s19], [sflag:$0x3], $0x80, s20, s18, $0xb8;
	[tilespmem:$0x1E900] =	vst v63  }
0x66: {  	_ =	swait.ge [sflag:s17], $0x4000  }
0x67: {  	[sflag:s17] =	ssyncset.done $0x0  }
0x68: {  	[sflag:s17] =	ssyncadd.s32 $0xFFFFC000  }
0x69: {  	_ =	swait.ge [sflag:s22], $0x4000  }
0x6a: {  	[sflag:s22] =	ssyncset.done $0x0  }
0x6b: {  	[sflag:s22] =	ssyncadd.s32 $0xFFFFC000  }
0x6c: {  	_ =	swait.ge [sflag:s21], $0x80  }
0x6d: {  	[sflag:s21] =	ssyncset.done $0x0  }
0x6e: {  	[sflag:s21] =	ssyncadd.s32 $0xFFFFFF80  }
0x6f: {  	[tilespmem:s19], [sflag:$0x1] =	stream.indirect.gather [hbm4b:s5+s18], $0x80, s29, s18, $0xb8;
	[tilespmem:$0x1E900] =	vst v63  }
0x70: {  	s29 =	sadd.s32 s28, s15  }
0x71: {  	[tilespmem:s20], [sflag:$0x2] =	stream.linear.gather [hbm4b:s29+s4], $0x80, $0x38;
	[tilespmem:$0x1E900] =	vst v63  }
0x72: {  	_ = 	snop  }
0x73: {  	[spmem:s3] =	stream.indirect.scatter.add.f32 [tilespmem:s23], [sflag:$0x3], $0x80, s24, s18, $0xb8;
	[tilespmem:$0x1E900] =	vst v63  }
0x74: {  	_ =	swait.ge [sflag:s17], $0x4000  }
0x75: {  	[sflag:s17] =	ssyncset.done $0x0  }
0x76: {  	[sflag:s17] =	ssyncadd.s32 $0xFFFFC000  }
0x77: {  	_ =	swait.ge [sflag:s22], $0x4000  }
0x78: {  	[sflag:s22] =	ssyncset.done $0x0  }
0x79: {  	[sflag:s22] =	ssyncadd.s32 $0xFFFFC000  }
0x7a: {  	_ =	swait.ge [sflag:s21], $0x80  }
0x7b: {  	[sflag:s21] =	ssyncset.done $0x0  }
0x7c: {  	s30 =	simm.s32 $0x2780;
	[sflag:s21] =	ssyncadd.s32 $0xFFFFFF80  }
0x7d: {  	[tilespmem:s23], [sflag:$0x1] =	stream.indirect.gather [hbm4b:s5+s18], $0x80, s30, s18, $0xb8;
	[tilespmem:$0x1E900] =	vst v63  }
0x7e: {  	_ = 	snop  }
0x7f: {  	[tilespmem:s24], [sflag:$0x2] =	stream.linear.gather [hbm4b:s11+s4], $0x80, $0x38;
	[tilespmem:$0x1E900] =	vst v63  }
0x80: {  	_ = 	snop  }
0x81: {  	[spmem:s3] =	stream.indirect.scatter.add.f32 [tilespmem:s19], [sflag:$0x3], $0x80, s20, s18, $0xb8;
	[tilespmem:$0x1E900] =	vst v63  }
0x82: {  	_ =	swait.ge [sflag:s17], $0x4000  }
0x83: {  	[sflag:s17] =	ssyncset.done $0x0  }
0x84: {  	[sflag:s17] =	ssyncadd.s32 $0xFFFFC000  }
0x85: {  	_ =	swait.ge [sflag:s22], $0x4000  }
0x86: {  	[sflag:s22] =	ssyncset.done $0x0  }
0x87: {  	[sflag:s22] =	ssyncadd.s32 $0xFFFFC000  }
0x88: {  	_ =	swait.ge [sflag:s21], $0x80  }
0x89: {  	[sflag:s21] =	ssyncset.done $0x0  }
0x8a: {  	[sflag:s21] =	ssyncadd.s32 $0xFFFFFF80  }
0x8b: {  	[spmem:s3] =	stream.indirect.scatter.add.f32 [tilespmem:s23], [sflag:$0x3], $0x80, s24, s18, $0xb8;
	[tilespmem:$0x1E900] =	vst v63  }
0x8c: {  	_ =	swait.ge [sflag:s17], $0x4000  }
0x8d: {  	s26 =	sadd.s32 $0x1, s26;
	[sflag:s17] =	ssyncset.done $0x0  }
0x8e: {  	p0 =	sne.s32 s26, s14;
	[sflag:s17] =	ssyncadd.s32 $0xFFFFC000  }
.Ltmp1:
0x8f: {  	s31 =	sor.u32 $0x1C03, s7;
	[bflag:$0x0] =	sbarrier.arrive $0xFFFF;
	(pc) =	sbr.rel @p0 .LBB2_1-.Ltmp1, $4  }
0x90: {  	[hbm:s13], [sflag:s31] =	dma.local [spmem:s16], $0x2800  }
0x91: {  	_ =	swait.ge [sflag:s17], $0x2800  }
0x92: {  	[sflag:s17] =	ssyncset.done $0x0  }
0x93: {  	[sflag:s17] =	ssyncadd.s32 $0xFFFFD800  }
0x94: {  	_ =	sfence.sel $0x180000  }
0x95: {  	[bflag:$0x0] =	sbarrier.arrive $0xFFFF  }
0x96: {  	_ =	strace $0x9000004A  }
0x97: {  	s0 =	stileid.u32;
	[bflag:$0x2] =	sbarrier.arrive $0xFFFF  }
0x98: {  	p0 =	sne.s32 s0, $0x0;
	s0 =	rddreg [dreg:$0x3]  }
0x99: {  	s0 =	sadd.s32 @!p0 $0x100000, s0  }
0x9a: {  	[sflag:s0] =	ssyncadd.tile.s32 @!p0 $0x1;
	_ =	shalt  }
.Lfunc_end2:
_tile_overlayer_lowered:
.L_overlay_start_2:
0x9b: {  	(tag) =	ssettag $0x2  }
0x9c: {  	s0 =	rddreg [dreg:$0x0];
	s2 =	stileid.u32  }
0x9d: {  	s1 =	rddreg [dreg:$0x1];
	p0 =	sne.s32 s2, $0x0  }
0x9e: {  	s3 =	rddreg [dreg:$0x2];
	[bflag:$0x3] =	sbarrier.arrive $0xFFFF;
	s2 =	simm.s32 @!p0 $0x1C03  }
0x9f: {  	[timem:s3], [sflag:s2] =	dma.local @!p0 [hbm:s0], s1  }
0xa0: {  	s0 =	simm.s32 @!p0 $0x3  }
0xa1: {  	_ =	swait.ge @!p0 [sflag:s0], s1  }
0xa2: {  	s1 =	ssub.s32 @!p0 $0x0, s1;
	[sflag:s0] =	ssyncset.done @!p0 $0x0  }
0xa3: {  	[sflag:s0] =	ssyncadd.s32 @!p0 s1  }
0xa4: {  	[bflag:$0x3] =	sbarrier.arrive $0xFFFF  }
0xa5: {  	_ =	shalt  }

// kernel: kernel.17.cloned.1.call-start
scs
__scs_entry_jumppad:
0x0: {  	(pc) =	sbr.rel $0x88, $3  }
0x1: {  	(tag) =	ssettag $0x0;
	lr =	simm.s32 $0x1  }
0x2: {  	[smem:$0x3F95] =	sst lr;
	_ =	strace $0xD0000000  }
0x3: {  	_ = 	snop  }
0x4: {  	_ = 	snop  }
0x5: {  	_ = 	snop  }
0x6: {  	_ = 	snop  }
0x7: {  	_ = 	snop  }
__scs_overlays_trampoline_lowered:
0x8: {  	[smem:$0x3FA4] =	sst s0  }
0x9: {  	[smem:$0x3FA5] =	sst s1  }
0xa: {  	[smem:$0x3FA6] =	sst s2  }
0xb: {  	[smem:$0x3FA7] =	sst s3  }
0xc: {  	[smem:$0x3FA8] =	sst s4  }
0xd: {  	[smem:$0x3FA9] =	sst s5  }
0xe: {  	[smem:$0x3FAA] =	sst s6  }
0xf: {  	[smem:$0x3FAB] =	sst s7  }
0x10: {  	[smem:$0x3FAC] =	sst s8  }
0x11: {  	[smem:$0x3FAD] =	sst s9;
	s0 =	simm.s32 @!p0 $0x0  }
0x12: {  	s1 =	sld [smem:$0x3F93];
	s0 =	simm.s32 @p0 $0x1  }
0x13: {  	[smem:$0x3FAE] =	sst s0;
	s0 =	simm.s32 @!p1 $0x0  }
0x14: {  	s2 =	sld [smem:$0x3F92];
	s0 =	simm.s32 @p1 $0x1  }
0x15: {  	[smem:$0x3FAF] =	sst s0;
	s0 =	simm.s32 @!p2 $0x0  }
0x16: {  	s3 =	sld [smem:$0x3FDB];
	s0 =	simm.s32 @p2 $0x1  }
0x17: {  	s4 =	simm.s32 $0x1BF5;
	[smem:$0x3FB1] =	sst s0  }
0x18: {  	s0 =	sld [smem:$0x3F94];
	_ =	swait.ge [sflag:s4], $0x0  }
0x19: {  	s7 =	sld [smem:$0x3F95]  }
0x1a: {  	s8 =	sadd.s32 $0xFFFFE003, lr  }
0x1b: {  	s9 =	sadd.s32 $0xFFFFFEF7, lr;
	s5 =	simm.s32 $0xFFFFFFFF;
	p2 =	slt.u32 s8, $0xFFFFF086  }
0x1c: {  	p1 =	slt.u32 s9, $0xF7A;
	s5 =	simm.s32 @!p2 $0x0  }
0x1d: {  	s5 =	simm.s32 @p1 $0x1;
	p0 =	seq.s32 s7, s2  }
0x1e: {  	s7 =	smul.u32 @!p0 $0xF7A, s2;
	p2 =	seq.s32 @!p0 s5, $0x0  }
0x1f: {  	s9 =	smul.u32 $0xF7A, s1;
	s8 =	simm.s32 @!p0 $0x1BF5;
	p2 =	por !p2, p0  }
0x20: {  	[sflag:s8] =	ssyncset.s32 @!p0 $0xFFFFF086;
	s6 =	sadd.s32 @!p0 s3, s7;
	s7 =	simm.s32 @!p0 $0x108  }
0x21: {  	s3 =	sadd.s32 s3, s9;
	s6 =	sadd.s32 @!p0 $0x88, s6;
	s7 =	simm.s32 @p2 $0x1082  }
0x22: {  	[simem:s7], [sflag:s8] =	dma.local @!p0 [hbm:s6], $0xF7A  }
0x23: {  	s9 =	sor.u32 $0xD0000000, s2;
	s6 =	simm.s32 $0x108;
	_ =	swait.ge @!p0 [sflag:s8], $0x0  }
0x24: {  	s3 =	sadd.s32 $0x88, s3;
	s6 =	simm.s32 @!p1 $0x1082;
	[sflag:s4] =	ssyncset.s32 $0xFFFFF086  }
0x25: {  	[simem:s6], [sflag:s4] =	dma.local [hbm:s3], $0xF7A  }
0x26: {  	[smem:$0x3F95] =	sst s1;
	(tag) =	ssettag s2;
	_ =	strace s9  }
0x27: {  	s1 =	sld [smem:$0x3FA5]  }
0x28: {  	s2 =	sld [smem:$0x3FA6]  }
0x29: {  	s4 =	sld [smem:$0x3FA8]  }
0x2a: {  	p0 =	seq.s32 s5, $0x0;
	s5 =	sld [smem:$0x3FA9]  }
0x2b: {  	s6 =	sld [smem:$0x3FAA]  }
0x2c: {  	s7 =	sld [smem:$0x3FAB]  }
0x2d: {  	s3 =	simm.s32 $0x108;
	s8 =	sld [smem:$0x3FAC]  }
0x2e: {  	s3 =	simm.s32 @!p0 $0x1082;
	s9 =	sld [smem:$0x3FAD]  }
0x2f: {  	lr =	sadd.s32 s0, s3;
	s0 =	sld [smem:$0x3FA4]  }
0x30: {  	s3 =	sld [smem:$0x3FA7]  }
0x31: {  	[smem:$0x3FB0] =	sst s10  }
0x32: {  	s10 =	sld [smem:$0x3FAE];
	_ =	sdelay $0x3  }
0x33: {  	p0 =	seq.s32 s10, $0x1;
	s10 =	sld [smem:$0x3FB0];
	_ =	sdelay $0x3  }
0x34: {  	[smem:$0x3FB0] =	sst s10  }
0x35: {  	s10 =	sld [smem:$0x3FAF];
	_ =	sdelay $0x3  }
0x36: {  	p1 =	seq.s32 s10, $0x1;
	s10 =	sld [smem:$0x3FB0];
	_ =	sdelay $0x3  }
0x37: {  	[smem:$0x3FB0] =	sst s10  }
0x38: {  	s10 =	sld [smem:$0x3FB1]  }
0x39: {  	_ = 	snop;
	(pc) =	sbr.ind lr, $3  }
0x3a: {  	_ = 	snop  }
0x3b: {  	_ = 	snop  }
0x3c: {  	p2 =	seq.s32 s10, $0x1;
	s10 =	sld [smem:$0x3FB0]  }
0x3d: {  	_ =	shalt  }
0x3e: {  	_ =	shalt  }
0x3f: {  	_ =	shalt  }
0x40: {  	_ =	shalt  }
0x41: {  	_ =	shalt  }
0x42: {  	_ =	shalt  }
0x43: {  	_ =	shalt  }
0x44: {  	_ =	shalt  }
0x45: {  	_ =	shalt  }
0x46: {  	_ =	shalt  }
0x47: {  	_ =	shalt  }
0x48: {  	_ =	shalt  }
0x49: {  	_ =	shalt  }
0x4a: {  	_ =	shalt  }
0x4b: {  	_ =	shalt  }
0x4c: {  	_ =	shalt  }
0x4d: {  	_ =	shalt  }
0x4e: {  	_ =	shalt  }
0x4f: {  	_ =	shalt  }
0x50: {  	_ =	shalt  }
0x51: {  	_ =	shalt  }
0x52: {  	_ =	shalt  }
0x53: {  	_ =	shalt  }
0x54: {  	_ =	shalt  }
0x55: {  	_ =	shalt  }
0x56: {  	_ =	shalt  }
0x57: {  	_ =	shalt  }
0x58: {  	_ =	shalt  }
0x59: {  	_ =	shalt  }
0x5a: {  	_ =	shalt  }
0x5b: {  	_ =	shalt  }
0x5c: {  	_ =	shalt  }
0x5d: {  	_ =	shalt  }
0x5e: {  	_ =	shalt  }
0x5f: {  	_ =	shalt  }
0x60: {  	_ =	shalt  }
0x61: {  	_ =	shalt  }
0x62: {  	_ =	shalt  }
0x63: {  	_ =	shalt  }
0x64: {  	_ =	shalt  }
0x65: {  	_ =	shalt  }
0x66: {  	_ =	shalt  }
0x67: {  	_ =	shalt  }
0x68: {  	_ =	shalt  }
0x69: {  	_ =	shalt  }
0x6a: {  	_ =	shalt  }
0x6b: {  	_ =	shalt  }
0x6c: {  	_ =	shalt  }
0x6d: {  	_ =	shalt  }
0x6e: {  	_ =	shalt  }
0x6f: {  	_ =	shalt  }
0x70: {  	_ =	shalt  }
0x71: {  	_ =	shalt  }
0x72: {  	_ =	shalt  }
0x73: {  	_ =	shalt  }
0x74: {  	_ =	shalt  }
0x75: {  	_ =	shalt  }
0x76: {  	_ =	shalt  }
0x77: {  	_ =	shalt  }
0x78: {  	_ =	shalt  }
0x79: {  	_ =	shalt  }
0x7a: {  	_ =	shalt  }
0x7b: {  	_ =	shalt  }
0x7c: {  	_ =	shalt  }
0x7d: {  	_ =	shalt  }
0x7e: {  	_ =	shalt  }
0x7f: {  	_ =	shalt  }
0x80: {  	_ =	shalt  }
0x81: {  	_ =	shalt  }
0x82: {  	_ =	shalt  }
0x83: {  	_ =	shalt  }
0x84: {  	_ =	shalt  }
0x85: {  	_ =	shalt  }
0x86: {  	_ =	shalt  }
0x87: {  	_ =	shalt  }
.Lfunc_end0:
.L_simem_size_0:
called_computation.2_lowered:
.L_overlay_start_0:
0x88: {  	s2 =	sld [smem:$0x3FD9]  }
0x89: {  	s3 =	sld [smem:$0x3FFE];
	_ =	sdelay $0x1  }
0x8a: {  	s1 =	srdreg.scid  }
0x8b: {  	s0 =	sand.u32 $0x1, s1  }
0x8c: {  	s17 =	sshll.u32 s0, $0xA;
	s2 =	sadd.s32 s3, s2  }
0x8d: {  	s2 =	sadd.s32 s2, s17  }
0x8e: {  	[smem:$0x3FBC] =	sst s2  }
0x8f: {  	_ = 	snop  }
0x90: {  	s2 =	sld [smem:$0x3FD0];
	(tm) =	ssettm $0x1  }
0x91: {  	s18 =	sld [smem:$0x3FFB];
	_ =	sdelay $0x3  }
0x92: {  	_ =	strace s18  }
0x93: {  	s3 =	sld [smem:$0x3FFC];
	_ =	sdelay $0x3  }
0x94: {  	_ =	strace s3  }
0x95: {  	s3 =	sld [smem:$0x3FFD];
	_ =	sdelay $0x3  }
0x96: {  	_ =	strace s3  }
0x97: {  	_ =	strace $0x8FFFFFFF  }
0x98: {  	s19 =	sld [smem:$0x3FDB];
	_ =	sdelay $0x1  }
0x99: {  	s4 =	simm.s32 $_scs_section_size  }
0x9a: {  	s5 =	simm.s32 $_size__tile_overlayer_lowered;
	s6 =	simm.s32 $_tile_overlayer_lowered  }
0x9b: {  	s22 =	simm.s32 $0x1BFF;
	s21 =	sshll.u32 s6, $0x1;
	s3 =	sadd.s32 s4, s19  }
0x9c: {  	s7 =	simm.s32 $0x0;
	s20 =	sshll.u32 s5, $0x1;
	s5 =	sadd.s32 s21, s3  }
0x9d: {  	[timem:s7], [sflag:s22] =	dma.local [hbm:s5], s20  }
0x9e: {  	_ =	swait.ge [sflag:s22], s20  }
0x9f: {  	s4 =	ssub.s32 $0x0, s20;
	[sflag:s22] =	ssyncset.done $0x0  }
0xa0: {  	[sflag:s22] =	ssyncadd.s32 s4;
	_ =	sdelay $0x1  }
0xa1: {  	s23 =	simm.s32 $0x1B8B  }
0xa2: {  	_ =	swait.ge [sflag:s23], $0x1  }
0xa3: {  	[sflag:s23] =	ssyncset.done $0x0  }
0xa4: {  	s25 =	simm.s32 $0x1B8E;
	s24 =	sld [smem:$0x3FFE];
	[sflag:s23] =	ssyncadd.s32 $0xFFFFFFFF  }
0xa5: {  	s26 =	simm.s32 $execute0_lowered;
	[smem:$0x3FD2] =	sst s25  }
0xa6: {  	s5 =	sshll.u32 s26, $0x1;
	_ =	strace $0x8000004C;
	[dreg:$0x1] =	wrdreg $0xFFFFFFFF  }
0xa7: {  	s28 =	simm.s32 $_size_execute0_lowered;
	s3 =	sadd.s32 s3, s5;
	[dreg:$0x0] =	wrdreg $0x0  }
0xa8: {  	s5 =	sshll.u32 s28, $0x1;
	[dreg:$0x2] =	wrdreg s3  }
0xa9: {  	[dreg:$0x3] =	wrdreg s5  }
0xaa: {  	[dreg:$0x4] =	wrdreg $0xC0  }
0xab: {  	_ =	task [dreg:s7], $0x5FFFF  }
0xac: {  	[dreg:$0x1] =	wrdreg $0xFFFFFFFF  }
0xad: {  	[dreg:$0x0] =	wrdreg $0x60  }
0xae: {  	[dreg:$0x2] =	wrdreg s24  }
0xaf: {  	[dreg:$0x3] =	wrdreg s2  }
0xb0: {  	[dreg:$0x4] =	wrdreg $0xA9000  }
0xb1: {  	[dreg:$0x5] =	wrdreg $0x9  }
0xb2: {  	_ =	task.clear_ibuf [dreg:s7], $0x6FFFF;
	_ =	strace $0x9000004C  }
0xb3: {  	s29 =	simm.s32 $0x9;
	_ =	strace $0x8000004E  }
0xb4: {  	_ =	swait.ge [sflag:s29], $0x1  }
0xb5: {  	[sflag:s29] =	ssyncadd.s32 $0xFFFFFFFF  }
0xb6: {  	_ =	strace $0x9000004E  }
0xb7: {  	_ =	sfence  }
0xb8: {  	s30 =	sld [smem:$0x0];
	_ =	sdelay $0x2  }
0xb9: {  	s31 =	sshll.u32 s1, $0xD;
	s1 =	sshrl.u32 s1, $0x2  }
0xba: {  	s3 =	sand.u32 $0x4000, s31;
	s1 =	sadd.s32 s1, s30  }
0xbb: {  	s0 =	sor.u32 s3, s0;
	s1 =	sshll.u32 s1, $0x11  }
0xbc: {  	s0 =	sor.u32 s1, s0  }
0xbd: {  	s0 =	sadd.s32 $0x8F2B, s0  }
0xbe: {  	[sflag:s0] =	ssyncadd.remote.s32 $0x1  }
0xbf: {  	_ =	sfence.sel $0xFFFF  }
0xc0: {  	[dreg:$0x0] =	wrdreg $0xFFFFFFFF;
	(pc) =	sbr.abs _section_cstart, $3  }
0xc1: {  	[dreg:$0x1] =	wrdreg $0xFFFFFFFF  }
0xc2: {  	_ =	task.clear_ibuf [dreg:s7], $0x2FFFF;
	_ =	strace $0x9FFFFFFF  }
0xc3: {  	(tm) =	ssettm $0x7FFFFFFF  }
tec
execute0_lowered:
.L_overlay_start_1:
0x0: {  	(tag) =	ssettag $0x1  }
0x1: {  	s0 =	rddreg [dreg:$0x0]  }
0x2: {  	s2 =	rddreg [dreg:$0x1];
	s1 =	srdreg.scid  }
0x3: {  	s3 =	rddreg [dreg:$0x2];
	s15 =	stileid.u32  }
0x4: {  	s4 =	simm.s32 $0x0;
	s17 =	simm.s32 $0x3;
	s18 =	simm.s32 $0x80  }
0x5: {  	s19 =	simm.s32 $0x2900;
	s20 =	simm.s32 $0x2800;
	s21 =	simm.s32 $0x2  }
0x6: {  	s22 =	simm.s32 $0x1;
	s23 =	simm.s32 $0x6900;
	s8 =	smul.u32 $0x14000, s15  }
0x7: {  	s24 =	simm.s32 $0x2880;
	s1 =	sand.u32 $0x1, s1;
	s11 =	smul.u32 $0x50000, s15  }
0x8: {  	s5 =	sshll.u32 s15, $0x1;
	[smem:$0x7FF] =	sst s4;
	s28 =	smul.u32 $0xA00, s15  }
0x9: {  	s25 =	sadd.s32 $0x35800, s0;
	s6 =	smul.u32 $0x140000, s1;
	s7 =	sor.u32 s1, s5  }
0xa: {  	_ =	strace $0x8000004D;
	s26 =	ssub.s32 $0x2, s1;
	s1 =	smul.u32 $0x500, s1  }
0xb: {  	s5 =	sadd.s32 $0xD800, s0;
	[dreg:$0x4] =	wrdreg s25;
	s10 =	smul.u32 $0x500, s7  }
0xc: {  	s12 =	sshrl.u32 s26, $0x1;
	s11 =	sshrl.u32 s11, $0x2;
	s13 =	smul.u32 $0x2800, s7  }
0xd: {  	s7 =	sshll.u32 s15, $0x6;
	s6 =	sadd.s32 s8, s6;
	s14 =	ssub.s32 s26, s12  }
0xe: {  	s16 =	sadd.s32 s11, s3;
	s30 =	sor.u32 $0x1C02, s7;
	s12 =	sadd.s32 s1, s28  }
0xf: {  	s26 =	simm.s32 $0x0;
	s9 =	sadd.s32 s10, s0;
	s8 =	sshrl.u32 s6, $0x3  }
0x10: {  	s29 =	sshrl.u32 s13, $0x3;
	[dreg:$0x5] =	wrdreg s30;
	s10 =	sadd.s32 s2, s10  }
0x11: {  	s14 =	smax.u32 s14, $0x1;
	s31 =	sadd.s32 s2, s12;
	s16 =	sshrl.u32 s16, $0x3  }
0x12: {  	s0 =	sadd.s32 s8, s0;
	s9 =	sadd.s32 $0x3800, s9;
	s11 =	sadd.s32 s2, s29  }
0x13: {  	s15 =	sadd.s32 $0x20, s31;
	s11 =	sadd.s32 $0x4F0, s11;
	s13 =	sadd.s32 $0x38000, s0  }
.LBB2_1:
0x14: {  	s0 =	rddreg [dreg:$0x4]  }
0x15: {  	s1 =	rddreg [dreg:$0x5]  }
0x16: {  	[spmem:s16], [sflag:s1] =	dma.local [hbm:s0], $0x2800  }
0x17: {  	[tilespmem:s4], [sflag:$0x3] =	stream.linear.gather [hbm4b:s9+s4], $0x2800, $0x38;
	[tilespmem:$0x1E900] =	vst v63  }
0x18: {  	_ =	swait.ge [sflag:s17], $0x2800  }
0x19: {  	[sflag:s17] =	ssyncset.done $0x0  }
0x1a: {  	[sflag:s17] =	ssyncadd.s32 $0xFFFFD800  }
0x1b: {  	[tilespmem:s19], [sflag:$0x1] =	stream.indirect.gather [hbm4b:s5+s18], $0x80, s4, s18, $0xb8;
	[tilespmem:$0x1E900] =	vst v63  }
0x1c: {  	_ = 	snop  }
0x1d: {  	[tilespmem:s20], [sflag:$0x3] =	stream.linear.gather [hbm4b:s10+s4], $0x80, $0x38;
	[tilespmem:$0x1E900] =	vst v63  }
0x1e: {  	_ =	swait.ge [sflag:s17], $0x80  }
0x1f: {  	[sflag:s17] =	ssyncset.done $0x0  }
0x20: {  	[sflag:s17] =	ssyncadd.s32 $0xFFFFFF80  }
0x21: {  	_ =	swait.ge [sflag:s21], $0x2800  }
0x22: {  	[sflag:s21] =	ssyncset.done $0x0  }
0x23: {  	[sflag:s21] =	ssyncadd.s32 $0xFFFFD800  }
0x24: {  	[bflag:$0x0] =	sbarrier.arrive $0xFFFF  }
0x25: {  	s6 =	sand.u32 $0x60, s4;
	s1 =	sadd.s32 $0x0, s12;
	_ =	swait.ge [sflag:s22], $0x4000  }
0x26: {  	s0 =	sand.u32 $0xFFFFF80, s1;
	s1 =	sadd.s32 s6, s2;
	[sflag:s22] =	ssyncset.done $0x0  }
0x27: {  	s25 =	simm.s32 $0x80;
	s0 =	sadd.s32 s0, s1;
	[sflag:s22] =	ssyncadd.s32 $0xFFFFC000  }
0x28: {  	[tilespmem:s23], [sflag:$0x1] =	stream.indirect.gather [hbm4b:s5+s18], $0x80, s25, s18, $0xb8;
	[tilespmem:$0x1E900] =	vst v63  }
0x29: {  	s0 =	sadd.s32 $0x10, s0  }
0x2a: {  	[tilespmem:s24], [sflag:$0x2] =	stream.linear.gather [hbm4b:s0+s4], $0x80, $0x38;
	[tilespmem:$0x1E900] =	vst v63  }
0x2b: {  	_ = 	snop  }
0x2c: {  	[spmem:s3] =	stream.indirect.scatter.add.f32 [tilespmem:s19], [sflag:$0x3], $0x80, s20, s18, $0xb8;
	[tilespmem:$0x1E900] =	vst v63  }
0x2d: {  	_ =	swait.ge [sflag:s17], $0x4000  }
0x2e: {  	[sflag:s17] =	ssyncset.done $0x0  }
0x2f: {  	[sflag:s17] =	ssyncadd.s32 $0xFFFFC000  }
0x30: {  	_ =	swait.ge [sflag:s22], $0x4000  }
0x31: {  	[sflag:s22] =	ssyncset.done $0x0  }
0x32: {  	[sflag:s22] =	ssyncadd.s32 $0xFFFFC000  }
0x33: {  	_ =	swait.ge [sflag:s21], $0x80  }
0x34: {  	[sflag:s21] =	ssyncset.done $0x0  }
0x35: {  	s8 =	simm.s32 $0x100;
	[sflag:s21] =	ssyncadd.s32 $0xFFFFFF80  }
0x36: {  	[tilespmem:s19], [sflag:$0x1] =	stream.indirect.gather [hbm4b:s5+s18], $0x80, s8, s18, $0xb8;
	[tilespmem:$0x1E900] =	vst v63  }
0x37: {  	s25 =	sadd.s32 $0x0, s15  }
0x38: {  	[tilespmem:s20], [sflag:$0x2] =	stream.linear.gather [hbm4b:s25+s4], $0x80, $0x38;
	[tilespmem:$0x1E900] =	vst v63  }
0x39: {  	_ = 	snop  }
0x3a: {  	[spmem:s3] =	stream.indirect.scatter.add.f32 [tilespmem:s23], [sflag:$0x3], $0x80, s24, s18, $0xb8;
	[tilespmem:$0x1E900] =	vst v63  }
0x3b: {  	_ =	swait.ge [sflag:s17], $0x4000  }
0x3c: {  	[sflag:s17] =	ssyncset.done $0x0  }
0x3d: {  	[sflag:s17] =	ssyncadd.s32 $0xFFFFC000  }
0x3e: {  	s28 =	simm.s32 $0x20;
	_ =	swait.ge [sflag:s22], $0x4000  }
0x3f: {  	s29 =	simm.s32 $0x200;
	s30 =	simm.s32 $0x180;
	[sflag:s22] =	ssyncset.done $0x0  }
0x40: {  	s31 =	simm.s32 $0x40;
	s1 =	sadd.s32 $0x20, s12;
	[sflag:s22] =	ssyncadd.s32 $0xFFFFC000  }
0x41: {  	s0 =	simm.s32 $0x300;
	s25 =	sand.u32 $0x60, s28;
	_ =	swait.ge [sflag:s21], $0x80  }
.LBB2_2:
0x42: {  	s1 =	sand.u32 $0xFFFFF80, s1  }
0x43: {  	s25 =	sadd.s32 s25, s2;
	[sflag:s21] =	ssyncset.done $0x0;
	s6 =	smov.u32 s31  }
0x44: {  	s8 =	sadd.s32 $0xFFFFFF80, s0;
	s1 =	sadd.s32 s1, s25;
	[sflag:s21] =	ssyncadd.s32 $0xFFFFFF80  }
0x45: {  	[tilespmem:s23], [sflag:$0x1] =	stream.indirect.gather [hbm4b:s5+s18], $0x80, s30, s18, $0xb8;
	[tilespmem:$0x1E900] =	vst v63  }
0x46: {  	p0 =	sne.s32 s31, $0x4C0;
	s31 =	sadd.s32 $0x20, s31;
	s1 =	sadd.s32 $0x10, s1  }
0x47: {  	[tilespmem:s24], [sflag:$0x2] =	stream.linear.gather [hbm4b:s1+s4], $0x80, $0x38;
	[tilespmem:$0x1E900] =	vst v63  }
0x48: {  	s30 =	smov.u32 s8  }
0x49: {  	[spmem:s3] =	stream.indirect.scatter.add.f32 [tilespmem:s19], [sflag:$0x3], $0x80, s20, s18, $0xb8;
	[tilespmem:$0x1E900] =	vst v63  }
0x4a: {  	_ =	swait.ge [sflag:s17], $0x4000  }
0x4b: {  	[sflag:s17] =	ssyncset.done $0x0  }
0x4c: {  	[sflag:s17] =	ssyncadd.s32 $0xFFFFC000  }
0x4d: {  	_ =	swait.ge [sflag:s22], $0x4000  }
0x4e: {  	[sflag:s22] =	ssyncset.done $0x0  }
0x4f: {  	[sflag:s22] =	ssyncadd.s32 $0xFFFFC000  }
0x50: {  	_ =	swait.ge [sflag:s21], $0x80  }
0x51: {  	[sflag:s21] =	ssyncset.done $0x0  }
0x52: {  	s1 =	sadd.s32 s28, s15;
	s28 =	smov.u32 s6;
	[sflag:s21] =	ssyncadd.s32 $0xFFFFFF80  }
0x53: {  	[tilespmem:s19], [sflag:$0x1] =	stream.indirect.gather [hbm4b:s5+s18], $0x80, s29, s18, $0xb8;
	[tilespmem:$0x1E900] =	vst v63  }
0x54: {  	s29 =	smov.u32 s0  }
0x55: {  	[tilespmem:s20], [sflag:$0x2] =	stream.linear.gather [hbm4b:s1+s4], $0x80, $0x38;
	[tilespmem:$0x1E900] =	vst v63  }
0x56: {  	_ = 	snop  }
0x57: {  	[spmem:s3] =	stream.indirect.scatter.add.f32 [tilespmem:s23], [sflag:$0x3], $0x80, s24, s18, $0xb8;
	[tilespmem:$0x1E900] =	vst v63  }
0x58: {  	_ =	swait.ge [sflag:s17], $0x4000  }
0x59: {  	[sflag:s17] =	ssyncset.done $0x0  }
.Ltmp0:
0x5a: {  	[sflag:s17] =	ssyncadd.s32 $0xFFFFC000;
	(pc) =	sbr.rel @p0 .LBB2_2-.Ltmp0, $4  }
0x5b: {  	_ =	swait.ge [sflag:s22], $0x4000  }
0x5c: {  	[sflag:s22] =	ssyncset.done $0x0  }
0x5d: {  	s0 =	sadd.s32 $0x100, s0;
	[sflag:s22] =	ssyncadd.s32 $0xFFFFC000  }
0x5e: {  	s25 =	sand.u32 $0x60, s28;
	s1 =	sadd.s32 s28, s12;
	_ =	swait.ge [sflag:s21], $0x80  }
0x5f: {  	s0 =	sand.u32 $0xFFFFF80, s1;
	s25 =	sadd.s32 s25, s2;
	[sflag:s21] =	ssyncset.done $0x0  }
0x60: {  	s0 =	sadd.s32 s0, s25;
	[sflag:s21] =	ssyncadd.s32 $0xFFFFFF80  }
0x61: {  	[tilespmem:s23], [sflag:$0x1] =	stream.indirect.gather [hbm4b:s5+s18], $0x80, s30, s18, $0xb8;
	[tilespmem:$0x1E900] =	vst v63  }
0x62: {  	s0 =	sadd.s32 $0x10, s0  }
0x63: {  	[tilespmem:s24], [sflag:$0x2] =	stream.linear.gather [hbm4b:s0+s4], $0x80, $0x38;
	[tilespmem:$0x1E900] =	vst v63  }
0x64: {  	_ = 	snop  }
0x65: {  	[spmem:s3] =	stream.indirect.scatter.add.f32 [tilespmem:s19], [sflag:$0x3], $0x80, s20, s18, $0xb8;
	[tilespmem:$0x1E900] =	vst v63  }
0x66: {  	_ =	swait.ge [sflag:s17], $0x4000  }
0x67: {  	[sflag:s17] =	ssyncset.done $0x0  }
0x68: {  	[sflag:s17] =	ssyncadd.s32 $0xFFFFC000  }
0x69: {  	_ =	swait.ge [sflag:s22], $0x4000  }
0x6a: {  	[sflag:s22] =	ssyncset.done $0x0  }
0x6b: {  	[sflag:s22] =	ssyncadd.s32 $0xFFFFC000  }
0x6c: {  	_ =	swait.ge [sflag:s21], $0x80  }
0x6d: {  	[sflag:s21] =	ssyncset.done $0x0  }
0x6e: {  	[sflag:s21] =	ssyncadd.s32 $0xFFFFFF80  }
0x6f: {  	[tilespmem:s19], [sflag:$0x1] =	stream.indirect.gather [hbm4b:s5+s18], $0x80, s29, s18, $0xb8;
	[tilespmem:$0x1E900] =	vst v63  }
0x70: {  	s29 =	sadd.s32 s28, s15  }
0x71: {  	[tilespmem:s20], [sflag:$0x2] =	stream.linear.gather [hbm4b:s29+s4], $0x80, $0x38;
	[tilespmem:$0x1E900] =	vst v63  }
0x72: {  	_ = 	snop  }
0x73: {  	[spmem:s3] =	stream.indirect.scatter.add.f32 [tilespmem:s23], [sflag:$0x3], $0x80, s24, s18, $0xb8;
	[tilespmem:$0x1E900] =	vst v63  }
0x74: {  	_ =	swait.ge [sflag:s17], $0x4000  }
0x75: {  	[sflag:s17] =	ssyncset.done $0x0  }
0x76: {  	[sflag:s17] =	ssyncadd.s32 $0xFFFFC000  }
0x77: {  	_ =	swait.ge [sflag:s22], $0x4000  }
0x78: {  	[sflag:s22] =	ssyncset.done $0x0  }
0x79: {  	[sflag:s22] =	ssyncadd.s32 $0xFFFFC000  }
0x7a: {  	_ =	swait.ge [sflag:s21], $0x80  }
0x7b: {  	[sflag:s21] =	ssyncset.done $0x0  }
0x7c: {  	s30 =	simm.s32 $0x2780;
	[sflag:s21] =	ssyncadd.s32 $0xFFFFFF80  }
0x7d: {  	[tilespmem:s23], [sflag:$0x1] =	stream.indirect.gather [hbm4b:s5+s18], $0x80, s30, s18, $0xb8;
	[tilespmem:$0x1E900] =	vst v63  }
0x7e: {  	_ = 	snop  }
0x7f: {  	[tilespmem:s24], [sflag:$0x2] =	stream.linear.gather [hbm4b:s11+s4], $0x80, $0x38;
	[tilespmem:$0x1E900] =	vst v63  }
0x80: {  	_ = 	snop  }
0x81: {  	[spmem:s3] =	stream.indirect.scatter.add.f32 [tilespmem:s19], [sflag:$0x3], $0x80, s20, s18, $0xb8;
	[tilespmem:$0x1E900] =	vst v63  }
0x82: {  	_ =	swait.ge [sflag:s17], $0x4000  }
0x83: {  	[sflag:s17] =	ssyncset.done $0x0  }
0x84: {  	[sflag:s17] =	ssyncadd.s32 $0xFFFFC000  }
0x85: {  	_ =	swait.ge [sflag:s22], $0x4000  }
0x86: {  	[sflag:s22] =	ssyncset.done $0x0  }
0x87: {  	[sflag:s22] =	ssyncadd.s32 $0xFFFFC000  }
0x88: {  	_ =	swait.ge [sflag:s21], $0x80  }
0x89: {  	[sflag:s21] =	ssyncset.done $0x0  }
0x8a: {  	[sflag:s21] =	ssyncadd.s32 $0xFFFFFF80  }
0x8b: {  	[spmem:s3] =	stream.indirect.scatter.add.f32 [tilespmem:s23], [sflag:$0x3], $0x80, s24, s18, $0xb8;
	[tilespmem:$0x1E900] =	vst v63  }
0x8c: {  	_ =	swait.ge [sflag:s17], $0x4000  }
0x8d: {  	s26 =	sadd.s32 $0x1, s26;
	[sflag:s17] =	ssyncset.done $0x0  }
0x8e: {  	p0 =	sne.s32 s26, s14;
	[sflag:s17] =	ssyncadd.s32 $0xFFFFC000  }
.Ltmp1:
0x8f: {  	s31 =	sor.u32 $0x1C03, s7;
	[bflag:$0x0] =	sbarrier.arrive $0xFFFF;
	(pc) =	sbr.rel @p0 .LBB2_1-.Ltmp1, $4  }
0x90: {  	[hbm:s13], [sflag:s31] =	dma.local [spmem:s16], $0x2800  }
0x91: {  	_ =	swait.ge [sflag:s17], $0x2800  }
0x92: {  	[sflag:s17] =	ssyncset.done $0x0  }
0x93: {  	[sflag:s17] =	ssyncadd.s32 $0xFFFFD800  }
0x94: {  	_ =	sfence.sel $0x180000  }
0x95: {  	[bflag:$0x0] =	sbarrier.arrive $0xFFFF  }
0x96: {  	_ =	strace $0x9000004D  }
0x97: {  	s0 =	stileid.u32;
	[bflag:$0x2] =	sbarrier.arrive $0xFFFF  }
0x98: {  	p0 =	sne.s32 s0, $0x0;
	s0 =	rddreg [dreg:$0x3]  }
0x99: {  	s0 =	sadd.s32 @!p0 $0x100000, s0  }
0x9a: {  	[sflag:s0] =	ssyncadd.tile.s32 @!p0 $0x1;
	_ =	shalt  }
.Lfunc_end2:
_tile_overlayer_lowered:
.L_overlay_start_2:
0x9b: {  	(tag) =	ssettag $0x2  }
0x9c: {  	s0 =	rddreg [dreg:$0x0];
	s2 =	stileid.u32  }
0x9d: {  	s1 =	rddreg [dreg:$0x1];
	p0 =	sne.s32 s2, $0x0  }
0x9e: {  	s3 =	rddreg [dreg:$0x2];
	[bflag:$0x3] =	sbarrier.arrive $0xFFFF;
	s2 =	simm.s32 @!p0 $0x1C03  }
0x9f: {  	[timem:s3], [sflag:s2] =	dma.local @!p0 [hbm:s0], s1  }
0xa0: {  	s0 =	simm.s32 @!p0 $0x3  }
0xa1: {  	_ =	swait.ge @!p0 [sflag:s0], s1  }
0xa2: {  	s1 =	ssub.s32 @!p0 $0x0, s1;
	[sflag:s0] =	ssyncset.done @!p0 $0x0  }
0xa3: {  	[sflag:s0] =	ssyncadd.s32 @!p0 s1  }
0xa4: {  	[bflag:$0x3] =	sbarrier.arrive $0xFFFF  }
0xa5: {  	_ =	shalt  }

// kernel: kernel.20.cloned.1.call-start
scs
__scs_entry_jumppad:
0x0: {  	(pc) =	sbr.rel $0x88, $3  }
0x1: {  	(tag) =	ssettag $0x0;
	lr =	simm.s32 $0x1  }
0x2: {  	[smem:$0x3F95] =	sst lr;
	_ =	strace $0xD0000000  }
0x3: {  	_ = 	snop  }
0x4: {  	_ = 	snop  }
0x5: {  	_ = 	snop  }
0x6: {  	_ = 	snop  }
0x7: {  	_ = 	snop  }
__scs_overlays_trampoline_lowered:
0x8: {  	[smem:$0x3FA4] =	sst s0  }
0x9: {  	[smem:$0x3FA5] =	sst s1  }
0xa: {  	[smem:$0x3FA6] =	sst s2  }
0xb: {  	[smem:$0x3FA7] =	sst s3  }
0xc: {  	[smem:$0x3FA8] =	sst s4  }
0xd: {  	[smem:$0x3FA9] =	sst s5  }
0xe: {  	[smem:$0x3FAA] =	sst s6  }
0xf: {  	[smem:$0x3FAB] =	sst s7  }
0x10: {  	[smem:$0x3FAC] =	sst s8  }
0x11: {  	[smem:$0x3FAD] =	sst s9;
	s0 =	simm.s32 @!p0 $0x0  }
0x12: {  	s1 =	sld [smem:$0x3F93];
	s0 =	simm.s32 @p0 $0x1  }
0x13: {  	[smem:$0x3FAE] =	sst s0;
	s0 =	simm.s32 @!p1 $0x0  }
0x14: {  	s2 =	sld [smem:$0x3F92];
	s0 =	simm.s32 @p1 $0x1  }
0x15: {  	[smem:$0x3FAF] =	sst s0;
	s0 =	simm.s32 @!p2 $0x0  }
0x16: {  	s3 =	sld [smem:$0x3FDB];
	s0 =	simm.s32 @p2 $0x1  }
0x17: {  	s4 =	simm.s32 $0x1BF5;
	[smem:$0x3FB1] =	sst s0  }
0x18: {  	s0 =	sld [smem:$0x3F94];
	_ =	swait.ge [sflag:s4], $0x0  }
0x19: {  	s7 =	sld [smem:$0x3F95]  }
0x1a: {  	s8 =	sadd.s32 $0xFFFFE003, lr  }
0x1b: {  	s9 =	sadd.s32 $0xFFFFFEF7, lr;
	s5 =	simm.s32 $0xFFFFFFFF;
	p2 =	slt.u32 s8, $0xFFFFF086  }
0x1c: {  	p1 =	slt.u32 s9, $0xF7A;
	s5 =	simm.s32 @!p2 $0x0  }
0x1d: {  	s5 =	simm.s32 @p1 $0x1;
	p0 =	seq.s32 s7, s2  }
0x1e: {  	s7 =	smul.u32 @!p0 $0xF7A, s2;
	p2 =	seq.s32 @!p0 s5, $0x0  }
0x1f: {  	s9 =	smul.u32 $0xF7A, s1;
	s8 =	simm.s32 @!p0 $0x1BF5;
	p2 =	por !p2, p0  }
0x20: {  	[sflag:s8] =	ssyncset.s32 @!p0 $0xFFFFF086;
	s6 =	sadd.s32 @!p0 s3, s7;
	s7 =	simm.s32 @!p0 $0x108  }
0x21: {  	s3 =	sadd.s32 s3, s9;
	s6 =	sadd.s32 @!p0 $0x88, s6;
	s7 =	simm.s32 @p2 $0x1082  }
0x22: {  	[simem:s7], [sflag:s8] =	dma.local @!p0 [hbm:s6], $0xF7A  }
0x23: {  	s9 =	sor.u32 $0xD0000000, s2;
	s6 =	simm.s32 $0x108;
	_ =	swait.ge @!p0 [sflag:s8], $0x0  }
0x24: {  	s3 =	sadd.s32 $0x88, s3;
	s6 =	simm.s32 @!p1 $0x1082;
	[sflag:s4] =	ssyncset.s32 $0xFFFFF086  }
0x25: {  	[simem:s6], [sflag:s4] =	dma.local [hbm:s3], $0xF7A  }
0x26: {  	[smem:$0x3F95] =	sst s1;
	(tag) =	ssettag s2;
	_ =	strace s9  }
0x27: {  	s1 =	sld [smem:$0x3FA5]  }
0x28: {  	s2 =	sld [smem:$0x3FA6]  }
0x29: {  	s4 =	sld [smem:$0x3FA8]  }
0x2a: {  	p0 =	seq.s32 s5, $0x0;
	s5 =	sld [smem:$0x3FA9]  }
0x2b: {  	s6 =	sld [smem:$0x3FAA]  }
0x2c: {  	s7 =	sld [smem:$0x3FAB]  }
0x2d: {  	s3 =	simm.s32 $0x108;
	s8 =	sld [smem:$0x3FAC]  }
0x2e: {  	s3 =	simm.s32 @!p0 $0x1082;
	s9 =	sld [smem:$0x3FAD]  }
0x2f: {  	lr =	sadd.s32 s0, s3;
	s0 =	sld [smem:$0x3FA4]  }
0x30: {  	s3 =	sld [smem:$0x3FA7]  }
0x31: {  	[smem:$0x3FB0] =	sst s10  }
0x32: {  	s10 =	sld [smem:$0x3FAE];
	_ =	sdelay $0x3  }
0x33: {  	p0 =	seq.s32 s10, $0x1;
	s10 =	sld [smem:$0x3FB0];
	_ =	sdelay $0x3  }
0x34: {  	[smem:$0x3FB0] =	sst s10  }
0x35: {  	s10 =	sld [smem:$0x3FAF];
	_ =	sdelay $0x3  }
0x36: {  	p1 =	seq.s32 s10, $0x1;
	s10 =	sld [smem:$0x3FB0];
	_ =	sdelay $0x3  }
0x37: {  	[smem:$0x3FB0] =	sst s10  }
0x38: {  	s10 =	sld [smem:$0x3FB1]  }
0x39: {  	_ = 	snop;
	(pc) =	sbr.ind lr, $3  }
0x3a: {  	_ = 	snop  }
0x3b: {  	_ = 	snop  }
0x3c: {  	p2 =	seq.s32 s10, $0x1;
	s10 =	sld [smem:$0x3FB0]  }
0x3d: {  	_ =	shalt  }
0x3e: {  	_ =	shalt  }
0x3f: {  	_ =	shalt  }
0x40: {  	_ =	shalt  }
0x41: {  	_ =	shalt  }
0x42: {  	_ =	shalt  }
0x43: {  	_ =	shalt  }
0x44: {  	_ =	shalt  }
0x45: {  	_ =	shalt  }
0x46: {  	_ =	shalt  }
0x47: {  	_ =	shalt  }
0x48: {  	_ =	shalt  }
0x49: {  	_ =	shalt  }
0x4a: {  	_ =	shalt  }
0x4b: {  	_ =	shalt  }
0x4c: {  	_ =	shalt  }
0x4d: {  	_ =	shalt  }
0x4e: {  	_ =	shalt  }
0x4f: {  	_ =	shalt  }
0x50: {  	_ =	shalt  }
0x51: {  	_ =	shalt  }
0x52: {  	_ =	shalt  }
0x53: {  	_ =	shalt  }
0x54: {  	_ =	shalt  }
0x55: {  	_ =	shalt  }
0x56: {  	_ =	shalt  }
0x57: {  	_ =	shalt  }
0x58: {  	_ =	shalt  }
0x59: {  	_ =	shalt  }
0x5a: {  	_ =	shalt  }
0x5b: {  	_ =	shalt  }
0x5c: {  	_ =	shalt  }
0x5d: {  	_ =	shalt  }
0x5e: {  	_ =	shalt  }
0x5f: {  	_ =	shalt  }
0x60: {  	_ =	shalt  }
0x61: {  	_ =	shalt  }
0x62: {  	_ =	shalt  }
0x63: {  	_ =	shalt  }
0x64: {  	_ =	shalt  }
0x65: {  	_ =	shalt  }
0x66: {  	_ =	shalt  }
0x67: {  	_ =	shalt  }
0x68: {  	_ =	shalt  }
0x69: {  	_ =	shalt  }
0x6a: {  	_ =	shalt  }
0x6b: {  	_ =	shalt  }
0x6c: {  	_ =	shalt  }
0x6d: {  	_ =	shalt  }
0x6e: {  	_ =	shalt  }
0x6f: {  	_ =	shalt  }
0x70: {  	_ =	shalt  }
0x71: {  	_ =	shalt  }
0x72: {  	_ =	shalt  }
0x73: {  	_ =	shalt  }
0x74: {  	_ =	shalt  }
0x75: {  	_ =	shalt  }
0x76: {  	_ =	shalt  }
0x77: {  	_ =	shalt  }
0x78: {  	_ =	shalt  }
0x79: {  	_ =	shalt  }
0x7a: {  	_ =	shalt  }
0x7b: {  	_ =	shalt  }
0x7c: {  	_ =	shalt  }
0x7d: {  	_ =	shalt  }
0x7e: {  	_ =	shalt  }
0x7f: {  	_ =	shalt  }
0x80: {  	_ =	shalt  }
0x81: {  	_ =	shalt  }
0x82: {  	_ =	shalt  }
0x83: {  	_ =	shalt  }
0x84: {  	_ =	shalt  }
0x85: {  	_ =	shalt  }
0x86: {  	_ =	shalt  }
0x87: {  	_ =	shalt  }
.Lfunc_end0:
.L_simem_size_0:
called_computation.3_lowered:
.L_overlay_start_0:
0x88: {  	s2 =	sld [smem:$0x3FD9]  }
0x89: {  	s3 =	sld [smem:$0x3FFE];
	_ =	sdelay $0x1  }
0x8a: {  	s1 =	srdreg.scid  }
0x8b: {  	s0 =	sand.u32 $0x1, s1  }
0x8c: {  	s17 =	sshll.u32 s0, $0xA;
	s2 =	sadd.s32 s3, s2  }
0x8d: {  	s2 =	sadd.s32 s2, s17  }
0x8e: {  	[smem:$0x3FBC] =	sst s2  }
0x8f: {  	_ = 	snop  }
0x90: {  	s2 =	sld [smem:$0x3FD0];
	(tm) =	ssettm $0x1  }
0x91: {  	s18 =	sld [smem:$0x3FFB];
	_ =	sdelay $0x3  }
0x92: {  	_ =	strace s18  }
0x93: {  	s3 =	sld [smem:$0x3FFC];
	_ =	sdelay $0x3  }
0x94: {  	_ =	strace s3  }
0x95: {  	s3 =	sld [smem:$0x3FFD];
	_ =	sdelay $0x3  }
0x96: {  	_ =	strace s3  }
0x97: {  	_ =	strace $0x8FFFFFFF  }
0x98: {  	s19 =	sld [smem:$0x3FDB];
	_ =	sdelay $0x1  }
0x99: {  	s4 =	simm.s32 $_scs_section_size  }
0x9a: {  	s5 =	simm.s32 $_size__tile_overlayer_lowered;
	s6 =	simm.s32 $_tile_overlayer_lowered  }
0x9b: {  	s22 =	simm.s32 $0x1BFF;
	s21 =	sshll.u32 s6, $0x1;
	s3 =	sadd.s32 s4, s19  }
0x9c: {  	s7 =	simm.s32 $0x0;
	s20 =	sshll.u32 s5, $0x1;
	s5 =	sadd.s32 s21, s3  }
0x9d: {  	[timem:s7], [sflag:s22] =	dma.local [hbm:s5], s20  }
0x9e: {  	_ =	swait.ge [sflag:s22], s20  }
0x9f: {  	s4 =	ssub.s32 $0x0, s20;
	[sflag:s22] =	ssyncset.done $0x0  }
0xa0: {  	[sflag:s22] =	ssyncadd.s32 s4;
	_ =	sdelay $0x1  }
0xa1: {  	s23 =	simm.s32 $0x1B8B  }
0xa2: {  	_ =	swait.ge [sflag:s23], $0x1  }
0xa3: {  	[sflag:s23] =	ssyncset.done $0x0  }
0xa4: {  	s25 =	simm.s32 $0x1B8E;
	s24 =	sld [smem:$0x3FFE];
	[sflag:s23] =	ssyncadd.s32 $0xFFFFFFFF  }
0xa5: {  	s26 =	simm.s32 $execute0_lowered;
	[smem:$0x3FD2] =	sst s25  }
0xa6: {  	s5 =	sshll.u32 s26, $0x1;
	_ =	strace $0x8000004F;
	[dreg:$0x1] =	wrdreg $0xFFFFFFFF  }
0xa7: {  	s28 =	simm.s32 $_size_execute0_lowered;
	s3 =	sadd.s32 s3, s5;
	[dreg:$0x0] =	wrdreg $0x0  }
0xa8: {  	s5 =	sshll.u32 s28, $0x1;
	[dreg:$0x2] =	wrdreg s3  }
0xa9: {  	[dreg:$0x3] =	wrdreg s5  }
0xaa: {  	[dreg:$0x4] =	wrdreg $0xC0  }
0xab: {  	_ =	task [dreg:s7], $0x5FFFF  }
0xac: {  	[dreg:$0x1] =	wrdreg $0xFFFFFFFF  }
0xad: {  	[dreg:$0x0] =	wrdreg $0x60  }
0xae: {  	[dreg:$0x2] =	wrdreg s24  }
0xaf: {  	[dreg:$0x3] =	wrdreg s2  }
0xb0: {  	[dreg:$0x4] =	wrdreg $0xA9000  }
0xb1: {  	[dreg:$0x5] =	wrdreg $0x9  }
0xb2: {  	_ =	task.clear_ibuf [dreg:s7], $0x6FFFF;
	_ =	strace $0x9000004F  }
0xb3: {  	s29 =	simm.s32 $0x9;
	_ =	strace $0x80000051  }
0xb4: {  	_ =	swait.ge [sflag:s29], $0x1  }
0xb5: {  	[sflag:s29] =	ssyncadd.s32 $0xFFFFFFFF  }
0xb6: {  	_ =	strace $0x90000051  }
0xb7: {  	_ =	sfence  }
0xb8: {  	s30 =	sld [smem:$0x0];
	_ =	sdelay $0x2  }
0xb9: {  	s31 =	sshll.u32 s1, $0xD;
	s1 =	sshrl.u32 s1, $0x2  }
0xba: {  	s3 =	sand.u32 $0x4000, s31;
	s1 =	sadd.s32 s1, s30  }
0xbb: {  	s0 =	sor.u32 s3, s0;
	s1 =	sshll.u32 s1, $0x11  }
0xbc: {  	s0 =	sor.u32 s1, s0  }
0xbd: {  	s0 =	sadd.s32 $0x8F2B, s0  }
0xbe: {  	[sflag:s0] =	ssyncadd.remote.s32 $0x1  }
0xbf: {  	_ =	sfence.sel $0xFFFF  }
0xc0: {  	[dreg:$0x0] =	wrdreg $0xFFFFFFFF;
	(pc) =	sbr.abs _section_cstart, $3  }
0xc1: {  	[dreg:$0x1] =	wrdreg $0xFFFFFFFF  }
0xc2: {  	_ =	task.clear_ibuf [dreg:s7], $0x2FFFF;
	_ =	strace $0x9FFFFFFF  }
0xc3: {  	(tm) =	ssettm $0x7FFFFFFF  }
tec
execute0_lowered:
.L_overlay_start_1:
0x0: {  	(tag) =	ssettag $0x1  }
0x1: {  	s0 =	rddreg [dreg:$0x0]  }
0x2: {  	s2 =	rddreg [dreg:$0x1];
	s1 =	srdreg.scid  }
0x3: {  	s3 =	rddreg [dreg:$0x2];
	s15 =	stileid.u32  }
0x4: {  	s4 =	simm.s32 $0x0;
	s17 =	simm.s32 $0x3;
	s18 =	simm.s32 $0x80  }
0x5: {  	s19 =	simm.s32 $0x2900;
	s20 =	simm.s32 $0x2800;
	s21 =	simm.s32 $0x2  }
0x6: {  	s22 =	simm.s32 $0x1;
	s23 =	simm.s32 $0x6900;
	s8 =	smul.u32 $0x14000, s15  }
0x7: {  	s24 =	simm.s32 $0x2880;
	s1 =	sand.u32 $0x1, s1;
	s11 =	smul.u32 $0x50000, s15  }
0x8: {  	s5 =	sshll.u32 s15, $0x1;
	[smem:$0x7FF] =	sst s4;
	s28 =	smul.u32 $0xA00, s15  }
0x9: {  	s25 =	sadd.s32 $0x35800, s0;
	s6 =	smul.u32 $0x140000, s1;
	s7 =	sor.u32 s1, s5  }
0xa: {  	_ =	strace $0x80000050;
	s26 =	ssub.s32 $0x2, s1;
	s1 =	smul.u32 $0x500, s1  }
0xb: {  	s5 =	sadd.s32 $0xD800, s0;
	[dreg:$0x4] =	wrdreg s25;
	s10 =	smul.u32 $0x500, s7  }
0xc: {  	s12 =	sshrl.u32 s26, $0x1;
	s11 =	sshrl.u32 s11, $0x2;
	s13 =	smul.u32 $0x2800, s7  }
0xd: {  	s7 =	sshll.u32 s15, $0x6;
	s6 =	sadd.s32 s8, s6;
	s14 =	ssub.s32 s26, s12  }
0xe: {  	s16 =	sadd.s32 s11, s3;
	s30 =	sor.u32 $0x1C02, s7;
	s12 =	sadd.s32 s1, s28  }
0xf: {  	s26 =	simm.s32 $0x0;
	s9 =	sadd.s32 s10, s0;
	s8 =	sshrl.u32 s6, $0x3  }
0x10: {  	s29 =	sshrl.u32 s13, $0x3;
	[dreg:$0x5] =	wrdreg s30;
	s10 =	sadd.s32 s2, s10  }
0x11: {  	s14 =	smax.u32 s14, $0x1;
	s31 =	sadd.s32 s2, s12;
	s16 =	sshrl.u32 s16, $0x3  }
0x12: {  	s0 =	sadd.s32 s8, s0;
	s9 =	sadd.s32 $0x3800, s9;
	s11 =	sadd.s32 s2, s29  }
0x13: {  	s15 =	sadd.s32 $0x20, s31;
	s11 =	sadd.s32 $0x4F0, s11;
	s13 =	sadd.s32 $0x38000, s0  }
.LBB2_1:
0x14: {  	s0 =	rddreg [dreg:$0x4]  }
0x15: {  	s1 =	rddreg [dreg:$0x5]  }
0x16: {  	[spmem:s16], [sflag:s1] =	dma.local [hbm:s0], $0x2800  }
0x17: {  	[tilespmem:s4], [sflag:$0x3] =	stream.linear.gather [hbm4b:s9+s4], $0x2800, $0x38;
	[tilespmem:$0x1E900] =	vst v63  }
0x18: {  	_ =	swait.ge [sflag:s17], $0x2800  }
0x19: {  	[sflag:s17] =	ssyncset.done $0x0  }
0x1a: {  	[sflag:s17] =	ssyncadd.s32 $0xFFFFD800  }
0x1b: {  	[tilespmem:s19], [sflag:$0x1] =	stream.indirect.gather [hbm4b:s5+s18], $0x80, s4, s18, $0xb8;
	[tilespmem:$0x1E900] =	vst v63  }
0x1c: {  	_ = 	snop  }
0x1d: {  	[tilespmem:s20], [sflag:$0x3] =	stream.linear.gather [hbm4b:s10+s4], $0x80, $0x38;
	[tilespmem:$0x1E900] =	vst v63  }
0x1e: {  	_ =	swait.ge [sflag:s17], $0x80  }
0x1f: {  	[sflag:s17] =	ssyncset.done $0x0  }
0x20: {  	[sflag:s17] =	ssyncadd.s32 $0xFFFFFF80  }
0x21: {  	_ =	swait.ge [sflag:s21], $0x2800  }
0x22: {  	[sflag:s21] =	ssyncset.done $0x0  }
0x23: {  	[sflag:s21] =	ssyncadd.s32 $0xFFFFD800  }
0x24: {  	[bflag:$0x0] =	sbarrier.arrive $0xFFFF  }
0x25: {  	s6 =	sand.u32 $0x60, s4;
	s1 =	sadd.s32 $0x0, s12;
	_ =	swait.ge [sflag:s22], $0x4000  }
0x26: {  	s0 =	sand.u32 $0xFFFFF80, s1;
	s1 =	sadd.s32 s6, s2;
	[sflag:s22] =	ssyncset.done $0x0  }
0x27: {  	s25 =	simm.s32 $0x80;
	s0 =	sadd.s32 s0, s1;
	[sflag:s22] =	ssyncadd.s32 $0xFFFFC000  }
0x28: {  	[tilespmem:s23], [sflag:$0x1] =	stream.indirect.gather [hbm4b:s5+s18], $0x80, s25, s18, $0xb8;
	[tilespmem:$0x1E900] =	vst v63  }
0x29: {  	s0 =	sadd.s32 $0x10, s0  }
0x2a: {  	[tilespmem:s24], [sflag:$0x2] =	stream.linear.gather [hbm4b:s0+s4], $0x80, $0x38;
	[tilespmem:$0x1E900] =	vst v63  }
0x2b: {  	_ = 	snop  }
0x2c: {  	[spmem:s3] =	stream.indirect.scatter.add.f32 [tilespmem:s19], [sflag:$0x3], $0x80, s20, s18, $0xb8;
	[tilespmem:$0x1E900] =	vst v63  }
0x2d: {  	_ =	swait.ge [sflag:s17], $0x4000  }
0x2e: {  	[sflag:s17] =	ssyncset.done $0x0  }
0x2f: {  	[sflag:s17] =	ssyncadd.s32 $0xFFFFC000  }
0x30: {  	_ =	swait.ge [sflag:s22], $0x4000  }
0x31: {  	[sflag:s22] =	ssyncset.done $0x0  }
0x32: {  	[sflag:s22] =	ssyncadd.s32 $0xFFFFC000  }
0x33: {  	_ =	swait.ge [sflag:s21], $0x80  }
0x34: {  	[sflag:s21] =	ssyncset.done $0x0  }
0x35: {  	s8 =	simm.s32 $0x100;
	[sflag:s21] =	ssyncadd.s32 $0xFFFFFF80  }
0x36: {  	[tilespmem:s19], [sflag:$0x1] =	stream.indirect.gather [hbm4b:s5+s18], $0x80, s8, s18, $0xb8;
	[tilespmem:$0x1E900] =	vst v63  }
0x37: {  	s25 =	sadd.s32 $0x0, s15  }
0x38: {  	[tilespmem:s20], [sflag:$0x2] =	stream.linear.gather [hbm4b:s25+s4], $0x80, $0x38;
	[tilespmem:$0x1E900] =	vst v63  }
0x39: {  	_ = 	snop  }
0x3a: {  	[spmem:s3] =	stream.indirect.scatter.add.f32 [tilespmem:s23], [sflag:$0x3], $0x80, s24, s18, $0xb8;
	[tilespmem:$0x1E900] =	vst v63  }
0x3b: {  	_ =	swait.ge [sflag:s17], $0x4000  }
0x3c: {  	[sflag:s17] =	ssyncset.done $0x0  }
0x3d: {  	[sflag:s17] =	ssyncadd.s32 $0xFFFFC000  }
0x3e: {  	s28 =	simm.s32 $0x20;
	_ =	swait.ge [sflag:s22], $0x4000  }
0x3f: {  	s29 =	simm.s32 $0x200;
	s30 =	simm.s32 $0x180;
	[sflag:s22] =	ssyncset.done $0x0  }
0x40: {  	s31 =	simm.s32 $0x40;
	s1 =	sadd.s32 $0x20, s12;
	[sflag:s22] =	ssyncadd.s32 $0xFFFFC000  }
0x41: {  	s0 =	simm.s32 $0x300;
	s25 =	sand.u32 $0x60, s28;
	_ =	swait.ge [sflag:s21], $0x80  }
.LBB2_2:
0x42: {  	s1 =	sand.u32 $0xFFFFF80, s1  }
0x43: {  	s25 =	sadd.s32 s25, s2;
	[sflag:s21] =	ssyncset.done $0x0;
	s6 =	smov.u32 s31  }
0x44: {  	s8 =	sadd.s32 $0xFFFFFF80, s0;
	s1 =	sadd.s32 s1, s25;
	[sflag:s21] =	ssyncadd.s32 $0xFFFFFF80  }
0x45: {  	[tilespmem:s23], [sflag:$0x1] =	stream.indirect.gather [hbm4b:s5+s18], $0x80, s30, s18, $0xb8;
	[tilespmem:$0x1E900] =	vst v63  }
0x46: {  	p0 =	sne.s32 s31, $0x4C0;
	s31 =	sadd.s32 $0x20, s31;
	s1 =	sadd.s32 $0x10, s1  }
0x47: {  	[tilespmem:s24], [sflag:$0x2] =	stream.linear.gather [hbm4b:s1+s4], $0x80, $0x38;
	[tilespmem:$0x1E900] =	vst v63  }
0x48: {  	s30 =	smov.u32 s8  }
0x49: {  	[spmem:s3] =	stream.indirect.scatter.add.f32 [tilespmem:s19], [sflag:$0x3], $0x80, s20, s18, $0xb8;
	[tilespmem:$0x1E900] =	vst v63  }
0x4a: {  	_ =	swait.ge [sflag:s17], $0x4000  }
0x4b: {  	[sflag:s17] =	ssyncset.done $0x0  }
0x4c: {  	[sflag:s17] =	ssyncadd.s32 $0xFFFFC000  }
0x4d: {  	_ =	swait.ge [sflag:s22], $0x4000  }
0x4e: {  	[sflag:s22] =	ssyncset.done $0x0  }
0x4f: {  	[sflag:s22] =	ssyncadd.s32 $0xFFFFC000  }
0x50: {  	_ =	swait.ge [sflag:s21], $0x80  }
0x51: {  	[sflag:s21] =	ssyncset.done $0x0  }
0x52: {  	s1 =	sadd.s32 s28, s15;
	s28 =	smov.u32 s6;
	[sflag:s21] =	ssyncadd.s32 $0xFFFFFF80  }
0x53: {  	[tilespmem:s19], [sflag:$0x1] =	stream.indirect.gather [hbm4b:s5+s18], $0x80, s29, s18, $0xb8;
	[tilespmem:$0x1E900] =	vst v63  }
0x54: {  	s29 =	smov.u32 s0  }
0x55: {  	[tilespmem:s20], [sflag:$0x2] =	stream.linear.gather [hbm4b:s1+s4], $0x80, $0x38;
	[tilespmem:$0x1E900] =	vst v63  }
0x56: {  	_ = 	snop  }
0x57: {  	[spmem:s3] =	stream.indirect.scatter.add.f32 [tilespmem:s23], [sflag:$0x3], $0x80, s24, s18, $0xb8;
	[tilespmem:$0x1E900] =	vst v63  }
0x58: {  	_ =	swait.ge [sflag:s17], $0x4000  }
0x59: {  	[sflag:s17] =	ssyncset.done $0x0  }
.Ltmp0:
0x5a: {  	[sflag:s17] =	ssyncadd.s32 $0xFFFFC000;
	(pc) =	sbr.rel @p0 .LBB2_2-.Ltmp0, $4  }
0x5b: {  	_ =	swait.ge [sflag:s22], $0x4000  }
0x5c: {  	[sflag:s22] =	ssyncset.done $0x0  }
0x5d: {  	s0 =	sadd.s32 $0x100, s0;
	[sflag:s22] =	ssyncadd.s32 $0xFFFFC000  }
0x5e: {  	s25 =	sand.u32 $0x60, s28;
	s1 =	sadd.s32 s28, s12;
	_ =	swait.ge [sflag:s21], $0x80  }
0x5f: {  	s0 =	sand.u32 $0xFFFFF80, s1;
	s25 =	sadd.s32 s25, s2;
	[sflag:s21] =	ssyncset.done $0x0  }
0x60: {  	s0 =	sadd.s32 s0, s25;
	[sflag:s21] =	ssyncadd.s32 $0xFFFFFF80  }
0x61: {  	[tilespmem:s23], [sflag:$0x1] =	stream.indirect.gather [hbm4b:s5+s18], $0x80, s30, s18, $0xb8;
	[tilespmem:$0x1E900] =	vst v63  }
0x62: {  	s0 =	sadd.s32 $0x10, s0  }
0x63: {  	[tilespmem:s24], [sflag:$0x2] =	stream.linear.gather [hbm4b:s0+s4], $0x80, $0x38;
	[tilespmem:$0x1E900] =	vst v63  }
0x64: {  	_ = 	snop  }
0x65: {  	[spmem:s3] =	stream.indirect.scatter.add.f32 [tilespmem:s19], [sflag:$0x3], $0x80, s20, s18, $0xb8;
	[tilespmem:$0x1E900] =	vst v63  }
0x66: {  	_ =	swait.ge [sflag:s17], $0x4000  }
0x67: {  	[sflag:s17] =	ssyncset.done $0x0  }
0x68: {  	[sflag:s17] =	ssyncadd.s32 $0xFFFFC000  }
0x69: {  	_ =	swait.ge [sflag:s22], $0x4000  }
0x6a: {  	[sflag:s22] =	ssyncset.done $0x0  }
0x6b: {  	[sflag:s22] =	ssyncadd.s32 $0xFFFFC000  }
0x6c: {  	_ =	swait.ge [sflag:s21], $0x80  }
0x6d: {  	[sflag:s21] =	ssyncset.done $0x0  }
0x6e: {  	[sflag:s21] =	ssyncadd.s32 $0xFFFFFF80  }
0x6f: {  	[tilespmem:s19], [sflag:$0x1] =	stream.indirect.gather [hbm4b:s5+s18], $0x80, s29, s18, $0xb8;
	[tilespmem:$0x1E900] =	vst v63  }
0x70: {  	s29 =	sadd.s32 s28, s15  }
0x71: {  	[tilespmem:s20], [sflag:$0x2] =	stream.linear.gather [hbm4b:s29+s4], $0x80, $0x38;
	[tilespmem:$0x1E900] =	vst v63  }
0x72: {  	_ = 	snop  }
0x73: {  	[spmem:s3] =	stream.indirect.scatter.add.f32 [tilespmem:s23], [sflag:$0x3], $0x80, s24, s18, $0xb8;
	[tilespmem:$0x1E900] =	vst v63  }
0x74: {  	_ =	swait.ge [sflag:s17], $0x4000  }
0x75: {  	[sflag:s17] =	ssyncset.done $0x0  }
0x76: {  	[sflag:s17] =	ssyncadd.s32 $0xFFFFC000  }
0x77: {  	_ =	swait.ge [sflag:s22], $0x4000  }
0x78: {  	[sflag:s22] =	ssyncset.done $0x0  }
0x79: {  	[sflag:s22] =	ssyncadd.s32 $0xFFFFC000  }
0x7a: {  	_ =	swait.ge [sflag:s21], $0x80  }
0x7b: {  	[sflag:s21] =	ssyncset.done $0x0  }
0x7c: {  	s30 =	simm.s32 $0x2780;
	[sflag:s21] =	ssyncadd.s32 $0xFFFFFF80  }
0x7d: {  	[tilespmem:s23], [sflag:$0x1] =	stream.indirect.gather [hbm4b:s5+s18], $0x80, s30, s18, $0xb8;
	[tilespmem:$0x1E900] =	vst v63  }
0x7e: {  	_ = 	snop  }
0x7f: {  	[tilespmem:s24], [sflag:$0x2] =	stream.linear.gather [hbm4b:s11+s4], $0x80, $0x38;
	[tilespmem:$0x1E900] =	vst v63  }
0x80: {  	_ = 	snop  }
0x81: {  	[spmem:s3] =	stream.indirect.scatter.add.f32 [tilespmem:s19], [sflag:$0x3], $0x80, s20, s18, $0xb8;
	[tilespmem:$0x1E900] =	vst v63  }
0x82: {  	_ =	swait.ge [sflag:s17], $0x4000  }
0x83: {  	[sflag:s17] =	ssyncset.done $0x0  }
0x84: {  	[sflag:s17] =	ssyncadd.s32 $0xFFFFC000  }
0x85: {  	_ =	swait.ge [sflag:s22], $0x4000  }
0x86: {  	[sflag:s22] =	ssyncset.done $0x0  }
0x87: {  	[sflag:s22] =	ssyncadd.s32 $0xFFFFC000  }
0x88: {  	_ =	swait.ge [sflag:s21], $0x80  }
0x89: {  	[sflag:s21] =	ssyncset.done $0x0  }
0x8a: {  	[sflag:s21] =	ssyncadd.s32 $0xFFFFFF80  }
0x8b: {  	[spmem:s3] =	stream.indirect.scatter.add.f32 [tilespmem:s23], [sflag:$0x3], $0x80, s24, s18, $0xb8;
	[tilespmem:$0x1E900] =	vst v63  }
0x8c: {  	_ =	swait.ge [sflag:s17], $0x4000  }
0x8d: {  	s26 =	sadd.s32 $0x1, s26;
	[sflag:s17] =	ssyncset.done $0x0  }
0x8e: {  	p0 =	sne.s32 s26, s14;
	[sflag:s17] =	ssyncadd.s32 $0xFFFFC000  }
.Ltmp1:
0x8f: {  	s31 =	sor.u32 $0x1C03, s7;
	[bflag:$0x0] =	sbarrier.arrive $0xFFFF;
	(pc) =	sbr.rel @p0 .LBB2_1-.Ltmp1, $4  }
0x90: {  	[hbm:s13], [sflag:s31] =	dma.local [spmem:s16], $0x2800  }
0x91: {  	_ =	swait.ge [sflag:s17], $0x2800  }
0x92: {  	[sflag:s17] =	ssyncset.done $0x0  }
0x93: {  	[sflag:s17] =	ssyncadd.s32 $0xFFFFD800  }
0x94: {  	_ =	sfence.sel $0x180000  }
0x95: {  	[bflag:$0x0] =	sbarrier.arrive $0xFFFF  }
0x96: {  	_ =	strace $0x90000050  }
0x97: {  	s0 =	stileid.u32;
	[bflag:$0x2] =	sbarrier.arrive $0xFFFF  }
0x98: {  	p0 =	sne.s32 s0, $0x0;
	s0 =	rddreg [dreg:$0x3]  }
0x99: {  	s0 =	sadd.s32 @!p0 $0x100000, s0  }
0x9a: {  	[sflag:s0] =	ssyncadd.tile.s32 @!p0 $0x1;
	_ =	shalt  }
.Lfunc_end2:
_tile_overlayer_lowered:
.L_overlay_start_2:
0x9b: {  	(tag) =	ssettag $0x2  }
0x9c: {  	s0 =	rddreg [dreg:$0x0];
	s2 =	stileid.u32  }
0x9d: {  	s1 =	rddreg [dreg:$0x1];
	p0 =	sne.s32 s2, $0x0  }
0x9e: {  	s3 =	rddreg [dreg:$0x2];
	[bflag:$0x3] =	sbarrier.arrive $0xFFFF;
	s2 =	simm.s32 @!p0 $0x1C03  }
0x9f: {  	[timem:s3], [sflag:s2] =	dma.local @!p0 [hbm:s0], s1  }
0xa0: {  	s0 =	simm.s32 @!p0 $0x3  }
0xa1: {  	_ =	swait.ge @!p0 [sflag:s0], s1  }
0xa2: {  	s1 =	ssub.s32 @!p0 $0x0, s1;
	[sflag:s0] =	ssyncset.done @!p0 $0x0  }
0xa3: {  	[sflag:s0] =	ssyncadd.s32 @!p0 s1  }
0xa4: {  	[bflag:$0x3] =	sbarrier.arrive $0xFFFF  }
0xa5: {  	_ =	shalt  }

</sc_bundles>
